<compile_context>
chip_gen: v7x
topology: tpu7x:2x2x1
jax: 0.10.2.dev20260603
libtpu: 0.0.44.dev20260713+nightly
codegen_flags: <defaults>
</compile_context>

<pallas_src>
import functools

import jax
import jax.numpy as jnp
from jax import lax
from jax.experimental import pallas as pl
from jax.experimental.pallas import tpu as pltpu
from jax.experimental.pallas import tpu_sc as plsc

N = 10000
D = 128
G = 64
L = 3

NC = 2
NS = 16
NW = NC * NS
K = 128
EPT = 10240
EPAD = NW * EPT
CHUNKS = EPT // K
ACC_ROWS = 10112
ZROWS = ACC_ROWS // NS



NBUF = 2
TCH = EPAD // K
CPT = TCH // NW
CH_R = 40


def _segsum_body(h_hbm, src_hbm, dst_hbm, zeros_hbm,
                 out0_hbm, out1_hbm,
                 acc, src2d, dst2d, rows0, rows1, gsem, ssem):
    rows = [rows0, rows1]
    c = lax.axis_index("c")
    s = lax.axis_index("s")
    wid = s * NC + c

    pltpu.sync_copy(zeros_hbm, acc.at[pl.ds(s * ZROWS, ZROWS)])
    plsc.subcore_barrier()

    def run_edges():
        for half in range(CPT // CH_R):
            pltpu.sync_copy(src_hbm.at[wid, half], src2d)
            pltpu.sync_copy(dst_hbm.at[wid, half], dst2d)
            for b in range(NBUF):
                pltpu.async_copy(h_hbm.at[src2d.at[b]], rows[b], gsem)

            def body(j, carry2):
                i0 = j * NBUF
                for b in range(NBUF):
                    i = i0 + b
                    pltpu.make_async_copy(h_hbm.at[src2d.at[i]], rows[b],
                                          gsem).wait()
                    pltpu.async_copy(rows[b], acc.at[dst2d.at[i]], ssem,
                                     add=True)
                for b in range(NBUF):
                    i = i0 + b
                    pltpu.make_async_copy(rows[b], acc.at[dst2d.at[i]],
                                          ssem).wait()

                    @pl.when(i + NBUF < CH_R)
                    def _():
                        pltpu.async_copy(h_hbm.at[src2d.at[i + NBUF]],
                                         rows[b], gsem)

                return carry2

            lax.fori_loop(0, CH_R // NBUF, body, 0)

    run_edges()
    plsc.subcore_barrier()

    @pl.when(c == 0)
    def _():
        pltpu.sync_copy(acc.at[pl.ds(s * ZROWS, ZROWS)],
                        out0_hbm.at[pl.ds(s * ZROWS, ZROWS)])

    @pl.when(c == 1)
    def _():
        pltpu.sync_copy(acc.at[pl.ds(s * ZROWS, ZROWS)],
                        out1_hbm.at[pl.ds(s * ZROWS, ZROWS)])


def _make_segsum():
    mesh = plsc.VectorSubcoreMesh(core_axis_name="c", subcore_axis_name="s")
    return pl.kernel(
        _segsum_body,
        out_type=[jax.ShapeDtypeStruct((ACC_ROWS, D), jnp.float32),
                  jax.ShapeDtypeStruct((ACC_ROWS, D), jnp.float32)],
        mesh=mesh,
        scratch_types=[
            pltpu.VMEM_SHARED((ACC_ROWS, D), jnp.float32),
            pltpu.VMEM((CH_R, K), jnp.int32),
            pltpu.VMEM((CH_R, K), jnp.int32),
            pltpu.VMEM((K, D), jnp.float32),
            pltpu.VMEM((K, D), jnp.float32),
            pltpu.SemaphoreType.DMA,
            pltpu.SemaphoreType.DMA,
        ],
    )



NB = 10
BR = N // NB


def _mlp_body(h_ref, a0_ref, a1_ref, w1_ref, b1_ref, w2_ref, b2_ref,
              z_ref, sum_ref, sq_ref):
    @pl.when(pl.program_id(0) == 0)
    def _():
        sum_ref[...] = jnp.zeros_like(sum_ref)
        sq_ref[...] = jnp.zeros_like(sq_ref)

    z = h_ref[...] + a0_ref[...] + a1_ref[...]
    z1 = jnp.maximum(
        jnp.dot(z, w1_ref[...], preferred_element_type=jnp.float32)
        + b1_ref[...], 0.0)
    z2 = (jnp.dot(z1, w2_ref[...], preferred_element_type=jnp.float32)
          + b2_ref[...])
    z_ref[...] = z2
    z3 = z2.reshape(BR // 8, 8, D)
    sum_ref[...] += jnp.sum(z3, axis=0)
    sq_ref[...] += jnp.sum(z3 * z3, axis=0)


def _mlp(h, a0, a1, w1, b1, w2, b2):
    row = pl.BlockSpec((BR, D), lambda i: (i, 0))
    full = pl.BlockSpec((D, D), lambda i: (0, 0))
    vec = pl.BlockSpec((1, D), lambda i: (0, 0))
    stat = pl.BlockSpec((8, D), lambda i: (0, 0))
    return pl.pallas_call(
        _mlp_body,
        grid=(NB,),
        in_specs=[row, row, row, full, vec, full, vec],
        out_specs=[row, stat, stat],
        out_shape=[jax.ShapeDtypeStruct((N, D), jnp.float32),
                   jax.ShapeDtypeStruct((8, D), jnp.float32),
                   jax.ShapeDtypeStruct((8, D), jnp.float32)],
    )(h, a0, a1, w1, b1.reshape(1, D), w2, b2.reshape(1, D))


def _bn_body(z_ref, sum_ref, sq_ref, gamma_ref, beta_ref, out_ref):
    ssum = jnp.sum(sum_ref[...], axis=0, keepdims=True)
    ssq = jnp.sum(sq_ref[...], axis=0, keepdims=True)
    mu = ssum / N
    var = ssq / N - mu * mu
    inv = gamma_ref[...] * lax.rsqrt(var + 1e-5)
    out_ref[...] = jnp.maximum((z_ref[...] - mu) * inv + beta_ref[...], 0.0)


def _bn(z, ssum, ssq, gamma, beta):
    row = pl.BlockSpec((BR, D), lambda i: (i, 0))
    stat = pl.BlockSpec((8, D), lambda i: (0, 0))
    vec = pl.BlockSpec((1, D), lambda i: (0, 0))
    return pl.pallas_call(
        _bn_body,
        grid=(NB,),
        in_specs=[row, stat, stat, vec, vec],
        out_specs=row,
        out_shape=jax.ShapeDtypeStruct((N, D), jnp.float32),
    )(z, ssum, ssq, gamma.reshape(1, D), beta.reshape(1, D))


def _pool_body(h_ref, batch_ref, wp_ref, bp_ref, out_ref):
    gids = lax.broadcasted_iota(jnp.int32, (G, N), 0)
    onehot = (batch_ref[...] == gids).astype(jnp.float32)
    sums = jnp.dot(onehot, h_ref[...], preferred_element_type=jnp.float32,
                   precision=lax.Precision.HIGHEST)
    cnts = jnp.sum(onehot, axis=1, keepdims=True)
    hg = sums / jnp.maximum(cnts, 1.0)
    out_ref[...] = (jnp.dot(hg, wp_ref[...], preferred_element_type=jnp.float32)
                    + bp_ref[...])


def _pool(h, batch, wp, bp):
    return pl.pallas_call(
        _pool_body,
        out_shape=jax.ShapeDtypeStruct((G, D), jnp.float32),
    )(h, batch.reshape(1, N), wp, bp.reshape(1, D))



def kernel(x, edge_index, batch,
           W1_0, b1_0, W2_0, b2_0, gamma_0, beta_0,
           W1_1, b1_1, W2_1, b2_1, gamma_1, beta_1,
           W1_2, b1_2, W2_2, b2_2, gamma_2, beta_2,
           Wp, bp):
    E = edge_index.shape[1]
    pad = EPAD - E
    src = jnp.concatenate([edge_index[0], jnp.zeros((pad,), jnp.int32)])
    dst = jnp.concatenate([edge_index[1], jnp.full((pad,), N, jnp.int32)])
    src = src.reshape(NW, CPT // CH_R, CH_R, K)
    dst = dst.reshape(NW, CPT // CH_R, CH_R, K)
    zeros = jnp.zeros((ZROWS, D), jnp.float32)

    segsum = _make_segsum()
    params = [(W1_0, b1_0, W2_0, b2_0, gamma_0, beta_0),
              (W1_1, b1_1, W2_1, b2_1, gamma_1, beta_1),
              (W1_2, b1_2, W2_2, b2_2, gamma_2, beta_2)]

    h = x
    for l in range(L):
        w1, b1, w2, b2, gamma, beta = params[l]
        a0, a1 = segsum(h, src, dst, zeros)
        z, ssum, ssq = _mlp(h, a0[:N], a1[:N], w1, b1, w2, b2)
        h = _bn(z, ssum, ssq, gamma, beta)
    return _pool(h, batch, Wp, bp)

# --- scband reference (transcript-rebuilt; emitter-appended) ---
"""Pipeline reference for scband-ginencoder-27333171871744 (READ-ONLY COPY).

The authoritative reference and input builder live on the scoring server;
editing this copy changes nothing except your own understanding.
"""

import jax, jax.numpy as jnp
import numpy as np

N = 10000
E = 320000
IN = 128
H = 128
OUT = 128
G = 64
L = 3


def setup_inputs(seed: int = 0) -> dict:
    key = jax.random.key(seed)
    ks = jax.random.split(key, 32)
    inp = {}
    inp["x"] = jax.random.normal(ks[0], (N, IN), jnp.float32)
    inp["edge_index"] = jax.random.randint(ks[1], (2, E), 0, N, dtype=jnp.int32)
    inp["batch"] = jnp.sort(jax.random.randint(ks[2], (N,), 0, G, dtype=jnp.int32))
    kidx = 3
    for l in range(L):
        in_c = IN if l == 0 else H
        inp[f"W1_{l}"] = jax.random.normal(ks[kidx], (in_c, H), jnp.float32) * (1.0 / np.sqrt(in_c)); kidx += 1
        inp[f"b1_{l}"] = jnp.zeros((H,), jnp.float32)
        inp[f"W2_{l}"] = jax.random.normal(ks[kidx], (H, H), jnp.float32) * (1.0 / np.sqrt(H)); kidx += 1
        inp[f"b2_{l}"] = jnp.zeros((H,), jnp.float32)
        inp[f"gamma_{l}"] = jnp.ones((H,), jnp.float32)
        inp[f"beta_{l}"] = jnp.zeros((H,), jnp.float32)
    inp["Wp"] = jax.random.normal(ks[kidx], (H, OUT), jnp.float32) * (1.0 / np.sqrt(H))
    inp["bp"] = jnp.zeros((OUT,), jnp.float32)
    return inp


def _forward(x, edge_index, batch, params):
    # GINConv (eps=0): h_i' = MLP((1+eps)*h_i + sum_{j in N(i)} h_j)
    src = edge_index[0]
    dst = edge_index[1]
    h = x
    for l in range(L):
        W1, b1, W2, b2, gamma, beta = params[l]
        agg = jax.ops.segment_sum(h[src], dst, num_segments=N)
        z = h + agg
        z = jnp.maximum(z @ W1 + b1, 0.0)
        z = z @ W2 + b2
        # BatchNorm1d (training-mode batch statistics)
        mu = jnp.mean(z, axis=0)
        var = jnp.var(z, axis=0)
        z = gamma * (z - mu) * jax.lax.rsqrt(var + 1e-5) + beta
        h = jnp.maximum(z, 0.0)
    # global_mean_pool over graph ids
    sums = jax.ops.segment_sum(h, batch, num_segments=G)
    cnts = jax.ops.segment_sum(jnp.ones((N,), jnp.float32), batch, num_segments=G)
    hg = sums / jnp.maximum(cnts, 1.0)[:, None]
    Wp, bp = params[L]
    return hg @ Wp + bp


def reference(x, edge_index, batch,
              W1_0, b1_0, W2_0, b2_0, gamma_0, beta_0,
              W1_1, b1_1, W2_1, b2_1, gamma_1, beta_1,
              W1_2, b1_2, W2_2, b2_2, gamma_2, beta_2,
              Wp, bp):
    params = [
        (W1_0, b1_0, W2_0, b2_0, gamma_0, beta_0),
        (W1_1, b1_1, W2_1, b2_1, gamma_1, beta_1),
        (W1_2, b1_2, W2_2, b2_2, gamma_2, beta_2),
        (Wp, bp),
    ]
    return _forward(x, edge_index, batch, params)

if __name__ == "__main__":
    import jax
    _d = setup_inputs()
    print(jax.jit(kernel)(*tuple(_d.values())))

</pallas_src>

<mosaic_0001>
#map = affine_map<(d0, d1) -> (0, 0)>
#map1 = affine_map<(d0, d1) -> (0, 0, 0, 0)>
module attributes {stable_mosaic.version = 14 : i64} {
  func.func @_segsum_body(%arg0: i32, %arg1: i32, %arg2: memref<10000x128xf32, #tpu.memory_space<hbm>>, %arg3: memref<32x2x40x128xi32, #tpu.memory_space<hbm>>, %arg4: memref<32x2x40x128xi32, #tpu.memory_space<hbm>>, %arg5: memref<632x128xf32, #tpu.memory_space<hbm>>, %arg6: memref<10112x128xf32, #tpu.memory_space<hbm>>, %arg7: memref<10112x128xf32, #tpu.memory_space<hbm>>, %arg8: memref<10112x128xf32, #tpu.memory_space<vmem_shared>>, %arg9: memref<40x128xi32, #tpu.memory_space<vmem>>, %arg10: memref<40x128xi32, #tpu.memory_space<vmem>>, %arg11: memref<128x128xf32, #tpu.memory_space<vmem>>, %arg12: memref<128x128xf32, #tpu.memory_space<vmem>>, %arg13: memref<!tpu.dma_semaphore, #tpu.memory_space<semaphore_mem>>, %arg14: memref<!tpu.dma_semaphore, #tpu.memory_space<semaphore_mem>>) attributes {dimension_semantics = [#tpu.dimension_semantics<core_parallel>, #tpu.dimension_semantics<subcore_parallel>], iteration_bounds = array<i64: 2, 16>, scalar_prefetch = 0 : i64, scratch_operands = 7 : i64, tpu.core_type = #tpu.core_type<sc_vector_subcore>, window_params = [{transform_indices = #map}, {transform_indices = #map1}, {transform_indices = #map1}, {transform_indices = #map}, {transform_indices = #map}, {transform_indices = #map}]} {
    %mul3A = arith.constant 2 : i32
    %mul3A_0 = arith.muli %arg1, %mul3A : i32
    %add3A = arith.addi %mul3A_0, %arg0 : i32
    %mul3A_1 = arith.constant 632 : i32
    %mul3A_2 = arith.muli %arg1, %mul3A_1 : i32
    "tpu.region"() ({
      %run_scoped3A_52 = tpu.sem_alloc : memref<!tpu.dma_semaphore, #tpu.memory_space<semaphore_mem>>
      %dma_start3A_53 = arith.constant 0 : i32
      %dma_start3A_54 = tpu.memref_slice %arg8[%mul3A_2, %dma_start3A_53] : memref<10112x128xf32, #tpu.memory_space<vmem_shared>> -> memref<632x128xf32, #tpu.memory_space<vmem_shared>>
      tpu.enqueue_dma source(%arg5 : memref<632x128xf32, #tpu.memory_space<hbm>>) target(%dma_start3A_54 : memref<632x128xf32, #tpu.memory_space<vmem_shared>>) target_semaphore(%run_scoped3A_52 : memref<!tpu.dma_semaphore, #tpu.memory_space<semaphore_mem>>)
      %dma_wait3A = arith.constant 0 : i32
      %dma_wait3A_55 = tpu.memref_slice %arg8[%mul3A_2, %dma_wait3A] : memref<10112x128xf32, #tpu.memory_space<vmem_shared>> -> memref<632x128xf32, #tpu.memory_space<vmem_shared>>
      tpu.wait_dma2 semaphore(%run_scoped3A_52 : memref<!tpu.dma_semaphore, #tpu.memory_space<semaphore_mem>>) src(%arg5 : memref<632x128xf32, #tpu.memory_space<hbm>>) dst(%dma_wait3A_55 : memref<632x128xf32, #tpu.memory_space<vmem_shared>>)
      tpu.yield
    }) : () -> ()
    %barrier3A = arith.constant 0 : index
    tpu.barrier barrier_id(%barrier3A)
    %run_scoped3A = arith.constant 0 : i32
    "tpu.region"() ({
      %run_scoped3A_52 = tpu.sem_alloc : memref<!tpu.dma_semaphore, #tpu.memory_space<semaphore_mem>>
      %dma_start3A_53 = arith.constant 0 : i32
      %dma_start3A_54 = arith.constant 0 : i32
      %dma_start3A_55 = tpu.memref_slice %arg3[%add3A, %run_scoped3A, %dma_start3A_53, %dma_start3A_54] : memref<32x2x40x128xi32, #tpu.memory_space<hbm>> -> memref<1x1x40x128xi32, #tpu.memory_space<hbm>>
      %dma_start3A_56 = tpu.memref_squeeze %dma_start3A_55 : memref<1x1x40x128xi32, #tpu.memory_space<hbm>> -> memref<40x128xi32, #tpu.memory_space<hbm>>
      %dma_start3A_57 = arith.constant 0 : i32
      %dma_start3A_58 = arith.constant 0 : i32
      %dma_start3A_59 = tpu.memref_slice %arg3[%add3A, %run_scoped3A, %dma_start3A_57, %dma_start3A_58] : memref<32x2x40x128xi32, #tpu.memory_space<hbm>> -> memref<1x1x40x128xi32, #tpu.memory_space<hbm>>
      %dma_start3A_60 = tpu.memref_squeeze %dma_start3A_59 : memref<1x1x40x128xi32, #tpu.memory_space<hbm>> -> memref<40x128xi32, #tpu.memory_space<hbm>>
      tpu.enqueue_dma source(%dma_start3A_60 : memref<40x128xi32, #tpu.memory_space<hbm>>) target(%arg9 : memref<40x128xi32, #tpu.memory_space<vmem>>) target_semaphore(%run_scoped3A_52 : memref<!tpu.dma_semaphore, #tpu.memory_space<semaphore_mem>>)
      %dma_wait3A = arith.constant 0 : i32
      %dma_wait3A_61 = arith.constant 0 : i32
      %dma_wait3A_62 = tpu.memref_slice %arg3[%add3A, %run_scoped3A, %dma_wait3A, %dma_wait3A_61] : memref<32x2x40x128xi32, #tpu.memory_space<hbm>> -> memref<1x1x40x128xi32, #tpu.memory_space<hbm>>
      %dma_wait3A_63 = tpu.memref_squeeze %dma_wait3A_62 : memref<1x1x40x128xi32, #tpu.memory_space<hbm>> -> memref<40x128xi32, #tpu.memory_space<hbm>>
      %dma_wait3A_64 = arith.constant 0 : i32
      %dma_wait3A_65 = arith.constant 0 : i32
      %dma_wait3A_66 = tpu.memref_slice %arg3[%add3A, %run_scoped3A, %dma_wait3A_64, %dma_wait3A_65] : memref<32x2x40x128xi32, #tpu.memory_space<hbm>> -> memref<1x1x40x128xi32, #tpu.memory_space<hbm>>
      %dma_wait3A_67 = tpu.memref_squeeze %dma_wait3A_66 : memref<1x1x40x128xi32, #tpu.memory_space<hbm>> -> memref<40x128xi32, #tpu.memory_space<hbm>>
      tpu.wait_dma2 semaphore(%run_scoped3A_52 : memref<!tpu.dma_semaphore, #tpu.memory_space<semaphore_mem>>) src(%dma_wait3A_67 : memref<40x128xi32, #tpu.memory_space<hbm>>) dst(%arg9 : memref<40x128xi32, #tpu.memory_space<vmem>>)
      tpu.yield
    }) : () -> ()
    %run_scoped3A_3 = arith.constant 0 : i32
    "tpu.region"() ({
      %run_scoped3A_52 = tpu.sem_alloc : memref<!tpu.dma_semaphore, #tpu.memory_space<semaphore_mem>>
      %dma_start3A_53 = arith.constant 0 : i32
      %dma_start3A_54 = arith.constant 0 : i32
      %dma_start3A_55 = tpu.memref_slice %arg4[%add3A, %run_scoped3A_3, %dma_start3A_53, %dma_start3A_54] : memref<32x2x40x128xi32, #tpu.memory_space<hbm>> -> memref<1x1x40x128xi32, #tpu.memory_space<hbm>>
      %dma_start3A_56 = tpu.memref_squeeze %dma_start3A_55 : memref<1x1x40x128xi32, #tpu.memory_space<hbm>> -> memref<40x128xi32, #tpu.memory_space<hbm>>
      %dma_start3A_57 = arith.constant 0 : i32
      %dma_start3A_58 = arith.constant 0 : i32
      %dma_start3A_59 = tpu.memref_slice %arg4[%add3A, %run_scoped3A_3, %dma_start3A_57, %dma_start3A_58] : memref<32x2x40x128xi32, #tpu.memory_space<hbm>> -> memref<1x1x40x128xi32, #tpu.memory_space<hbm>>
      %dma_start3A_60 = tpu.memref_squeeze %dma_start3A_59 : memref<1x1x40x128xi32, #tpu.memory_space<hbm>> -> memref<40x128xi32, #tpu.memory_space<hbm>>
      tpu.enqueue_dma source(%dma_start3A_60 : memref<40x128xi32, #tpu.memory_space<hbm>>) target(%arg10 : memref<40x128xi32, #tpu.memory_space<vmem>>) target_semaphore(%run_scoped3A_52 : memref<!tpu.dma_semaphore, #tpu.memory_space<semaphore_mem>>)
      %dma_wait3A = arith.constant 0 : i32
      %dma_wait3A_61 = arith.constant 0 : i32
      %dma_wait3A_62 = tpu.memref_slice %arg4[%add3A, %run_scoped3A_3, %dma_wait3A, %dma_wait3A_61] : memref<32x2x40x128xi32, #tpu.memory_space<hbm>> -> memref<1x1x40x128xi32, #tpu.memory_space<hbm>>
      %dma_wait3A_63 = tpu.memref_squeeze %dma_wait3A_62 : memref<1x1x40x128xi32, #tpu.memory_space<hbm>> -> memref<40x128xi32, #tpu.memory_space<hbm>>
      %dma_wait3A_64 = arith.constant 0 : i32
      %dma_wait3A_65 = arith.constant 0 : i32
      %dma_wait3A_66 = tpu.memref_slice %arg4[%add3A, %run_scoped3A_3, %dma_wait3A_64, %dma_wait3A_65] : memref<32x2x40x128xi32, #tpu.memory_space<hbm>> -> memref<1x1x40x128xi32, #tpu.memory_space<hbm>>
      %dma_wait3A_67 = tpu.memref_squeeze %dma_wait3A_66 : memref<1x1x40x128xi32, #tpu.memory_space<hbm>> -> memref<40x128xi32, #tpu.memory_space<hbm>>
      tpu.wait_dma2 semaphore(%run_scoped3A_52 : memref<!tpu.dma_semaphore, #tpu.memory_space<semaphore_mem>>) src(%dma_wait3A_67 : memref<40x128xi32, #tpu.memory_space<hbm>>) dst(%arg10 : memref<40x128xi32, #tpu.memory_space<vmem>>)
      tpu.yield
    }) : () -> ()
    %dma_start3A = arith.constant 0 : i32
    %dma_start3A_4 = arith.constant 0 : i32
    %dma_start3A_5 = tpu.memref_slice %arg9[%dma_start3A, %dma_start3A_4] : memref<40x128xi32, #tpu.memory_space<vmem>> -> memref<1x128xi32, #tpu.memory_space<vmem>>
    %dma_start3A_6 = tpu.memref_squeeze %dma_start3A_5 : memref<1x128xi32, #tpu.memory_space<vmem>> -> memref<128xi32, #tpu.memory_space<vmem>>
    %dma_start3A_7 = arith.constant 0 : i32
    %dma_start3A_8 = arith.constant 0 : i32
    %dma_start3A_9 = tpu.memref_slice %arg2[%dma_start3A_7, %dma_start3A_8] : memref<10000x128xf32, #tpu.memory_space<hbm>> -> memref<10000x128xf32, #tpu.memory_space<hbm>>
    tpu.enqueue_indirect_dma source(%dma_start3A_9 : memref<10000x128xf32, #tpu.memory_space<hbm>>) target(%arg11 : memref<128x128xf32, #tpu.memory_space<vmem>>) offsets(%dma_start3A_6 : memref<128xi32, #tpu.memory_space<vmem>>) semaphore(%arg13 : memref<!tpu.dma_semaphore, #tpu.memory_space<semaphore_mem>>)
    %dma_start3A_10 = arith.constant 1 : i32
    %dma_start3A_11 = arith.constant 0 : i32
    %dma_start3A_12 = tpu.memref_slice %arg9[%dma_start3A_10, %dma_start3A_11] : memref<40x128xi32, #tpu.memory_space<vmem>> -> memref<1x128xi32, #tpu.memory_space<vmem>>
    %dma_start3A_13 = tpu.memref_squeeze %dma_start3A_12 : memref<1x128xi32, #tpu.memory_space<vmem>> -> memref<128xi32, #tpu.memory_space<vmem>>
    %dma_start3A_14 = arith.constant 0 : i32
    %dma_start3A_15 = arith.constant 0 : i32
    %dma_start3A_16 = tpu.memref_slice %arg2[%dma_start3A_14, %dma_start3A_15] : memref<10000x128xf32, #tpu.memory_space<hbm>> -> memref<10000x128xf32, #tpu.memory_space<hbm>>
    tpu.enqueue_indirect_dma source(%dma_start3A_16 : memref<10000x128xf32, #tpu.memory_space<hbm>>) target(%arg12 : memref<128x128xf32, #tpu.memory_space<vmem>>) offsets(%dma_start3A_13 : memref<128xi32, #tpu.memory_space<vmem>>) semaphore(%arg13 : memref<!tpu.dma_semaphore, #tpu.memory_space<semaphore_mem>>)
    %scan3A = arith.constant 0 : i32
    %scan3A_17 = arith.constant 0 : i32
    %scan3A_18 = arith.constant 20 : i32
    %scan3A_19 = arith.addi %scan3A_17, %scan3A_18 : i32
    %scan3A_20 = arith.constant 1 : i32
    scf.for %scan3A_52 = %scan3A_17 to %scan3A_19 step %scan3A_20  : i32 {
      %mul3A_53 = arith.constant 2 : i32
      %mul3A_54 = arith.muli %scan3A_52, %mul3A_53 : i32
      %add3A_55 = arith.constant 0 : i32
      %add3A_56 = arith.addi %mul3A_54, %add3A_55 : i32
      %dma_wait3A = arith.constant 0 : i32
      %dma_wait3A_57 = tpu.memref_slice %arg9[%add3A_56, %dma_wait3A] : memref<40x128xi32, #tpu.memory_space<vmem>> -> memref<1x128xi32, #tpu.memory_space<vmem>>
      %dma_wait3A_58 = tpu.memref_squeeze %dma_wait3A_57 : memref<1x128xi32, #tpu.memory_space<vmem>> -> memref<128xi32, #tpu.memory_space<vmem>>
      %dma_wait3A_59 = arith.constant 0 : i32
      %dma_wait3A_60 = arith.constant 0 : i32
      %dma_wait3A_61 = tpu.memref_slice %arg2[%dma_wait3A_59, %dma_wait3A_60] : memref<10000x128xf32, #tpu.memory_space<hbm>> -> memref<10000x128xf32, #tpu.memory_space<hbm>>
      tpu.wait_indirect_dma semaphore(%arg13 : memref<!tpu.dma_semaphore, #tpu.memory_space<semaphore_mem>>) src(%dma_wait3A_61 : memref<10000x128xf32, #tpu.memory_space<hbm>>) dst(%arg11 : memref<128x128xf32, #tpu.memory_space<vmem>>)
      %dma_start3A_62 = arith.constant 0 : i32
      %dma_start3A_63 = tpu.memref_slice %arg10[%add3A_56, %dma_start3A_62] : memref<40x128xi32, #tpu.memory_space<vmem>> -> memref<1x128xi32, #tpu.memory_space<vmem>>
      %dma_start3A_64 = tpu.memref_squeeze %dma_start3A_63 : memref<1x128xi32, #tpu.memory_space<vmem>> -> memref<128xi32, #tpu.memory_space<vmem>>
      %dma_start3A_65 = arith.constant 0 : i32
      %dma_start3A_66 = arith.constant 0 : i32
      %dma_start3A_67 = tpu.memref_slice %arg8[%dma_start3A_65, %dma_start3A_66] : memref<10112x128xf32, #tpu.memory_space<vmem_shared>> -> memref<10112x128xf32, #tpu.memory_space<vmem_shared>>
      tpu.enqueue_indirect_dma source(%arg11 : memref<128x128xf32, #tpu.memory_space<vmem>>) target(%dma_start3A_67 : memref<10112x128xf32, #tpu.memory_space<vmem_shared>>) offsets(%dma_start3A_64 : memref<128xi32, #tpu.memory_space<vmem>>) semaphore(%arg14 : memref<!tpu.dma_semaphore, #tpu.memory_space<semaphore_mem>>) {add = true}
      %add3A_68 = arith.constant 1 : i32
      %add3A_69 = arith.addi %mul3A_54, %add3A_68 : i32
      %dma_wait3A_70 = arith.constant 0 : i32
      %dma_wait3A_71 = tpu.memref_slice %arg9[%add3A_69, %dma_wait3A_70] : memref<40x128xi32, #tpu.memory_space<vmem>> -> memref<1x128xi32, #tpu.memory_space<vmem>>
      %dma_wait3A_72 = tpu.memref_squeeze %dma_wait3A_71 : memref<1x128xi32, #tpu.memory_space<vmem>> -> memref<128xi32, #tpu.memory_space<vmem>>
      %dma_wait3A_73 = arith.constant 0 : i32
      %dma_wait3A_74 = arith.constant 0 : i32
      %dma_wait3A_75 = tpu.memref_slice %arg2[%dma_wait3A_73, %dma_wait3A_74] : memref<10000x128xf32, #tpu.memory_space<hbm>> -> memref<10000x128xf32, #tpu.memory_space<hbm>>
      tpu.wait_indirect_dma semaphore(%arg13 : memref<!tpu.dma_semaphore, #tpu.memory_space<semaphore_mem>>) src(%dma_wait3A_75 : memref<10000x128xf32, #tpu.memory_space<hbm>>) dst(%arg12 : memref<128x128xf32, #tpu.memory_space<vmem>>)
      %dma_start3A_76 = arith.constant 0 : i32
      %dma_start3A_77 = tpu.memref_slice %arg10[%add3A_69, %dma_start3A_76] : memref<40x128xi32, #tpu.memory_space<vmem>> -> memref<1x128xi32, #tpu.memory_space<vmem>>
      %dma_start3A_78 = tpu.memref_squeeze %dma_start3A_77 : memref<1x128xi32, #tpu.memory_space<vmem>> -> memref<128xi32, #tpu.memory_space<vmem>>
      %dma_start3A_79 = arith.constant 0 : i32
      %dma_start3A_80 = arith.constant 0 : i32
      %dma_start3A_81 = tpu.memref_slice %arg8[%dma_start3A_79, %dma_start3A_80] : memref<10112x128xf32, #tpu.memory_space<vmem_shared>> -> memref<10112x128xf32, #tpu.memory_space<vmem_shared>>
      tpu.enqueue_indirect_dma source(%arg12 : memref<128x128xf32, #tpu.memory_space<vmem>>) target(%dma_start3A_81 : memref<10112x128xf32, #tpu.memory_space<vmem_shared>>) offsets(%dma_start3A_78 : memref<128xi32, #tpu.memory_space<vmem>>) semaphore(%arg14 : memref<!tpu.dma_semaphore, #tpu.memory_space<semaphore_mem>>) {add = true}
      %add3A_82 = arith.constant 0 : i32
      %add3A_83 = arith.addi %mul3A_54, %add3A_82 : i32
      %dma_wait3A_84 = arith.constant 0 : i32
      %dma_wait3A_85 = tpu.memref_slice %arg10[%add3A_83, %dma_wait3A_84] : memref<40x128xi32, #tpu.memory_space<vmem>> -> memref<1x128xi32, #tpu.memory_space<vmem>>
      %dma_wait3A_86 = tpu.memref_squeeze %dma_wait3A_85 : memref<1x128xi32, #tpu.memory_space<vmem>> -> memref<128xi32, #tpu.memory_space<vmem>>
      %dma_wait3A_87 = arith.constant 0 : i32
      %dma_wait3A_88 = arith.constant 0 : i32
      %dma_wait3A_89 = tpu.memref_slice %arg8[%dma_wait3A_87, %dma_wait3A_88] : memref<10112x128xf32, #tpu.memory_space<vmem_shared>> -> memref<10112x128xf32, #tpu.memory_space<vmem_shared>>
      tpu.wait_indirect_dma semaphore(%arg14 : memref<!tpu.dma_semaphore, #tpu.memory_space<semaphore_mem>>) src(%arg11 : memref<128x128xf32, #tpu.memory_space<vmem>>) dst(%dma_wait3A_89 : memref<10112x128xf32, #tpu.memory_space<vmem_shared>>)
      %add3A_90 = arith.constant 2 : i32
      %add3A_91 = arith.addi %add3A_83, %add3A_90 : i32
      %lt3A = arith.constant 40 : i32
      %lt3A_92 = arith.cmpi slt, %add3A_91, %lt3A : i32
      %convert_element_type3A_93 = arith.extui %lt3A_92 : i1 to i32
      %cond3A_94 = arith.constant 0 : i32
      %cond3A_95 = arith.cmpi ne, %convert_element_type3A_93, %cond3A_94 : i32
      scf.if %cond3A_95 {
        %add3A_111 = arith.constant 2 : i32
        %add3A_112 = arith.addi %add3A_83, %add3A_111 : i32
        %dma_start3A_113 = arith.constant 0 : i32
        %dma_start3A_114 = tpu.memref_slice %arg9[%add3A_112, %dma_start3A_113] : memref<40x128xi32, #tpu.memory_space<vmem>> -> memref<1x128xi32, #tpu.memory_space<vmem>>
        %dma_start3A_115 = tpu.memref_squeeze %dma_start3A_114 : memref<1x128xi32, #tpu.memory_space<vmem>> -> memref<128xi32, #tpu.memory_space<vmem>>
        %dma_start3A_116 = arith.constant 0 : i32
        %dma_start3A_117 = arith.constant 0 : i32
        %dma_start3A_118 = tpu.memref_slice %arg2[%dma_start3A_116, %dma_start3A_117] : memref<10000x128xf32, #tpu.memory_space<hbm>> -> memref<10000x128xf32, #tpu.memory_space<hbm>>
        tpu.enqueue_indirect_dma source(%dma_start3A_118 : memref<10000x128xf32, #tpu.memory_space<hbm>>) target(%arg11 : memref<128x128xf32, #tpu.memory_space<vmem>>) offsets(%dma_start3A_115 : memref<128xi32, #tpu.memory_space<vmem>>) semaphore(%arg13 : memref<!tpu.dma_semaphore, #tpu.memory_space<semaphore_mem>>)
      } else {
      }
      %add3A_96 = arith.constant 1 : i32
      %add3A_97 = arith.addi %mul3A_54, %add3A_96 : i32
      %dma_wait3A_98 = arith.constant 0 : i32
      %dma_wait3A_99 = tpu.memref_slice %arg10[%add3A_97, %dma_wait3A_98] : memref<40x128xi32, #tpu.memory_space<vmem>> -> memref<1x128xi32, #tpu.memory_space<vmem>>
      %dma_wait3A_100 = tpu.memref_squeeze %dma_wait3A_99 : memref<1x128xi32, #tpu.memory_space<vmem>> -> memref<128xi32, #tpu.memory_space<vmem>>
      %dma_wait3A_101 = arith.constant 0 : i32
      %dma_wait3A_102 = arith.constant 0 : i32
      %dma_wait3A_103 = tpu.memref_slice %arg8[%dma_wait3A_101, %dma_wait3A_102] : memref<10112x128xf32, #tpu.memory_space<vmem_shared>> -> memref<10112x128xf32, #tpu.memory_space<vmem_shared>>
      tpu.wait_indirect_dma semaphore(%arg14 : memref<!tpu.dma_semaphore, #tpu.memory_space<semaphore_mem>>) src(%arg12 : memref<128x128xf32, #tpu.memory_space<vmem>>) dst(%dma_wait3A_103 : memref<10112x128xf32, #tpu.memory_space<vmem_shared>>)
      %add3A_104 = arith.constant 2 : i32
      %add3A_105 = arith.addi %add3A_97, %add3A_104 : i32
      %lt3A_106 = arith.constant 40 : i32
      %lt3A_107 = arith.cmpi slt, %add3A_105, %lt3A_106 : i32
      %convert_element_type3A_108 = arith.extui %lt3A_107 : i1 to i32
      %cond3A_109 = arith.constant 0 : i32
      %cond3A_110 = arith.cmpi ne, %convert_element_type3A_108, %cond3A_109 : i32
      scf.if %cond3A_110 {
        %add3A_111 = arith.constant 2 : i32
        %add3A_112 = arith.addi %add3A_97, %add3A_111 : i32
        %dma_start3A_113 = arith.constant 0 : i32
        %dma_start3A_114 = tpu.memref_slice %arg9[%add3A_112, %dma_start3A_113] : memref<40x128xi32, #tpu.memory_space<vmem>> -> memref<1x128xi32, #tpu.memory_space<vmem>>
        %dma_start3A_115 = tpu.memref_squeeze %dma_start3A_114 : memref<1x128xi32, #tpu.memory_space<vmem>> -> memref<128xi32, #tpu.memory_space<vmem>>
        %dma_start3A_116 = arith.constant 0 : i32
        %dma_start3A_117 = arith.constant 0 : i32
        %dma_start3A_118 = tpu.memref_slice %arg2[%dma_start3A_116, %dma_start3A_117] : memref<10000x128xf32, #tpu.memory_space<hbm>> -> memref<10000x128xf32, #tpu.memory_space<hbm>>
        tpu.enqueue_indirect_dma source(%dma_start3A_118 : memref<10000x128xf32, #tpu.memory_space<hbm>>) target(%arg12 : memref<128x128xf32, #tpu.memory_space<vmem>>) offsets(%dma_start3A_115 : memref<128xi32, #tpu.memory_space<vmem>>) semaphore(%arg13 : memref<!tpu.dma_semaphore, #tpu.memory_space<semaphore_mem>>)
      } else {
      }
    }
    %scan3A_21 = arith.constant 20 : i32
    %run_scoped3A_22 = arith.constant 1 : i32
    "tpu.region"() ({
      %run_scoped3A_52 = tpu.sem_alloc : memref<!tpu.dma_semaphore, #tpu.memory_space<semaphore_mem>>
      %dma_start3A_53 = arith.constant 0 : i32
      %dma_start3A_54 = arith.constant 0 : i32
      %dma_start3A_55 = tpu.memref_slice %arg3[%add3A, %run_scoped3A_22, %dma_start3A_53, %dma_start3A_54] : memref<32x2x40x128xi32, #tpu.memory_space<hbm>> -> memref<1x1x40x128xi32, #tpu.memory_space<hbm>>
      %dma_start3A_56 = tpu.memref_squeeze %dma_start3A_55 : memref<1x1x40x128xi32, #tpu.memory_space<hbm>> -> memref<40x128xi32, #tpu.memory_space<hbm>>
      %dma_start3A_57 = arith.constant 0 : i32
      %dma_start3A_58 = arith.constant 0 : i32
      %dma_start3A_59 = tpu.memref_slice %arg3[%add3A, %run_scoped3A_22, %dma_start3A_57, %dma_start3A_58] : memref<32x2x40x128xi32, #tpu.memory_space<hbm>> -> memref<1x1x40x128xi32, #tpu.memory_space<hbm>>
      %dma_start3A_60 = tpu.memref_squeeze %dma_start3A_59 : memref<1x1x40x128xi32, #tpu.memory_space<hbm>> -> memref<40x128xi32, #tpu.memory_space<hbm>>
      tpu.enqueue_dma source(%dma_start3A_60 : memref<40x128xi32, #tpu.memory_space<hbm>>) target(%arg9 : memref<40x128xi32, #tpu.memory_space<vmem>>) target_semaphore(%run_scoped3A_52 : memref<!tpu.dma_semaphore, #tpu.memory_space<semaphore_mem>>)
      %dma_wait3A = arith.constant 0 : i32
      %dma_wait3A_61 = arith.constant 0 : i32
      %dma_wait3A_62 = tpu.memref_slice %arg3[%add3A, %run_scoped3A_22, %dma_wait3A, %dma_wait3A_61] : memref<32x2x40x128xi32, #tpu.memory_space<hbm>> -> memref<1x1x40x128xi32, #tpu.memory_space<hbm>>
      %dma_wait3A_63 = tpu.memref_squeeze %dma_wait3A_62 : memref<1x1x40x128xi32, #tpu.memory_space<hbm>> -> memref<40x128xi32, #tpu.memory_space<hbm>>
      %dma_wait3A_64 = arith.constant 0 : i32
      %dma_wait3A_65 = arith.constant 0 : i32
      %dma_wait3A_66 = tpu.memref_slice %arg3[%add3A, %run_scoped3A_22, %dma_wait3A_64, %dma_wait3A_65] : memref<32x2x40x128xi32, #tpu.memory_space<hbm>> -> memref<1x1x40x128xi32, #tpu.memory_space<hbm>>
      %dma_wait3A_67 = tpu.memref_squeeze %dma_wait3A_66 : memref<1x1x40x128xi32, #tpu.memory_space<hbm>> -> memref<40x128xi32, #tpu.memory_space<hbm>>
      tpu.wait_dma2 semaphore(%run_scoped3A_52 : memref<!tpu.dma_semaphore, #tpu.memory_space<semaphore_mem>>) src(%dma_wait3A_67 : memref<40x128xi32, #tpu.memory_space<hbm>>) dst(%arg9 : memref<40x128xi32, #tpu.memory_space<vmem>>)
      tpu.yield
    }) : () -> ()
    %run_scoped3A_23 = arith.constant 1 : i32
    "tpu.region"() ({
      %run_scoped3A_52 = tpu.sem_alloc : memref<!tpu.dma_semaphore, #tpu.memory_space<semaphore_mem>>
      %dma_start3A_53 = arith.constant 0 : i32
      %dma_start3A_54 = arith.constant 0 : i32
      %dma_start3A_55 = tpu.memref_slice %arg4[%add3A, %run_scoped3A_23, %dma_start3A_53, %dma_start3A_54] : memref<32x2x40x128xi32, #tpu.memory_space<hbm>> -> memref<1x1x40x128xi32, #tpu.memory_space<hbm>>
      %dma_start3A_56 = tpu.memref_squeeze %dma_start3A_55 : memref<1x1x40x128xi32, #tpu.memory_space<hbm>> -> memref<40x128xi32, #tpu.memory_space<hbm>>
      %dma_start3A_57 = arith.constant 0 : i32
      %dma_start3A_58 = arith.constant 0 : i32
      %dma_start3A_59 = tpu.memref_slice %arg4[%add3A, %run_scoped3A_23, %dma_start3A_57, %dma_start3A_58] : memref<32x2x40x128xi32, #tpu.memory_space<hbm>> -> memref<1x1x40x128xi32, #tpu.memory_space<hbm>>
      %dma_start3A_60 = tpu.memref_squeeze %dma_start3A_59 : memref<1x1x40x128xi32, #tpu.memory_space<hbm>> -> memref<40x128xi32, #tpu.memory_space<hbm>>
      tpu.enqueue_dma source(%dma_start3A_60 : memref<40x128xi32, #tpu.memory_space<hbm>>) target(%arg10 : memref<40x128xi32, #tpu.memory_space<vmem>>) target_semaphore(%run_scoped3A_52 : memref<!tpu.dma_semaphore, #tpu.memory_space<semaphore_mem>>)
      %dma_wait3A = arith.constant 0 : i32
      %dma_wait3A_61 = arith.constant 0 : i32
      %dma_wait3A_62 = tpu.memref_slice %arg4[%add3A, %run_scoped3A_23, %dma_wait3A, %dma_wait3A_61] : memref<32x2x40x128xi32, #tpu.memory_space<hbm>> -> memref<1x1x40x128xi32, #tpu.memory_space<hbm>>
      %dma_wait3A_63 = tpu.memref_squeeze %dma_wait3A_62 : memref<1x1x40x128xi32, #tpu.memory_space<hbm>> -> memref<40x128xi32, #tpu.memory_space<hbm>>
      %dma_wait3A_64 = arith.constant 0 : i32
      %dma_wait3A_65 = arith.constant 0 : i32
      %dma_wait3A_66 = tpu.memref_slice %arg4[%add3A, %run_scoped3A_23, %dma_wait3A_64, %dma_wait3A_65] : memref<32x2x40x128xi32, #tpu.memory_space<hbm>> -> memref<1x1x40x128xi32, #tpu.memory_space<hbm>>
      %dma_wait3A_67 = tpu.memref_squeeze %dma_wait3A_66 : memref<1x1x40x128xi32, #tpu.memory_space<hbm>> -> memref<40x128xi32, #tpu.memory_space<hbm>>
      tpu.wait_dma2 semaphore(%run_scoped3A_52 : memref<!tpu.dma_semaphore, #tpu.memory_space<semaphore_mem>>) src(%dma_wait3A_67 : memref<40x128xi32, #tpu.memory_space<hbm>>) dst(%arg10 : memref<40x128xi32, #tpu.memory_space<vmem>>)
      tpu.yield
    }) : () -> ()
    %dma_start3A_24 = arith.constant 0 : i32
    %dma_start3A_25 = arith.constant 0 : i32
    %dma_start3A_26 = tpu.memref_slice %arg9[%dma_start3A_24, %dma_start3A_25] : memref<40x128xi32, #tpu.memory_space<vmem>> -> memref<1x128xi32, #tpu.memory_space<vmem>>
    %dma_start3A_27 = tpu.memref_squeeze %dma_start3A_26 : memref<1x128xi32, #tpu.memory_space<vmem>> -> memref<128xi32, #tpu.memory_space<vmem>>
    %dma_start3A_28 = arith.constant 0 : i32
    %dma_start3A_29 = arith.constant 0 : i32
    %dma_start3A_30 = tpu.memref_slice %arg2[%dma_start3A_28, %dma_start3A_29] : memref<10000x128xf32, #tpu.memory_space<hbm>> -> memref<10000x128xf32, #tpu.memory_space<hbm>>
    tpu.enqueue_indirect_dma source(%dma_start3A_30 : memref<10000x128xf32, #tpu.memory_space<hbm>>) target(%arg11 : memref<128x128xf32, #tpu.memory_space<vmem>>) offsets(%dma_start3A_27 : memref<128xi32, #tpu.memory_space<vmem>>) semaphore(%arg13 : memref<!tpu.dma_semaphore, #tpu.memory_space<semaphore_mem>>)
    %dma_start3A_31 = arith.constant 1 : i32
    %dma_start3A_32 = arith.constant 0 : i32
    %dma_start3A_33 = tpu.memref_slice %arg9[%dma_start3A_31, %dma_start3A_32] : memref<40x128xi32, #tpu.memory_space<vmem>> -> memref<1x128xi32, #tpu.memory_space<vmem>>
    %dma_start3A_34 = tpu.memref_squeeze %dma_start3A_33 : memref<1x128xi32, #tpu.memory_space<vmem>> -> memref<128xi32, #tpu.memory_space<vmem>>
    %dma_start3A_35 = arith.constant 0 : i32
    %dma_start3A_36 = arith.constant 0 : i32
    %dma_start3A_37 = tpu.memref_slice %arg2[%dma_start3A_35, %dma_start3A_36] : memref<10000x128xf32, #tpu.memory_space<hbm>> -> memref<10000x128xf32, #tpu.memory_space<hbm>>
    tpu.enqueue_indirect_dma source(%dma_start3A_37 : memref<10000x128xf32, #tpu.memory_space<hbm>>) target(%arg12 : memref<128x128xf32, #tpu.memory_space<vmem>>) offsets(%dma_start3A_34 : memref<128xi32, #tpu.memory_space<vmem>>) semaphore(%arg13 : memref<!tpu.dma_semaphore, #tpu.memory_space<semaphore_mem>>)
    %scan3A_38 = arith.constant 0 : i32
    %scan3A_39 = arith.constant 0 : i32
    %scan3A_40 = arith.constant 20 : i32
    %scan3A_41 = arith.addi %scan3A_39, %scan3A_40 : i32
    %scan3A_42 = arith.constant 1 : i32
    scf.for %scan3A_52 = %scan3A_39 to %scan3A_41 step %scan3A_42  : i32 {
      %mul3A_53 = arith.constant 2 : i32
      %mul3A_54 = arith.muli %scan3A_52, %mul3A_53 : i32
      %add3A_55 = arith.constant 0 : i32
      %add3A_56 = arith.addi %mul3A_54, %add3A_55 : i32
      %dma_wait3A = arith.constant 0 : i32
      %dma_wait3A_57 = tpu.memref_slice %arg9[%add3A_56, %dma_wait3A] : memref<40x128xi32, #tpu.memory_space<vmem>> -> memref<1x128xi32, #tpu.memory_space<vmem>>
      %dma_wait3A_58 = tpu.memref_squeeze %dma_wait3A_57 : memref<1x128xi32, #tpu.memory_space<vmem>> -> memref<128xi32, #tpu.memory_space<vmem>>
      %dma_wait3A_59 = arith.constant 0 : i32
      %dma_wait3A_60 = arith.constant 0 : i32
      %dma_wait3A_61 = tpu.memref_slice %arg2[%dma_wait3A_59, %dma_wait3A_60] : memref<10000x128xf32, #tpu.memory_space<hbm>> -> memref<10000x128xf32, #tpu.memory_space<hbm>>
      tpu.wait_indirect_dma semaphore(%arg13 : memref<!tpu.dma_semaphore, #tpu.memory_space<semaphore_mem>>) src(%dma_wait3A_61 : memref<10000x128xf32, #tpu.memory_space<hbm>>) dst(%arg11 : memref<128x128xf32, #tpu.memory_space<vmem>>)
      %dma_start3A_62 = arith.constant 0 : i32
      %dma_start3A_63 = tpu.memref_slice %arg10[%add3A_56, %dma_start3A_62] : memref<40x128xi32, #tpu.memory_space<vmem>> -> memref<1x128xi32, #tpu.memory_space<vmem>>
      %dma_start3A_64 = tpu.memref_squeeze %dma_start3A_63 : memref<1x128xi32, #tpu.memory_space<vmem>> -> memref<128xi32, #tpu.memory_space<vmem>>
      %dma_start3A_65 = arith.constant 0 : i32
      %dma_start3A_66 = arith.constant 0 : i32
      %dma_start3A_67 = tpu.memref_slice %arg8[%dma_start3A_65, %dma_start3A_66] : memref<10112x128xf32, #tpu.memory_space<vmem_shared>> -> memref<10112x128xf32, #tpu.memory_space<vmem_shared>>
      tpu.enqueue_indirect_dma source(%arg11 : memref<128x128xf32, #tpu.memory_space<vmem>>) target(%dma_start3A_67 : memref<10112x128xf32, #tpu.memory_space<vmem_shared>>) offsets(%dma_start3A_64 : memref<128xi32, #tpu.memory_space<vmem>>) semaphore(%arg14 : memref<!tpu.dma_semaphore, #tpu.memory_space<semaphore_mem>>) {add = true}
      %add3A_68 = arith.constant 1 : i32
      %add3A_69 = arith.addi %mul3A_54, %add3A_68 : i32
      %dma_wait3A_70 = arith.constant 0 : i32
      %dma_wait3A_71 = tpu.memref_slice %arg9[%add3A_69, %dma_wait3A_70] : memref<40x128xi32, #tpu.memory_space<vmem>> -> memref<1x128xi32, #tpu.memory_space<vmem>>
      %dma_wait3A_72 = tpu.memref_squeeze %dma_wait3A_71 : memref<1x128xi32, #tpu.memory_space<vmem>> -> memref<128xi32, #tpu.memory_space<vmem>>
      %dma_wait3A_73 = arith.constant 0 : i32
      %dma_wait3A_74 = arith.constant 0 : i32
      %dma_wait3A_75 = tpu.memref_slice %arg2[%dma_wait3A_73, %dma_wait3A_74] : memref<10000x128xf32, #tpu.memory_space<hbm>> -> memref<10000x128xf32, #tpu.memory_space<hbm>>
      tpu.wait_indirect_dma semaphore(%arg13 : memref<!tpu.dma_semaphore, #tpu.memory_space<semaphore_mem>>) src(%dma_wait3A_75 : memref<10000x128xf32, #tpu.memory_space<hbm>>) dst(%arg12 : memref<128x128xf32, #tpu.memory_space<vmem>>)
      %dma_start3A_76 = arith.constant 0 : i32
      %dma_start3A_77 = tpu.memref_slice %arg10[%add3A_69, %dma_start3A_76] : memref<40x128xi32, #tpu.memory_space<vmem>> -> memref<1x128xi32, #tpu.memory_space<vmem>>
      %dma_start3A_78 = tpu.memref_squeeze %dma_start3A_77 : memref<1x128xi32, #tpu.memory_space<vmem>> -> memref<128xi32, #tpu.memory_space<vmem>>
      %dma_start3A_79 = arith.constant 0 : i32
      %dma_start3A_80 = arith.constant 0 : i32
      %dma_start3A_81 = tpu.memref_slice %arg8[%dma_start3A_79, %dma_start3A_80] : memref<10112x128xf32, #tpu.memory_space<vmem_shared>> -> memref<10112x128xf32, #tpu.memory_space<vmem_shared>>
      tpu.enqueue_indirect_dma source(%arg12 : memref<128x128xf32, #tpu.memory_space<vmem>>) target(%dma_start3A_81 : memref<10112x128xf32, #tpu.memory_space<vmem_shared>>) offsets(%dma_start3A_78 : memref<128xi32, #tpu.memory_space<vmem>>) semaphore(%arg14 : memref<!tpu.dma_semaphore, #tpu.memory_space<semaphore_mem>>) {add = true}
      %add3A_82 = arith.constant 0 : i32
      %add3A_83 = arith.addi %mul3A_54, %add3A_82 : i32
      %dma_wait3A_84 = arith.constant 0 : i32
      %dma_wait3A_85 = tpu.memref_slice %arg10[%add3A_83, %dma_wait3A_84] : memref<40x128xi32, #tpu.memory_space<vmem>> -> memref<1x128xi32, #tpu.memory_space<vmem>>
      %dma_wait3A_86 = tpu.memref_squeeze %dma_wait3A_85 : memref<1x128xi32, #tpu.memory_space<vmem>> -> memref<128xi32, #tpu.memory_space<vmem>>
      %dma_wait3A_87 = arith.constant 0 : i32
      %dma_wait3A_88 = arith.constant 0 : i32
      %dma_wait3A_89 = tpu.memref_slice %arg8[%dma_wait3A_87, %dma_wait3A_88] : memref<10112x128xf32, #tpu.memory_space<vmem_shared>> -> memref<10112x128xf32, #tpu.memory_space<vmem_shared>>
      tpu.wait_indirect_dma semaphore(%arg14 : memref<!tpu.dma_semaphore, #tpu.memory_space<semaphore_mem>>) src(%arg11 : memref<128x128xf32, #tpu.memory_space<vmem>>) dst(%dma_wait3A_89 : memref<10112x128xf32, #tpu.memory_space<vmem_shared>>)
      %add3A_90 = arith.constant 2 : i32
      %add3A_91 = arith.addi %add3A_83, %add3A_90 : i32
      %lt3A = arith.constant 40 : i32
      %lt3A_92 = arith.cmpi slt, %add3A_91, %lt3A : i32
      %convert_element_type3A_93 = arith.extui %lt3A_92 : i1 to i32
      %cond3A_94 = arith.constant 0 : i32
      %cond3A_95 = arith.cmpi ne, %convert_element_type3A_93, %cond3A_94 : i32
      scf.if %cond3A_95 {
        %add3A_111 = arith.constant 2 : i32
        %add3A_112 = arith.addi %add3A_83, %add3A_111 : i32
        %dma_start3A_113 = arith.constant 0 : i32
        %dma_start3A_114 = tpu.memref_slice %arg9[%add3A_112, %dma_start3A_113] : memref<40x128xi32, #tpu.memory_space<vmem>> -> memref<1x128xi32, #tpu.memory_space<vmem>>
        %dma_start3A_115 = tpu.memref_squeeze %dma_start3A_114 : memref<1x128xi32, #tpu.memory_space<vmem>> -> memref<128xi32, #tpu.memory_space<vmem>>
        %dma_start3A_116 = arith.constant 0 : i32
        %dma_start3A_117 = arith.constant 0 : i32
        %dma_start3A_118 = tpu.memref_slice %arg2[%dma_start3A_116, %dma_start3A_117] : memref<10000x128xf32, #tpu.memory_space<hbm>> -> memref<10000x128xf32, #tpu.memory_space<hbm>>
        tpu.enqueue_indirect_dma source(%dma_start3A_118 : memref<10000x128xf32, #tpu.memory_space<hbm>>) target(%arg11 : memref<128x128xf32, #tpu.memory_space<vmem>>) offsets(%dma_start3A_115 : memref<128xi32, #tpu.memory_space<vmem>>) semaphore(%arg13 : memref<!tpu.dma_semaphore, #tpu.memory_space<semaphore_mem>>)
      } else {
      }
      %add3A_96 = arith.constant 1 : i32
      %add3A_97 = arith.addi %mul3A_54, %add3A_96 : i32
      %dma_wait3A_98 = arith.constant 0 : i32
      %dma_wait3A_99 = tpu.memref_slice %arg10[%add3A_97, %dma_wait3A_98] : memref<40x128xi32, #tpu.memory_space<vmem>> -> memref<1x128xi32, #tpu.memory_space<vmem>>
      %dma_wait3A_100 = tpu.memref_squeeze %dma_wait3A_99 : memref<1x128xi32, #tpu.memory_space<vmem>> -> memref<128xi32, #tpu.memory_space<vmem>>
      %dma_wait3A_101 = arith.constant 0 : i32
      %dma_wait3A_102 = arith.constant 0 : i32
      %dma_wait3A_103 = tpu.memref_slice %arg8[%dma_wait3A_101, %dma_wait3A_102] : memref<10112x128xf32, #tpu.memory_space<vmem_shared>> -> memref<10112x128xf32, #tpu.memory_space<vmem_shared>>
      tpu.wait_indirect_dma semaphore(%arg14 : memref<!tpu.dma_semaphore, #tpu.memory_space<semaphore_mem>>) src(%arg12 : memref<128x128xf32, #tpu.memory_space<vmem>>) dst(%dma_wait3A_103 : memref<10112x128xf32, #tpu.memory_space<vmem_shared>>)
      %add3A_104 = arith.constant 2 : i32
      %add3A_105 = arith.addi %add3A_97, %add3A_104 : i32
      %lt3A_106 = arith.constant 40 : i32
      %lt3A_107 = arith.cmpi slt, %add3A_105, %lt3A_106 : i32
      %convert_element_type3A_108 = arith.extui %lt3A_107 : i1 to i32
      %cond3A_109 = arith.constant 0 : i32
      %cond3A_110 = arith.cmpi ne, %convert_element_type3A_108, %cond3A_109 : i32
      scf.if %cond3A_110 {
        %add3A_111 = arith.constant 2 : i32
        %add3A_112 = arith.addi %add3A_97, %add3A_111 : i32
        %dma_start3A_113 = arith.constant 0 : i32
        %dma_start3A_114 = tpu.memref_slice %arg9[%add3A_112, %dma_start3A_113] : memref<40x128xi32, #tpu.memory_space<vmem>> -> memref<1x128xi32, #tpu.memory_space<vmem>>
        %dma_start3A_115 = tpu.memref_squeeze %dma_start3A_114 : memref<1x128xi32, #tpu.memory_space<vmem>> -> memref<128xi32, #tpu.memory_space<vmem>>
        %dma_start3A_116 = arith.constant 0 : i32
        %dma_start3A_117 = arith.constant 0 : i32
        %dma_start3A_118 = tpu.memref_slice %arg2[%dma_start3A_116, %dma_start3A_117] : memref<10000x128xf32, #tpu.memory_space<hbm>> -> memref<10000x128xf32, #tpu.memory_space<hbm>>
        tpu.enqueue_indirect_dma source(%dma_start3A_118 : memref<10000x128xf32, #tpu.memory_space<hbm>>) target(%arg12 : memref<128x128xf32, #tpu.memory_space<vmem>>) offsets(%dma_start3A_115 : memref<128xi32, #tpu.memory_space<vmem>>) semaphore(%arg13 : memref<!tpu.dma_semaphore, #tpu.memory_space<semaphore_mem>>)
      } else {
      }
    }
    %scan3A_43 = arith.constant 20 : i32
    %barrier3A_44 = arith.constant 0 : index
    tpu.barrier barrier_id(%barrier3A_44)
    %eq3A = arith.constant 0 : i32
    %eq3A_45 = arith.cmpi eq, %arg0, %eq3A : i32
    %convert_element_type3A = arith.extui %eq3A_45 : i1 to i32
    %cond3A = arith.constant 0 : i32
    %cond3A_46 = arith.cmpi ne, %convert_element_type3A, %cond3A : i32
    scf.if %cond3A_46 {
      %mul3A_52 = arith.constant 632 : i32
      %mul3A_53 = arith.muli %arg1, %mul3A_52 : i32
      %mul3A_54 = arith.constant 632 : i32
      %mul3A_55 = arith.muli %arg1, %mul3A_54 : i32
      "tpu.region"() ({
        %run_scoped3A_56 = tpu.sem_alloc : memref<!tpu.dma_semaphore, #tpu.memory_space<semaphore_mem>>
        %dma_start3A_57 = arith.constant 0 : i32
        %dma_start3A_58 = tpu.memref_slice %arg6[%mul3A_55, %dma_start3A_57] : memref<10112x128xf32, #tpu.memory_space<hbm>> -> memref<632x128xf32, #tpu.memory_space<hbm>>
        %dma_start3A_59 = arith.constant 0 : i32
        %dma_start3A_60 = tpu.memref_slice %arg8[%mul3A_53, %dma_start3A_59] : memref<10112x128xf32, #tpu.memory_space<vmem_shared>> -> memref<632x128xf32, #tpu.memory_space<vmem_shared>>
        tpu.enqueue_dma source(%dma_start3A_60 : memref<632x128xf32, #tpu.memory_space<vmem_shared>>) target(%dma_start3A_58 : memref<632x128xf32, #tpu.memory_space<hbm>>) target_semaphore(%run_scoped3A_56 : memref<!tpu.dma_semaphore, #tpu.memory_space<semaphore_mem>>)
        %dma_wait3A = arith.constant 0 : i32
        %dma_wait3A_61 = tpu.memref_slice %arg6[%mul3A_55, %dma_wait3A] : memref<10112x128xf32, #tpu.memory_space<hbm>> -> memref<632x128xf32, #tpu.memory_space<hbm>>
        %dma_wait3A_62 = arith.constant 0 : i32
        %dma_wait3A_63 = tpu.memref_slice %arg8[%mul3A_53, %dma_wait3A_62] : memref<10112x128xf32, #tpu.memory_space<vmem_shared>> -> memref<632x128xf32, #tpu.memory_space<vmem_shared>>
        tpu.wait_dma2 semaphore(%run_scoped3A_56 : memref<!tpu.dma_semaphore, #tpu.memory_space<semaphore_mem>>) src(%dma_wait3A_63 : memref<632x128xf32, #tpu.memory_space<vmem_shared>>) dst(%dma_wait3A_61 : memref<632x128xf32, #tpu.memory_space<hbm>>)
        tpu.yield
      }) : () -> ()
    } else {
    }
    %eq3A_47 = arith.constant 1 : i32
    %eq3A_48 = arith.cmpi eq, %arg0, %eq3A_47 : i32
    %convert_element_type3A_49 = arith.extui %eq3A_48 : i1 to i32
    %cond3A_50 = arith.constant 0 : i32
    %cond3A_51 = arith.cmpi ne, %convert_element_type3A_49, %cond3A_50 : i32
    scf.if %cond3A_51 {
      %mul3A_52 = arith.constant 632 : i32
      %mul3A_53 = arith.muli %arg1, %mul3A_52 : i32
      %mul3A_54 = arith.constant 632 : i32
      %mul3A_55 = arith.muli %arg1, %mul3A_54 : i32
      "tpu.region"() ({
        %run_scoped3A_56 = tpu.sem_alloc : memref<!tpu.dma_semaphore, #tpu.memory_space<semaphore_mem>>
        %dma_start3A_57 = arith.constant 0 : i32
        %dma_start3A_58 = tpu.memref_slice %arg7[%mul3A_55, %dma_start3A_57] : memref<10112x128xf32, #tpu.memory_space<hbm>> -> memref<632x128xf32, #tpu.memory_space<hbm>>
        %dma_start3A_59 = arith.constant 0 : i32
        %dma_start3A_60 = tpu.memref_slice %arg8[%mul3A_53, %dma_start3A_59] : memref<10112x128xf32, #tpu.memory_space<vmem_shared>> -> memref<632x128xf32, #tpu.memory_space<vmem_shared>>
        tpu.enqueue_dma source(%dma_start3A_60 : memref<632x128xf32, #tpu.memory_space<vmem_shared>>) target(%dma_start3A_58 : memref<632x128xf32, #tpu.memory_space<hbm>>) target_semaphore(%run_scoped3A_56 : memref<!tpu.dma_semaphore, #tpu.memory_space<semaphore_mem>>)
        %dma_wait3A = arith.constant 0 : i32
        %dma_wait3A_61 = tpu.memref_slice %arg7[%mul3A_55, %dma_wait3A] : memref<10112x128xf32, #tpu.memory_space<hbm>> -> memref<632x128xf32, #tpu.memory_space<hbm>>
        %dma_wait3A_62 = arith.constant 0 : i32
        %dma_wait3A_63 = tpu.memref_slice %arg8[%mul3A_53, %dma_wait3A_62] : memref<10112x128xf32, #tpu.memory_space<vmem_shared>> -> memref<632x128xf32, #tpu.memory_space<vmem_shared>>
        tpu.wait_dma2 semaphore(%run_scoped3A_56 : memref<!tpu.dma_semaphore, #tpu.memory_space<semaphore_mem>>) src(%dma_wait3A_63 : memref<632x128xf32, #tpu.memory_space<vmem_shared>>) dst(%dma_wait3A_61 : memref<632x128xf32, #tpu.memory_space<hbm>>)
        tpu.yield
      }) : () -> ()
    } else {
    }
    return
  }
}

#map = affine_map<(d0, d1) -> (0, 0)>
#map1 = affine_map<(d0, d1) -> (0, 0, 0, 0)>
module attributes {stable_mosaic.version = 14 : i64} {
  func.func @_segsum_body(%arg0: i32, %arg1: i32, %arg2: memref<10000x128xf32, #tpu.memory_space<hbm>>, %arg3: memref<32x2x40x128xi32, #tpu.memory_space<hbm>>, %arg4: memref<32x2x40x128xi32, #tpu.memory_space<hbm>>, %arg5: memref<632x128xf32, #tpu.memory_space<hbm>>, %arg6: memref<10112x128xf32, #tpu.memory_space<hbm>>, %arg7: memref<10112x128xf32, #tpu.memory_space<hbm>>, %arg8: memref<10112x128xf32, #tpu.memory_space<vmem_shared>>, %arg9: memref<40x128xi32, #tpu.memory_space<vmem>>, %arg10: memref<40x128xi32, #tpu.memory_space<vmem>>, %arg11: memref<128x128xf32, #tpu.memory_space<vmem>>, %arg12: memref<128x128xf32, #tpu.memory_space<vmem>>, %arg13: memref<!tpu.dma_semaphore, #tpu.memory_space<semaphore_mem>>, %arg14: memref<!tpu.dma_semaphore, #tpu.memory_space<semaphore_mem>>) attributes {dimension_semantics = [#tpu.dimension_semantics<core_parallel>, #tpu.dimension_semantics<subcore_parallel>], iteration_bounds = array<i64: 2, 16>, scalar_prefetch = 0 : i64, scratch_operands = 7 : i64, tpu.core_type = #tpu.core_type<sc_vector_subcore>, window_params = [{transform_indices = #map}, {transform_indices = #map1}, {transform_indices = #map1}, {transform_indices = #map}, {transform_indices = #map}, {transform_indices = #map}]} {
    %mul3A = arith.constant 2 : i32
    %mul3A_0 = arith.muli %arg1, %mul3A : i32
    %add3A = arith.addi %mul3A_0, %arg0 : i32
    %mul3A_1 = arith.constant 632 : i32
    %mul3A_2 = arith.muli %arg1, %mul3A_1 : i32
    "tpu.region"() ({
      %run_scoped3A_52 = tpu.sem_alloc : memref<!tpu.dma_semaphore, #tpu.memory_space<semaphore_mem>>
      %dma_start3A_53 = arith.constant 0 : i32
      %dma_start3A_54 = tpu.memref_slice %arg8[%mul3A_2, %dma_start3A_53] : memref<10112x128xf32, #tpu.memory_space<vmem_shared>> -> memref<632x128xf32, #tpu.memory_space<vmem_shared>>
      tpu.enqueue_dma source(%arg5 : memref<632x128xf32, #tpu.memory_space<hbm>>) target(%dma_start3A_54 : memref<632x128xf32, #tpu.memory_space<vmem_shared>>) target_semaphore(%run_scoped3A_52 : memref<!tpu.dma_semaphore, #tpu.memory_space<semaphore_mem>>)
      %dma_wait3A = arith.constant 0 : i32
      %dma_wait3A_55 = tpu.memref_slice %arg8[%mul3A_2, %dma_wait3A] : memref<10112x128xf32, #tpu.memory_space<vmem_shared>> -> memref<632x128xf32, #tpu.memory_space<vmem_shared>>
      tpu.wait_dma2 semaphore(%run_scoped3A_52 : memref<!tpu.dma_semaphore, #tpu.memory_space<semaphore_mem>>) src(%arg5 : memref<632x128xf32, #tpu.memory_space<hbm>>) dst(%dma_wait3A_55 : memref<632x128xf32, #tpu.memory_space<vmem_shared>>)
      tpu.yield
    }) : () -> ()
    %barrier3A = arith.constant 0 : index
    tpu.barrier barrier_id(%barrier3A)
    %run_scoped3A = arith.constant 0 : i32
    "tpu.region"() ({
      %run_scoped3A_52 = tpu.sem_alloc : memref<!tpu.dma_semaphore, #tpu.memory_space<semaphore_mem>>
      %dma_start3A_53 = arith.constant 0 : i32
      %dma_start3A_54 = arith.constant 0 : i32
      %dma_start3A_55 = tpu.memref_slice %arg3[%add3A, %run_scoped3A, %dma_start3A_53, %dma_start3A_54] : memref<32x2x40x128xi32, #tpu.memory_space<hbm>> -> memref<1x1x40x128xi32, #tpu.memory_space<hbm>>
      %dma_start3A_56 = tpu.memref_squeeze %dma_start3A_55 : memref<1x1x40x128xi32, #tpu.memory_space<hbm>> -> memref<40x128xi32, #tpu.memory_space<hbm>>
      %dma_start3A_57 = arith.constant 0 : i32
      %dma_start3A_58 = arith.constant 0 : i32
      %dma_start3A_59 = tpu.memref_slice %arg3[%add3A, %run_scoped3A, %dma_start3A_57, %dma_start3A_58] : memref<32x2x40x128xi32, #tpu.memory_space<hbm>> -> memref<1x1x40x128xi32, #tpu.memory_space<hbm>>
      %dma_start3A_60 = tpu.memref_squeeze %dma_start3A_59 : memref<1x1x40x128xi32, #tpu.memory_space<hbm>> -> memref<40x128xi32, #tpu.memory_space<hbm>>
      tpu.enqueue_dma source(%dma_start3A_60 : memref<40x128xi32, #tpu.memory_space<hbm>>) target(%arg9 : memref<40x128xi32, #tpu.memory_space<vmem>>) target_semaphore(%run_scoped3A_52 : memref<!tpu.dma_semaphore, #tpu.memory_space<semaphore_mem>>)
      %dma_wait3A = arith.constant 0 : i32
      %dma_wait3A_61 = arith.constant 0 : i32
      %dma_wait3A_62 = tpu.memref_slice %arg3[%add3A, %run_scoped3A, %dma_wait3A, %dma_wait3A_61] : memref<32x2x40x128xi32, #tpu.memory_space<hbm>> -> memref<1x1x40x128xi32, #tpu.memory_space<hbm>>
      %dma_wait3A_63 = tpu.memref_squeeze %dma_wait3A_62 : memref<1x1x40x128xi32, #tpu.memory_space<hbm>> -> memref<40x128xi32, #tpu.memory_space<hbm>>
      %dma_wait3A_64 = arith.constant 0 : i32
      %dma_wait3A_65 = arith.constant 0 : i32
      %dma_wait3A_66 = tpu.memref_slice %arg3[%add3A, %run_scoped3A, %dma_wait3A_64, %dma_wait3A_65] : memref<32x2x40x128xi32, #tpu.memory_space<hbm>> -> memref<1x1x40x128xi32, #tpu.memory_space<hbm>>
      %dma_wait3A_67 = tpu.memref_squeeze %dma_wait3A_66 : memref<1x1x40x128xi32, #tpu.memory_space<hbm>> -> memref<40x128xi32, #tpu.memory_space<hbm>>
      tpu.wait_dma2 semaphore(%run_scoped3A_52 : memref<!tpu.dma_semaphore, #tpu.memory_space<semaphore_mem>>) src(%dma_wait3A_67 : memref<40x128xi32, #tpu.memory_space<hbm>>) dst(%arg9 : memref<40x128xi32, #tpu.memory_space<vmem>>)
      tpu.yield
    }) : () -> ()
    %run_scoped3A_3 = arith.constant 0 : i32
    "tpu.region"() ({
      %run_scoped3A_52 = tpu.sem_alloc : memref<!tpu.dma_semaphore, #tpu.memory_space<semaphore_mem>>
      %dma_start3A_53 = arith.constant 0 : i32
      %dma_start3A_54 = arith.constant 0 : i32
      %dma_start3A_55 = tpu.memref_slice %arg4[%add3A, %run_scoped3A_3, %dma_start3A_53, %dma_start3A_54] : memref<32x2x40x128xi32, #tpu.memory_space<hbm>> -> memref<1x1x40x128xi32, #tpu.memory_space<hbm>>
      %dma_start3A_56 = tpu.memref_squeeze %dma_start3A_55 : memref<1x1x40x128xi32, #tpu.memory_space<hbm>> -> memref<40x128xi32, #tpu.memory_space<hbm>>
      %dma_start3A_57 = arith.constant 0 : i32
      %dma_start3A_58 = arith.constant 0 : i32
      %dma_start3A_59 = tpu.memref_slice %arg4[%add3A, %run_scoped3A_3, %dma_start3A_57, %dma_start3A_58] : memref<32x2x40x128xi32, #tpu.memory_space<hbm>> -> memref<1x1x40x128xi32, #tpu.memory_space<hbm>>
      %dma_start3A_60 = tpu.memref_squeeze %dma_start3A_59 : memref<1x1x40x128xi32, #tpu.memory_space<hbm>> -> memref<40x128xi32, #tpu.memory_space<hbm>>
      tpu.enqueue_dma source(%dma_start3A_60 : memref<40x128xi32, #tpu.memory_space<hbm>>) target(%arg10 : memref<40x128xi32, #tpu.memory_space<vmem>>) target_semaphore(%run_scoped3A_52 : memref<!tpu.dma_semaphore, #tpu.memory_space<semaphore_mem>>)
      %dma_wait3A = arith.constant 0 : i32
      %dma_wait3A_61 = arith.constant 0 : i32
      %dma_wait3A_62 = tpu.memref_slice %arg4[%add3A, %run_scoped3A_3, %dma_wait3A, %dma_wait3A_61] : memref<32x2x40x128xi32, #tpu.memory_space<hbm>> -> memref<1x1x40x128xi32, #tpu.memory_space<hbm>>
      %dma_wait3A_63 = tpu.memref_squeeze %dma_wait3A_62 : memref<1x1x40x128xi32, #tpu.memory_space<hbm>> -> memref<40x128xi32, #tpu.memory_space<hbm>>
      %dma_wait3A_64 = arith.constant 0 : i32
      %dma_wait3A_65 = arith.constant 0 : i32
      %dma_wait3A_66 = tpu.memref_slice %arg4[%add3A, %run_scoped3A_3, %dma_wait3A_64, %dma_wait3A_65] : memref<32x2x40x128xi32, #tpu.memory_space<hbm>> -> memref<1x1x40x128xi32, #tpu.memory_space<hbm>>
      %dma_wait3A_67 = tpu.memref_squeeze %dma_wait3A_66 : memref<1x1x40x128xi32, #tpu.memory_space<hbm>> -> memref<40x128xi32, #tpu.memory_space<hbm>>
      tpu.wait_dma2 semaphore(%run_scoped3A_52 : memref<!tpu.dma_semaphore, #tpu.memory_space<semaphore_mem>>) src(%dma_wait3A_67 : memref<40x128xi32, #tpu.memory_space<hbm>>) dst(%arg10 : memref<40x128xi32, #tpu.memory_space<vmem>>)
      tpu.yield
    }) : () -> ()
    %dma_start3A = arith.constant 0 : i32
    %dma_start3A_4 = arith.constant 0 : i32
    %dma_start3A_5 = tpu.memref_slice %arg9[%dma_start3A, %dma_start3A_4] : memref<40x128xi32, #tpu.memory_space<vmem>> -> memref<1x128xi32, #tpu.memory_space<vmem>>
    %dma_start3A_6 = tpu.memref_squeeze %dma_start3A_5 : memref<1x128xi32, #tpu.memory_space<vmem>> -> memref<128xi32, #tpu.memory_space<vmem>>
    %dma_start3A_7 = arith.constant 0 : i32
    %dma_start3A_8 = arith.constant 0 : i32
    %dma_start3A_9 = tpu.memref_slice %arg2[%dma_start3A_7, %dma_start3A_8] : memref<10000x128xf32, #tpu.memory_space<hbm>> -> memref<10000x128xf32, #tpu.memory_space<hbm>>
    tpu.enqueue_indirect_dma source(%dma_start3A_9 : memref<10000x128xf32, #tpu.memory_space<hbm>>) target(%arg11 : memref<128x128xf32, #tpu.memory_space<vmem>>) offsets(%dma_start3A_6 : memref<128xi32, #tpu.memory_space<vmem>>) semaphore(%arg13 : memref<!tpu.dma_semaphore, #tpu.memory_space<semaphore_mem>>)
    %dma_start3A_10 = arith.constant 1 : i32
    %dma_start3A_11 = arith.constant 0 : i32
    %dma_start3A_12 = tpu.memref_slice %arg9[%dma_start3A_10, %dma_start3A_11] : memref<40x128xi32, #tpu.memory_space<vmem>> -> memref<1x128xi32, #tpu.memory_space<vmem>>
    %dma_start3A_13 = tpu.memref_squeeze %dma_start3A_12 : memref<1x128xi32, #tpu.memory_space<vmem>> -> memref<128xi32, #tpu.memory_space<vmem>>
    %dma_start3A_14 = arith.constant 0 : i32
    %dma_start3A_15 = arith.constant 0 : i32
    %dma_start3A_16 = tpu.memref_slice %arg2[%dma_start3A_14, %dma_start3A_15] : memref<10000x128xf32, #tpu.memory_space<hbm>> -> memref<10000x128xf32, #tpu.memory_space<hbm>>
    tpu.enqueue_indirect_dma source(%dma_start3A_16 : memref<10000x128xf32, #tpu.memory_space<hbm>>) target(%arg12 : memref<128x128xf32, #tpu.memory_space<vmem>>) offsets(%dma_start3A_13 : memref<128xi32, #tpu.memory_space<vmem>>) semaphore(%arg13 : memref<!tpu.dma_semaphore, #tpu.memory_space<semaphore_mem>>)
    %scan3A = arith.constant 0 : i32
    %scan3A_17 = arith.constant 0 : i32
    %scan3A_18 = arith.constant 20 : i32
    %scan3A_19 = arith.addi %scan3A_17, %scan3A_18 : i32
    %scan3A_20 = arith.constant 1 : i32
    scf.for %scan3A_52 = %scan3A_17 to %scan3A_19 step %scan3A_20  : i32 {
      %mul3A_53 = arith.constant 2 : i32
      %mul3A_54 = arith.muli %scan3A_52, %mul3A_53 : i32
      %add3A_55 = arith.constant 0 : i32
      %add3A_56 = arith.addi %mul3A_54, %add3A_55 : i32
      %dma_wait3A = arith.constant 0 : i32
      %dma_wait3A_57 = tpu.memref_slice %arg9[%add3A_56, %dma_wait3A] : memref<40x128xi32, #tpu.memory_space<vmem>> -> memref<1x128xi32, #tpu.memory_space<vmem>>
      %dma_wait3A_58 = tpu.memref_squeeze %dma_wait3A_57 : memref<1x128xi32, #tpu.memory_space<vmem>> -> memref<128xi32, #tpu.memory_space<vmem>>
      %dma_wait3A_59 = arith.constant 0 : i32
      %dma_wait3A_60 = arith.constant 0 : i32
      %dma_wait3A_61 = tpu.memref_slice %arg2[%dma_wait3A_59, %dma_wait3A_60] : memref<10000x128xf32, #tpu.memory_space<hbm>> -> memref<10000x128xf32, #tpu.memory_space<hbm>>
      tpu.wait_indirect_dma semaphore(%arg13 : memref<!tpu.dma_semaphore, #tpu.memory_space<semaphore_mem>>) src(%dma_wait3A_61 : memref<10000x128xf32, #tpu.memory_space<hbm>>) dst(%arg11 : memref<128x128xf32, #tpu.memory_space<vmem>>)
      %dma_start3A_62 = arith.constant 0 : i32
      %dma_start3A_63 = tpu.memref_slice %arg10[%add3A_56, %dma_start3A_62] : memref<40x128xi32, #tpu.memory_space<vmem>> -> memref<1x128xi32, #tpu.memory_space<vmem>>
      %dma_start3A_64 = tpu.memref_squeeze %dma_start3A_63 : memref<1x128xi32, #tpu.memory_space<vmem>> -> memref<128xi32, #tpu.memory_space<vmem>>
      %dma_start3A_65 = arith.constant 0 : i32
      %dma_start3A_66 = arith.constant 0 : i32
      %dma_start3A_67 = tpu.memref_slice %arg8[%dma_start3A_65, %dma_start3A_66] : memref<10112x128xf32, #tpu.memory_space<vmem_shared>> -> memref<10112x128xf32, #tpu.memory_space<vmem_shared>>
      tpu.enqueue_indirect_dma source(%arg11 : memref<128x128xf32, #tpu.memory_space<vmem>>) target(%dma_start3A_67 : memref<10112x128xf32, #tpu.memory_space<vmem_shared>>) offsets(%dma_start3A_64 : memref<128xi32, #tpu.memory_space<vmem>>) semaphore(%arg14 : memref<!tpu.dma_semaphore, #tpu.memory_space<semaphore_mem>>) {add = true}
      %add3A_68 = arith.constant 1 : i32
      %add3A_69 = arith.addi %mul3A_54, %add3A_68 : i32
      %dma_wait3A_70 = arith.constant 0 : i32
      %dma_wait3A_71 = tpu.memref_slice %arg9[%add3A_69, %dma_wait3A_70] : memref<40x128xi32, #tpu.memory_space<vmem>> -> memref<1x128xi32, #tpu.memory_space<vmem>>
      %dma_wait3A_72 = tpu.memref_squeeze %dma_wait3A_71 : memref<1x128xi32, #tpu.memory_space<vmem>> -> memref<128xi32, #tpu.memory_space<vmem>>
      %dma_wait3A_73 = arith.constant 0 : i32
      %dma_wait3A_74 = arith.constant 0 : i32
      %dma_wait3A_75 = tpu.memref_slice %arg2[%dma_wait3A_73, %dma_wait3A_74] : memref<10000x128xf32, #tpu.memory_space<hbm>> -> memref<10000x128xf32, #tpu.memory_space<hbm>>
      tpu.wait_indirect_dma semaphore(%arg13 : memref<!tpu.dma_semaphore, #tpu.memory_space<semaphore_mem>>) src(%dma_wait3A_75 : memref<10000x128xf32, #tpu.memory_space<hbm>>) dst(%arg12 : memref<128x128xf32, #tpu.memory_space<vmem>>)
      %dma_start3A_76 = arith.constant 0 : i32
      %dma_start3A_77 = tpu.memref_slice %arg10[%add3A_69, %dma_start3A_76] : memref<40x128xi32, #tpu.memory_space<vmem>> -> memref<1x128xi32, #tpu.memory_space<vmem>>
      %dma_start3A_78 = tpu.memref_squeeze %dma_start3A_77 : memref<1x128xi32, #tpu.memory_space<vmem>> -> memref<128xi32, #tpu.memory_space<vmem>>
      %dma_start3A_79 = arith.constant 0 : i32
      %dma_start3A_80 = arith.constant 0 : i32
      %dma_start3A_81 = tpu.memref_slice %arg8[%dma_start3A_79, %dma_start3A_80] : memref<10112x128xf32, #tpu.memory_space<vmem_shared>> -> memref<10112x128xf32, #tpu.memory_space<vmem_shared>>
      tpu.enqueue_indirect_dma source(%arg12 : memref<128x128xf32, #tpu.memory_space<vmem>>) target(%dma_start3A_81 : memref<10112x128xf32, #tpu.memory_space<vmem_shared>>) offsets(%dma_start3A_78 : memref<128xi32, #tpu.memory_space<vmem>>) semaphore(%arg14 : memref<!tpu.dma_semaphore, #tpu.memory_space<semaphore_mem>>) {add = true}
      %add3A_82 = arith.constant 0 : i32
      %add3A_83 = arith.addi %mul3A_54, %add3A_82 : i32
      %dma_wait3A_84 = arith.constant 0 : i32
      %dma_wait3A_85 = tpu.memref_slice %arg10[%add3A_83, %dma_wait3A_84] : memref<40x128xi32, #tpu.memory_space<vmem>> -> memref<1x128xi32, #tpu.memory_space<vmem>>
      %dma_wait3A_86 = tpu.memref_squeeze %dma_wait3A_85 : memref<1x128xi32, #tpu.memory_space<vmem>> -> memref<128xi32, #tpu.memory_space<vmem>>
      %dma_wait3A_87 = arith.constant 0 : i32
      %dma_wait3A_88 = arith.constant 0 : i32
      %dma_wait3A_89 = tpu.memref_slice %arg8[%dma_wait3A_87, %dma_wait3A_88] : memref<10112x128xf32, #tpu.memory_space<vmem_shared>> -> memref<10112x128xf32, #tpu.memory_space<vmem_shared>>
      tpu.wait_indirect_dma semaphore(%arg14 : memref<!tpu.dma_semaphore, #tpu.memory_space<semaphore_mem>>) src(%arg11 : memref<128x128xf32, #tpu.memory_space<vmem>>) dst(%dma_wait3A_89 : memref<10112x128xf32, #tpu.memory_space<vmem_shared>>)
      %add3A_90 = arith.constant 2 : i32
      %add3A_91 = arith.addi %add3A_83, %add3A_90 : i32
      %lt3A = arith.constant 40 : i32
      %lt3A_92 = arith.cmpi slt, %add3A_91, %lt3A : i32
      %convert_element_type3A_93 = arith.extui %lt3A_92 : i1 to i32
      %cond3A_94 = arith.constant 0 : i32
      %cond3A_95 = arith.cmpi ne, %convert_element_type3A_93, %cond3A_94 : i32
      scf.if %cond3A_95 {
        %add3A_111 = arith.constant 2 : i32
        %add3A_112 = arith.addi %add3A_83, %add3A_111 : i32
        %dma_start3A_113 = arith.constant 0 : i32
        %dma_start3A_114 = tpu.memref_slice %arg9[%add3A_112, %dma_start3A_113] : memref<40x128xi32, #tpu.memory_space<vmem>> -> memref<1x128xi32, #tpu.memory_space<vmem>>
        %dma_start3A_115 = tpu.memref_squeeze %dma_start3A_114 : memref<1x128xi32, #tpu.memory_space<vmem>> -> memref<128xi32, #tpu.memory_space<vmem>>
        %dma_start3A_116 = arith.constant 0 : i32
        %dma_start3A_117 = arith.constant 0 : i32
        %dma_start3A_118 = tpu.memref_slice %arg2[%dma_start3A_116, %dma_start3A_117] : memref<10000x128xf32, #tpu.memory_space<hbm>> -> memref<10000x128xf32, #tpu.memory_space<hbm>>
        tpu.enqueue_indirect_dma source(%dma_start3A_118 : memref<10000x128xf32, #tpu.memory_space<hbm>>) target(%arg11 : memref<128x128xf32, #tpu.memory_space<vmem>>) offsets(%dma_start3A_115 : memref<128xi32, #tpu.memory_space<vmem>>) semaphore(%arg13 : memref<!tpu.dma_semaphore, #tpu.memory_space<semaphore_mem>>)
      } else {
      }
      %add3A_96 = arith.constant 1 : i32
      %add3A_97 = arith.addi %mul3A_54, %add3A_96 : i32
      %dma_wait3A_98 = arith.constant 0 : i32
      %dma_wait3A_99 = tpu.memref_slice %arg10[%add3A_97, %dma_wait3A_98] : memref<40x128xi32, #tpu.memory_space<vmem>> -> memref<1x128xi32, #tpu.memory_space<vmem>>
      %dma_wait3A_100 = tpu.memref_squeeze %dma_wait3A_99 : memref<1x128xi32, #tpu.memory_space<vmem>> -> memref<128xi32, #tpu.memory_space<vmem>>
      %dma_wait3A_101 = arith.constant 0 : i32
      %dma_wait3A_102 = arith.constant 0 : i32
      %dma_wait3A_103 = tpu.memref_slice %arg8[%dma_wait3A_101, %dma_wait3A_102] : memref<10112x128xf32, #tpu.memory_space<vmem_shared>> -> memref<10112x128xf32, #tpu.memory_space<vmem_shared>>
      tpu.wait_indirect_dma semaphore(%arg14 : memref<!tpu.dma_semaphore, #tpu.memory_space<semaphore_mem>>) src(%arg12 : memref<128x128xf32, #tpu.memory_space<vmem>>) dst(%dma_wait3A_103 : memref<10112x128xf32, #tpu.memory_space<vmem_shared>>)
      %add3A_104 = arith.constant 2 : i32
      %add3A_105 = arith.addi %add3A_97, %add3A_104 : i32
      %lt3A_106 = arith.constant 40 : i32
      %lt3A_107 = arith.cmpi slt, %add3A_105, %lt3A_106 : i32
      %convert_element_type3A_108 = arith.extui %lt3A_107 : i1 to i32
      %cond3A_109 = arith.constant 0 : i32
      %cond3A_110 = arith.cmpi ne, %convert_element_type3A_108, %cond3A_109 : i32
      scf.if %cond3A_110 {
        %add3A_111 = arith.constant 2 : i32
        %add3A_112 = arith.addi %add3A_97, %add3A_111 : i32
        %dma_start3A_113 = arith.constant 0 : i32
        %dma_start3A_114 = tpu.memref_slice %arg9[%add3A_112, %dma_start3A_113] : memref<40x128xi32, #tpu.memory_space<vmem>> -> memref<1x128xi32, #tpu.memory_space<vmem>>
        %dma_start3A_115 = tpu.memref_squeeze %dma_start3A_114 : memref<1x128xi32, #tpu.memory_space<vmem>> -> memref<128xi32, #tpu.memory_space<vmem>>
        %dma_start3A_116 = arith.constant 0 : i32
        %dma_start3A_117 = arith.constant 0 : i32
        %dma_start3A_118 = tpu.memref_slice %arg2[%dma_start3A_116, %dma_start3A_117] : memref<10000x128xf32, #tpu.memory_space<hbm>> -> memref<10000x128xf32, #tpu.memory_space<hbm>>
        tpu.enqueue_indirect_dma source(%dma_start3A_118 : memref<10000x128xf32, #tpu.memory_space<hbm>>) target(%arg12 : memref<128x128xf32, #tpu.memory_space<vmem>>) offsets(%dma_start3A_115 : memref<128xi32, #tpu.memory_space<vmem>>) semaphore(%arg13 : memref<!tpu.dma_semaphore, #tpu.memory_space<semaphore_mem>>)
      } else {
      }
    }
    %scan3A_21 = arith.constant 20 : i32
    %run_scoped3A_22 = arith.constant 1 : i32
    "tpu.region"() ({
      %run_scoped3A_52 = tpu.sem_alloc : memref<!tpu.dma_semaphore, #tpu.memory_space<semaphore_mem>>
      %dma_start3A_53 = arith.constant 0 : i32
      %dma_start3A_54 = arith.constant 0 : i32
      %dma_start3A_55 = tpu.memref_slice %arg3[%add3A, %run_scoped3A_22, %dma_start3A_53, %dma_start3A_54] : memref<32x2x40x128xi32, #tpu.memory_space<hbm>> -> memref<1x1x40x128xi32, #tpu.memory_space<hbm>>
      %dma_start3A_56 = tpu.memref_squeeze %dma_start3A_55 : memref<1x1x40x128xi32, #tpu.memory_space<hbm>> -> memref<40x128xi32, #tpu.memory_space<hbm>>
      %dma_start3A_57 = arith.constant 0 : i32
      %dma_start3A_58 = arith.constant 0 : i32
      %dma_start3A_59 = tpu.memref_slice %arg3[%add3A, %run_scoped3A_22, %dma_start3A_57, %dma_start3A_58] : memref<32x2x40x128xi32, #tpu.memory_space<hbm>> -> memref<1x1x40x128xi32, #tpu.memory_space<hbm>>
      %dma_start3A_60 = tpu.memref_squeeze %dma_start3A_59 : memref<1x1x40x128xi32, #tpu.memory_space<hbm>> -> memref<40x128xi32, #tpu.memory_space<hbm>>
      tpu.enqueue_dma source(%dma_start3A_60 : memref<40x128xi32, #tpu.memory_space<hbm>>) target(%arg9 : memref<40x128xi32, #tpu.memory_space<vmem>>) target_semaphore(%run_scoped3A_52 : memref<!tpu.dma_semaphore, #tpu.memory_space<semaphore_mem>>)
      %dma_wait3A = arith.constant 0 : i32
      %dma_wait3A_61 = arith.constant 0 : i32
      %dma_wait3A_62 = tpu.memref_slice %arg3[%add3A, %run_scoped3A_22, %dma_wait3A, %dma_wait3A_61] : memref<32x2x40x128xi32, #tpu.memory_space<hbm>> -> memref<1x1x40x128xi32, #tpu.memory_space<hbm>>
      %dma_wait3A_63 = tpu.memref_squeeze %dma_wait3A_62 : memref<1x1x40x128xi32, #tpu.memory_space<hbm>> -> memref<40x128xi32, #tpu.memory_space<hbm>>
      %dma_wait3A_64 = arith.constant 0 : i32
      %dma_wait3A_65 = arith.constant 0 : i32
      %dma_wait3A_66 = tpu.memref_slice %arg3[%add3A, %run_scoped3A_22, %dma_wait3A_64, %dma_wait3A_65] : memref<32x2x40x128xi32, #tpu.memory_space<hbm>> -> memref<1x1x40x128xi32, #tpu.memory_space<hbm>>
      %dma_wait3A_67 = tpu.memref_squeeze %dma_wait3A_66 : memref<1x1x40x128xi32, #tpu.memory_space<hbm>> -> memref<40x128xi32, #tpu.memory_space<hbm>>
      tpu.wait_dma2 semaphore(%run_scoped3A_52 : memref<!tpu.dma_semaphore, #tpu.memory_space<semaphore_mem>>) src(%dma_wait3A_67 : memref<40x128xi32, #tpu.memory_space<hbm>>) dst(%arg9 : memref<40x128xi32, #tpu.memory_space<vmem>>)
      tpu.yield
    }) : () -> ()
    %run_scoped3A_23 = arith.constant 1 : i32
    "tpu.region"() ({
      %run_scoped3A_52 = tpu.sem_alloc : memref<!tpu.dma_semaphore, #tpu.memory_space<semaphore_mem>>
      %dma_start3A_53 = arith.constant 0 : i32
      %dma_start3A_54 = arith.constant 0 : i32
      %dma_start3A_55 = tpu.memref_slice %arg4[%add3A, %run_scoped3A_23, %dma_start3A_53, %dma_start3A_54] : memref<32x2x40x128xi32, #tpu.memory_space<hbm>> -> memref<1x1x40x128xi32, #tpu.memory_space<hbm>>
      %dma_start3A_56 = tpu.memref_squeeze %dma_start3A_55 : memref<1x1x40x128xi32, #tpu.memory_space<hbm>> -> memref<40x128xi32, #tpu.memory_space<hbm>>
      %dma_start3A_57 = arith.constant 0 : i32
      %dma_start3A_58 = arith.constant 0 : i32
      %dma_start3A_59 = tpu.memref_slice %arg4[%add3A, %run_scoped3A_23, %dma_start3A_57, %dma_start3A_58] : memref<32x2x40x128xi32, #tpu.memory_space<hbm>> -> memref<1x1x40x128xi32, #tpu.memory_space<hbm>>
      %dma_start3A_60 = tpu.memref_squeeze %dma_start3A_59 : memref<1x1x40x128xi32, #tpu.memory_space<hbm>> -> memref<40x128xi32, #tpu.memory_space<hbm>>
      tpu.enqueue_dma source(%dma_start3A_60 : memref<40x128xi32, #tpu.memory_space<hbm>>) target(%arg10 : memref<40x128xi32, #tpu.memory_space<vmem>>) target_semaphore(%run_scoped3A_52 : memref<!tpu.dma_semaphore, #tpu.memory_space<semaphore_mem>>)
      %dma_wait3A = arith.constant 0 : i32
      %dma_wait3A_61 = arith.constant 0 : i32
      %dma_wait3A_62 = tpu.memref_slice %arg4[%add3A, %run_scoped3A_23, %dma_wait3A, %dma_wait3A_61] : memref<32x2x40x128xi32, #tpu.memory_space<hbm>> -> memref<1x1x40x128xi32, #tpu.memory_space<hbm>>
      %dma_wait3A_63 = tpu.memref_squeeze %dma_wait3A_62 : memref<1x1x40x128xi32, #tpu.memory_space<hbm>> -> memref<40x128xi32, #tpu.memory_space<hbm>>
      %dma_wait3A_64 = arith.constant 0 : i32
      %dma_wait3A_65 = arith.constant 0 : i32
      %dma_wait3A_66 = tpu.memref_slice %arg4[%add3A, %run_scoped3A_23, %dma_wait3A_64, %dma_wait3A_65] : memref<32x2x40x128xi32, #tpu.memory_space<hbm>> -> memref<1x1x40x128xi32, #tpu.memory_space<hbm>>
      %dma_wait3A_67 = tpu.memref_squeeze %dma_wait3A_66 : memref<1x1x40x128xi32, #tpu.memory_space<hbm>> -> memref<40x128xi32, #tpu.memory_space<hbm>>
      tpu.wait_dma2 semaphore(%run_scoped3A_52 : memref<!tpu.dma_semaphore, #tpu.memory_space<semaphore_mem>>) src(%dma_wait3A_67 : memref<40x128xi32, #tpu.memory_space<hbm>>) dst(%arg10 : memref<40x128xi32, #tpu.memory_space<vmem>>)
      tpu.yield
    }) : () -> ()
    %dma_start3A_24 = arith.constant 0 : i32
    %dma_start3A_25 = arith.constant 0 : i32
    %dma_start3A_26 = tpu.memref_slice %arg9[%dma_start3A_24, %dma_start3A_25] : memref<40x128xi32, #tpu.memory_space<vmem>> -> memref<1x128xi32, #tpu.memory_space<vmem>>
    %dma_start3A_27 = tpu.memref_squeeze %dma_start3A_26 : memref<1x128xi32, #tpu.memory_space<vmem>> -> memref<128xi32, #tpu.memory_space<vmem>>
    %dma_start3A_28 = arith.constant 0 : i32
    %dma_start3A_29 = arith.constant 0 : i32
    %dma_start3A_30 = tpu.memref_slice %arg2[%dma_start3A_28, %dma_start3A_29] : memref<10000x128xf32, #tpu.memory_space<hbm>> -> memref<10000x128xf32, #tpu.memory_space<hbm>>
    tpu.enqueue_indirect_dma source(%dma_start3A_30 : memref<10000x128xf32, #tpu.memory_space<hbm>>) target(%arg11 : memref<128x128xf32, #tpu.memory_space<vmem>>) offsets(%dma_start3A_27 : memref<128xi32, #tpu.memory_space<vmem>>) semaphore(%arg13 : memref<!tpu.dma_semaphore, #tpu.memory_space<semaphore_mem>>)
    %dma_start3A_31 = arith.constant 1 : i32
    %dma_start3A_32 = arith.constant 0 : i32
    %dma_start3A_33 = tpu.memref_slice %arg9[%dma_start3A_31, %dma_start3A_32] : memref<40x128xi32, #tpu.memory_space<vmem>> -> memref<1x128xi32, #tpu.memory_space<vmem>>
    %dma_start3A_34 = tpu.memref_squeeze %dma_start3A_33 : memref<1x128xi32, #tpu.memory_space<vmem>> -> memref<128xi32, #tpu.memory_space<vmem>>
    %dma_start3A_35 = arith.constant 0 : i32
    %dma_start3A_36 = arith.constant 0 : i32
    %dma_start3A_37 = tpu.memref_slice %arg2[%dma_start3A_35, %dma_start3A_36] : memref<10000x128xf32, #tpu.memory_space<hbm>> -> memref<10000x128xf32, #tpu.memory_space<hbm>>
    tpu.enqueue_indirect_dma source(%dma_start3A_37 : memref<10000x128xf32, #tpu.memory_space<hbm>>) target(%arg12 : memref<128x128xf32, #tpu.memory_space<vmem>>) offsets(%dma_start3A_34 : memref<128xi32, #tpu.memory_space<vmem>>) semaphore(%arg13 : memref<!tpu.dma_semaphore, #tpu.memory_space<semaphore_mem>>)
    %scan3A_38 = arith.constant 0 : i32
    %scan3A_39 = arith.constant 0 : i32
    %scan3A_40 = arith.constant 20 : i32
    %scan3A_41 = arith.addi %scan3A_39, %scan3A_40 : i32
    %scan3A_42 = arith.constant 1 : i32
    scf.for %scan3A_52 = %scan3A_39 to %scan3A_41 step %scan3A_42  : i32 {
      %mul3A_53 = arith.constant 2 : i32
      %mul3A_54 = arith.muli %scan3A_52, %mul3A_53 : i32
      %add3A_55 = arith.constant 0 : i32
      %add3A_56 = arith.addi %mul3A_54, %add3A_55 : i32
      %dma_wait3A = arith.constant 0 : i32
      %dma_wait3A_57 = tpu.memref_slice %arg9[%add3A_56, %dma_wait3A] : memref<40x128xi32, #tpu.memory_space<vmem>> -> memref<1x128xi32, #tpu.memory_space<vmem>>
      %dma_wait3A_58 = tpu.memref_squeeze %dma_wait3A_57 : memref<1x128xi32, #tpu.memory_space<vmem>> -> memref<128xi32, #tpu.memory_space<vmem>>
      %dma_wait3A_59 = arith.constant 0 : i32
      %dma_wait3A_60 = arith.constant 0 : i32
      %dma_wait3A_61 = tpu.memref_slice %arg2[%dma_wait3A_59, %dma_wait3A_60] : memref<10000x128xf32, #tpu.memory_space<hbm>> -> memref<10000x128xf32, #tpu.memory_space<hbm>>
      tpu.wait_indirect_dma semaphore(%arg13 : memref<!tpu.dma_semaphore, #tpu.memory_space<semaphore_mem>>) src(%dma_wait3A_61 : memref<10000x128xf32, #tpu.memory_space<hbm>>) dst(%arg11 : memref<128x128xf32, #tpu.memory_space<vmem>>)
      %dma_start3A_62 = arith.constant 0 : i32
      %dma_start3A_63 = tpu.memref_slice %arg10[%add3A_56, %dma_start3A_62] : memref<40x128xi32, #tpu.memory_space<vmem>> -> memref<1x128xi32, #tpu.memory_space<vmem>>
      %dma_start3A_64 = tpu.memref_squeeze %dma_start3A_63 : memref<1x128xi32, #tpu.memory_space<vmem>> -> memref<128xi32, #tpu.memory_space<vmem>>
      %dma_start3A_65 = arith.constant 0 : i32
      %dma_start3A_66 = arith.constant 0 : i32
      %dma_start3A_67 = tpu.memref_slice %arg8[%dma_start3A_65, %dma_start3A_66] : memref<10112x128xf32, #tpu.memory_space<vmem_shared>> -> memref<10112x128xf32, #tpu.memory_space<vmem_shared>>
      tpu.enqueue_indirect_dma source(%arg11 : memref<128x128xf32, #tpu.memory_space<vmem>>) target(%dma_start3A_67 : memref<10112x128xf32, #tpu.memory_space<vmem_shared>>) offsets(%dma_start3A_64 : memref<128xi32, #tpu.memory_space<vmem>>) semaphore(%arg14 : memref<!tpu.dma_semaphore, #tpu.memory_space<semaphore_mem>>) {add = true}
      %add3A_68 = arith.constant 1 : i32
      %add3A_69 = arith.addi %mul3A_54, %add3A_68 : i32
      %dma_wait3A_70 = arith.constant 0 : i32
      %dma_wait3A_71 = tpu.memref_slice %arg9[%add3A_69, %dma_wait3A_70] : memref<40x128xi32, #tpu.memory_space<vmem>> -> memref<1x128xi32, #tpu.memory_space<vmem>>
      %dma_wait3A_72 = tpu.memref_squeeze %dma_wait3A_71 : memref<1x128xi32, #tpu.memory_space<vmem>> -> memref<128xi32, #tpu.memory_space<vmem>>
      %dma_wait3A_73 = arith.constant 0 : i32
      %dma_wait3A_74 = arith.constant 0 : i32
      %dma_wait3A_75 = tpu.memref_slice %arg2[%dma_wait3A_73, %dma_wait3A_74] : memref<10000x128xf32, #tpu.memory_space<hbm>> -> memref<10000x128xf32, #tpu.memory_space<hbm>>
      tpu.wait_indirect_dma semaphore(%arg13 : memref<!tpu.dma_semaphore, #tpu.memory_space<semaphore_mem>>) src(%dma_wait3A_75 : memref<10000x128xf32, #tpu.memory_space<hbm>>) dst(%arg12 : memref<128x128xf32, #tpu.memory_space<vmem>>)
      %dma_start3A_76 = arith.constant 0 : i32
      %dma_start3A_77 = tpu.memref_slice %arg10[%add3A_69, %dma_start3A_76] : memref<40x128xi32, #tpu.memory_space<vmem>> -> memref<1x128xi32, #tpu.memory_space<vmem>>
      %dma_start3A_78 = tpu.memref_squeeze %dma_start3A_77 : memref<1x128xi32, #tpu.memory_space<vmem>> -> memref<128xi32, #tpu.memory_space<vmem>>
      %dma_start3A_79 = arith.constant 0 : i32
      %dma_start3A_80 = arith.constant 0 : i32
      %dma_start3A_81 = tpu.memref_slice %arg8[%dma_start3A_79, %dma_start3A_80] : memref<10112x128xf32, #tpu.memory_space<vmem_shared>> -> memref<10112x128xf32, #tpu.memory_space<vmem_shared>>
      tpu.enqueue_indirect_dma source(%arg12 : memref<128x128xf32, #tpu.memory_space<vmem>>) target(%dma_start3A_81 : memref<10112x128xf32, #tpu.memory_space<vmem_shared>>) offsets(%dma_start3A_78 : memref<128xi32, #tpu.memory_space<vmem>>) semaphore(%arg14 : memref<!tpu.dma_semaphore, #tpu.memory_space<semaphore_mem>>) {add = true}
      %add3A_82 = arith.constant 0 : i32
      %add3A_83 = arith.addi %mul3A_54, %add3A_82 : i32
      %dma_wait3A_84 = arith.constant 0 : i32
      %dma_wait3A_85 = tpu.memref_slice %arg10[%add3A_83, %dma_wait3A_84] : memref<40x128xi32, #tpu.memory_space<vmem>> -> memref<1x128xi32, #tpu.memory_space<vmem>>
      %dma_wait3A_86 = tpu.memref_squeeze %dma_wait3A_85 : memref<1x128xi32, #tpu.memory_space<vmem>> -> memref<128xi32, #tpu.memory_space<vmem>>
      %dma_wait3A_87 = arith.constant 0 : i32
      %dma_wait3A_88 = arith.constant 0 : i32
      %dma_wait3A_89 = tpu.memref_slice %arg8[%dma_wait3A_87, %dma_wait3A_88] : memref<10112x128xf32, #tpu.memory_space<vmem_shared>> -> memref<10112x128xf32, #tpu.memory_space<vmem_shared>>
      tpu.wait_indirect_dma semaphore(%arg14 : memref<!tpu.dma_semaphore, #tpu.memory_space<semaphore_mem>>) src(%arg11 : memref<128x128xf32, #tpu.memory_space<vmem>>) dst(%dma_wait3A_89 : memref<10112x128xf32, #tpu.memory_space<vmem_shared>>)
      %add3A_90 = arith.constant 2 : i32
      %add3A_91 = arith.addi %add3A_83, %add3A_90 : i32
      %lt3A = arith.constant 40 : i32
      %lt3A_92 = arith.cmpi slt, %add3A_91, %lt3A : i32
      %convert_element_type3A_93 = arith.extui %lt3A_92 : i1 to i32
      %cond3A_94 = arith.constant 0 : i32
      %cond3A_95 = arith.cmpi ne, %convert_element_type3A_93, %cond3A_94 : i32
      scf.if %cond3A_95 {
        %add3A_111 = arith.constant 2 : i32
        %add3A_112 = arith.addi %add3A_83, %add3A_111 : i32
        %dma_start3A_113 = arith.constant 0 : i32
        %dma_start3A_114 = tpu.memref_slice %arg9[%add3A_112, %dma_start3A_113] : memref<40x128xi32, #tpu.memory_space<vmem>> -> memref<1x128xi32, #tpu.memory_space<vmem>>
        %dma_start3A_115 = tpu.memref_squeeze %dma_start3A_114 : memref<1x128xi32, #tpu.memory_space<vmem>> -> memref<128xi32, #tpu.memory_space<vmem>>
        %dma_start3A_116 = arith.constant 0 : i32
        %dma_start3A_117 = arith.constant 0 : i32
        %dma_start3A_118 = tpu.memref_slice %arg2[%dma_start3A_116, %dma_start3A_117] : memref<10000x128xf32, #tpu.memory_space<hbm>> -> memref<10000x128xf32, #tpu.memory_space<hbm>>
        tpu.enqueue_indirect_dma source(%dma_start3A_118 : memref<10000x128xf32, #tpu.memory_space<hbm>>) target(%arg11 : memref<128x128xf32, #tpu.memory_space<vmem>>) offsets(%dma_start3A_115 : memref<128xi32, #tpu.memory_space<vmem>>) semaphore(%arg13 : memref<!tpu.dma_semaphore, #tpu.memory_space<semaphore_mem>>)
      } else {
      }
      %add3A_96 = arith.constant 1 : i32
      %add3A_97 = arith.addi %mul3A_54, %add3A_96 : i32
      %dma_wait3A_98 = arith.constant 0 : i32
      %dma_wait3A_99 = tpu.memref_slice %arg10[%add3A_97, %dma_wait3A_98] : memref<40x128xi32, #tpu.memory_space<vmem>> -> memref<1x128xi32, #tpu.memory_space<vmem>>
      %dma_wait3A_100 = tpu.memref_squeeze %dma_wait3A_99 : memref<1x128xi32, #tpu.memory_space<vmem>> -> memref<128xi32, #tpu.memory_space<vmem>>
      %dma_wait3A_101 = arith.constant 0 : i32
      %dma_wait3A_102 = arith.constant 0 : i32
      %dma_wait3A_103 = tpu.memref_slice %arg8[%dma_wait3A_101, %dma_wait3A_102] : memref<10112x128xf32, #tpu.memory_space<vmem_shared>> -> memref<10112x128xf32, #tpu.memory_space<vmem_shared>>
      tpu.wait_indirect_dma semaphore(%arg14 : memref<!tpu.dma_semaphore, #tpu.memory_space<semaphore_mem>>) src(%arg12 : memref<128x128xf32, #tpu.memory_space<vmem>>) dst(%dma_wait3A_103 : memref<10112x128xf32, #tpu.memory_space<vmem_shared>>)
      %add3A_104 = arith.constant 2 : i32
      %add3A_105 = arith.addi %add3A_97, %add3A_104 : i32
      %lt3A_106 = arith.constant 40 : i32
      %lt3A_107 = arith.cmpi slt, %add3A_105, %lt3A_106 : i32
      %convert_element_type3A_108 = arith.extui %lt3A_107 : i1 to i32
      %cond3A_109 = arith.constant 0 : i32
      %cond3A_110 = arith.cmpi ne, %convert_element_type3A_108, %cond3A_109 : i32
      scf.if %cond3A_110 {
        %add3A_111 = arith.constant 2 : i32
        %add3A_112 = arith.addi %add3A_97, %add3A_111 : i32
        %dma_start3A_113 = arith.constant 0 : i32
        %dma_start3A_114 = tpu.memref_slice %arg9[%add3A_112, %dma_start3A_113] : memref<40x128xi32, #tpu.memory_space<vmem>> -> memref<1x128xi32, #tpu.memory_space<vmem>>
        %dma_start3A_115 = tpu.memref_squeeze %dma_start3A_114 : memref<1x128xi32, #tpu.memory_space<vmem>> -> memref<128xi32, #tpu.memory_space<vmem>>
        %dma_start3A_116 = arith.constant 0 : i32
        %dma_start3A_117 = arith.constant 0 : i32
        %dma_start3A_118 = tpu.memref_slice %arg2[%dma_start3A_116, %dma_start3A_117] : memref<10000x128xf32, #tpu.memory_space<hbm>> -> memref<10000x128xf32, #tpu.memory_space<hbm>>
        tpu.enqueue_indirect_dma source(%dma_start3A_118 : memref<10000x128xf32, #tpu.memory_space<hbm>>) target(%arg12 : memref<128x128xf32, #tpu.memory_space<vmem>>) offsets(%dma_start3A_115 : memref<128xi32, #tpu.memory_space<vmem>>) semaphore(%arg13 : memref<!tpu.dma_semaphore, #tpu.memory_space<semaphore_mem>>)
      } else {
      }
    }
    %scan3A_43 = arith.constant 20 : i32
    %barrier3A_44 = arith.constant 0 : index
    tpu.barrier barrier_id(%barrier3A_44)
    %eq3A = arith.constant 0 : i32
    %eq3A_45 = arith.cmpi eq, %arg0, %eq3A : i32
    %convert_element_type3A = arith.extui %eq3A_45 : i1 to i32
    %cond3A = arith.constant 0 : i32
    %cond3A_46 = arith.cmpi ne, %convert_element_type3A, %cond3A : i32
    scf.if %cond3A_46 {
      %mul3A_52 = arith.constant 632 : i32
      %mul3A_53 = arith.muli %arg1, %mul3A_52 : i32
      %mul3A_54 = arith.constant 632 : i32
      %mul3A_55 = arith.muli %arg1, %mul3A_54 : i32
      "tpu.region"() ({
        %run_scoped3A_56 = tpu.sem_alloc : memref<!tpu.dma_semaphore, #tpu.memory_space<semaphore_mem>>
        %dma_start3A_57 = arith.constant 0 : i32
        %dma_start3A_58 = tpu.memref_slice %arg6[%mul3A_55, %dma_start3A_57] : memref<10112x128xf32, #tpu.memory_space<hbm>> -> memref<632x128xf32, #tpu.memory_space<hbm>>
        %dma_start3A_59 = arith.constant 0 : i32
        %dma_start3A_60 = tpu.memref_slice %arg8[%mul3A_53, %dma_start3A_59] : memref<10112x128xf32, #tpu.memory_space<vmem_shared>> -> memref<632x128xf32, #tpu.memory_space<vmem_shared>>
        tpu.enqueue_dma source(%dma_start3A_60 : memref<632x128xf32, #tpu.memory_space<vmem_shared>>) target(%dma_start3A_58 : memref<632x128xf32, #tpu.memory_space<hbm>>) target_semaphore(%run_scoped3A_56 : memref<!tpu.dma_semaphore, #tpu.memory_space<semaphore_mem>>)
        %dma_wait3A = arith.constant 0 : i32
        %dma_wait3A_61 = tpu.memref_slice %arg6[%mul3A_55, %dma_wait3A] : memref<10112x128xf32, #tpu.memory_space<hbm>> -> memref<632x128xf32, #tpu.memory_space<hbm>>
        %dma_wait3A_62 = arith.constant 0 : i32
        %dma_wait3A_63 = tpu.memref_slice %arg8[%mul3A_53, %dma_wait3A_62] : memref<10112x128xf32, #tpu.memory_space<vmem_shared>> -> memref<632x128xf32, #tpu.memory_space<vmem_shared>>
        tpu.wait_dma2 semaphore(%run_scoped3A_56 : memref<!tpu.dma_semaphore, #tpu.memory_space<semaphore_mem>>) src(%dma_wait3A_63 : memref<632x128xf32, #tpu.memory_space<vmem_shared>>) dst(%dma_wait3A_61 : memref<632x128xf32, #tpu.memory_space<hbm>>)
        tpu.yield
      }) : () -> ()
    } else {
    }
    %eq3A_47 = arith.constant 1 : i32
    %eq3A_48 = arith.cmpi eq, %arg0, %eq3A_47 : i32
    %convert_element_type3A_49 = arith.extui %eq3A_48 : i1 to i32
    %cond3A_50 = arith.constant 0 : i32
    %cond3A_51 = arith.cmpi ne, %convert_element_type3A_49, %cond3A_50 : i32
    scf.if %cond3A_51 {
      %mul3A_52 = arith.constant 632 : i32
      %mul3A_53 = arith.muli %arg1, %mul3A_52 : i32
      %mul3A_54 = arith.constant 632 : i32
      %mul3A_55 = arith.muli %arg1, %mul3A_54 : i32
      "tpu.region"() ({
        %run_scoped3A_56 = tpu.sem_alloc : memref<!tpu.dma_semaphore, #tpu.memory_space<semaphore_mem>>
        %dma_start3A_57 = arith.constant 0 : i32
        %dma_start3A_58 = tpu.memref_slice %arg7[%mul3A_55, %dma_start3A_57] : memref<10112x128xf32, #tpu.memory_space<hbm>> -> memref<632x128xf32, #tpu.memory_space<hbm>>
        %dma_start3A_59 = arith.constant 0 : i32
        %dma_start3A_60 = tpu.memref_slice %arg8[%mul3A_53, %dma_start3A_59] : memref<10112x128xf32, #tpu.memory_space<vmem_shared>> -> memref<632x128xf32, #tpu.memory_space<vmem_shared>>
        tpu.enqueue_dma source(%dma_start3A_60 : memref<632x128xf32, #tpu.memory_space<vmem_shared>>) target(%dma_start3A_58 : memref<632x128xf32, #tpu.memory_space<hbm>>) target_semaphore(%run_scoped3A_56 : memref<!tpu.dma_semaphore, #tpu.memory_space<semaphore_mem>>)
        %dma_wait3A = arith.constant 0 : i32
        %dma_wait3A_61 = tpu.memref_slice %arg7[%mul3A_55, %dma_wait3A] : memref<10112x128xf32, #tpu.memory_space<hbm>> -> memref<632x128xf32, #tpu.memory_space<hbm>>
        %dma_wait3A_62 = arith.constant 0 : i32
        %dma_wait3A_63 = tpu.memref_slice %arg8[%mul3A_53, %dma_wait3A_62] : memref<10112x128xf32, #tpu.memory_space<vmem_shared>> -> memref<632x128xf32, #tpu.memory_space<vmem_shared>>
        tpu.wait_dma2 semaphore(%run_scoped3A_56 : memref<!tpu.dma_semaphore, #tpu.memory_space<semaphore_mem>>) src(%dma_wait3A_63 : memref<632x128xf32, #tpu.memory_space<vmem_shared>>) dst(%dma_wait3A_61 : memref<632x128xf32, #tpu.memory_space<hbm>>)
        tpu.yield
      }) : () -> ()
    } else {
    }
    return
  }
}

#map = affine_map<(d0, d1) -> (0, 0)>
#map1 = affine_map<(d0, d1) -> (0, 0, 0, 0)>
module attributes {stable_mosaic.version = 14 : i64} {
  func.func @_segsum_body(%arg0: i32, %arg1: i32, %arg2: memref<10000x128xf32, #tpu.memory_space<hbm>>, %arg3: memref<32x2x40x128xi32, #tpu.memory_space<hbm>>, %arg4: memref<32x2x40x128xi32, #tpu.memory_space<hbm>>, %arg5: memref<632x128xf32, #tpu.memory_space<hbm>>, %arg6: memref<10112x128xf32, #tpu.memory_space<hbm>>, %arg7: memref<10112x128xf32, #tpu.memory_space<hbm>>, %arg8: memref<10112x128xf32, #tpu.memory_space<vmem_shared>>, %arg9: memref<40x128xi32, #tpu.memory_space<vmem>>, %arg10: memref<40x128xi32, #tpu.memory_space<vmem>>, %arg11: memref<128x128xf32, #tpu.memory_space<vmem>>, %arg12: memref<128x128xf32, #tpu.memory_space<vmem>>, %arg13: memref<!tpu.dma_semaphore, #tpu.memory_space<semaphore_mem>>, %arg14: memref<!tpu.dma_semaphore, #tpu.memory_space<semaphore_mem>>) attributes {dimension_semantics = [#tpu.dimension_semantics<core_parallel>, #tpu.dimension_semantics<subcore_parallel>], iteration_bounds = array<i64: 2, 16>, scalar_prefetch = 0 : i64, scratch_operands = 7 : i64, tpu.core_type = #tpu.core_type<sc_vector_subcore>, window_params = [{transform_indices = #map}, {transform_indices = #map1}, {transform_indices = #map1}, {transform_indices = #map}, {transform_indices = #map}, {transform_indices = #map}]} {
    %mul3A = arith.constant 2 : i32
    %mul3A_0 = arith.muli %arg1, %mul3A : i32
    %add3A = arith.addi %mul3A_0, %arg0 : i32
    %mul3A_1 = arith.constant 632 : i32
    %mul3A_2 = arith.muli %arg1, %mul3A_1 : i32
    "tpu.region"() ({
      %run_scoped3A_52 = tpu.sem_alloc : memref<!tpu.dma_semaphore, #tpu.memory_space<semaphore_mem>>
      %dma_start3A_53 = arith.constant 0 : i32
      %dma_start3A_54 = tpu.memref_slice %arg8[%mul3A_2, %dma_start3A_53] : memref<10112x128xf32, #tpu.memory_space<vmem_shared>> -> memref<632x128xf32, #tpu.memory_space<vmem_shared>>
      tpu.enqueue_dma source(%arg5 : memref<632x128xf32, #tpu.memory_space<hbm>>) target(%dma_start3A_54 : memref<632x128xf32, #tpu.memory_space<vmem_shared>>) target_semaphore(%run_scoped3A_52 : memref<!tpu.dma_semaphore, #tpu.memory_space<semaphore_mem>>)
      %dma_wait3A = arith.constant 0 : i32
      %dma_wait3A_55 = tpu.memref_slice %arg8[%mul3A_2, %dma_wait3A] : memref<10112x128xf32, #tpu.memory_space<vmem_shared>> -> memref<632x128xf32, #tpu.memory_space<vmem_shared>>
      tpu.wait_dma2 semaphore(%run_scoped3A_52 : memref<!tpu.dma_semaphore, #tpu.memory_space<semaphore_mem>>) src(%arg5 : memref<632x128xf32, #tpu.memory_space<hbm>>) dst(%dma_wait3A_55 : memref<632x128xf32, #tpu.memory_space<vmem_shared>>)
      tpu.yield
    }) : () -> ()
    %barrier3A = arith.constant 0 : index
    tpu.barrier barrier_id(%barrier3A)
    %run_scoped3A = arith.constant 0 : i32
    "tpu.region"() ({
      %run_scoped3A_52 = tpu.sem_alloc : memref<!tpu.dma_semaphore, #tpu.memory_space<semaphore_mem>>
      %dma_start3A_53 = arith.constant 0 : i32
      %dma_start3A_54 = arith.constant 0 : i32
      %dma_start3A_55 = tpu.memref_slice %arg3[%add3A, %run_scoped3A, %dma_start3A_53, %dma_start3A_54] : memref<32x2x40x128xi32, #tpu.memory_space<hbm>> -> memref<1x1x40x128xi32, #tpu.memory_space<hbm>>
      %dma_start3A_56 = tpu.memref_squeeze %dma_start3A_55 : memref<1x1x40x128xi32, #tpu.memory_space<hbm>> -> memref<40x128xi32, #tpu.memory_space<hbm>>
      %dma_start3A_57 = arith.constant 0 : i32
      %dma_start3A_58 = arith.constant 0 : i32
      %dma_start3A_59 = tpu.memref_slice %arg3[%add3A, %run_scoped3A, %dma_start3A_57, %dma_start3A_58] : memref<32x2x40x128xi32, #tpu.memory_space<hbm>> -> memref<1x1x40x128xi32, #tpu.memory_space<hbm>>
      %dma_start3A_60 = tpu.memref_squeeze %dma_start3A_59 : memref<1x1x40x128xi32, #tpu.memory_space<hbm>> -> memref<40x128xi32, #tpu.memory_space<hbm>>
      tpu.enqueue_dma source(%dma_start3A_60 : memref<40x128xi32, #tpu.memory_space<hbm>>) target(%arg9 : memref<40x128xi32, #tpu.memory_space<vmem>>) target_semaphore(%run_scoped3A_52 : memref<!tpu.dma_semaphore, #tpu.memory_space<semaphore_mem>>)
      %dma_wait3A = arith.constant 0 : i32
      %dma_wait3A_61 = arith.constant 0 : i32
      %dma_wait3A_62 = tpu.memref_slice %arg3[%add3A, %run_scoped3A, %dma_wait3A, %dma_wait3A_61] : memref<32x2x40x128xi32, #tpu.memory_space<hbm>> -> memref<1x1x40x128xi32, #tpu.memory_space<hbm>>
      %dma_wait3A_63 = tpu.memref_squeeze %dma_wait3A_62 : memref<1x1x40x128xi32, #tpu.memory_space<hbm>> -> memref<40x128xi32, #tpu.memory_space<hbm>>
      %dma_wait3A_64 = arith.constant 0 : i32
      %dma_wait3A_65 = arith.constant 0 : i32
      %dma_wait3A_66 = tpu.memref_slice %arg3[%add3A, %run_scoped3A, %dma_wait3A_64, %dma_wait3A_65] : memref<32x2x40x128xi32, #tpu.memory_space<hbm>> -> memref<1x1x40x128xi32, #tpu.memory_space<hbm>>
      %dma_wait3A_67 = tpu.memref_squeeze %dma_wait3A_66 : memref<1x1x40x128xi32, #tpu.memory_space<hbm>> -> memref<40x128xi32, #tpu.memory_space<hbm>>
      tpu.wait_dma2 semaphore(%run_scoped3A_52 : memref<!tpu.dma_semaphore, #tpu.memory_space<semaphore_mem>>) src(%dma_wait3A_67 : memref<40x128xi32, #tpu.memory_space<hbm>>) dst(%arg9 : memref<40x128xi32, #tpu.memory_space<vmem>>)
      tpu.yield
    }) : () -> ()
    %run_scoped3A_3 = arith.constant 0 : i32
    "tpu.region"() ({
      %run_scoped3A_52 = tpu.sem_alloc : memref<!tpu.dma_semaphore, #tpu.memory_space<semaphore_mem>>
      %dma_start3A_53 = arith.constant 0 : i32
      %dma_start3A_54 = arith.constant 0 : i32
      %dma_start3A_55 = tpu.memref_slice %arg4[%add3A, %run_scoped3A_3, %dma_start3A_53, %dma_start3A_54] : memref<32x2x40x128xi32, #tpu.memory_space<hbm>> -> memref<1x1x40x128xi32, #tpu.memory_space<hbm>>
      %dma_start3A_56 = tpu.memref_squeeze %dma_start3A_55 : memref<1x1x40x128xi32, #tpu.memory_space<hbm>> -> memref<40x128xi32, #tpu.memory_space<hbm>>
      %dma_start3A_57 = arith.constant 0 : i32
      %dma_start3A_58 = arith.constant 0 : i32
      %dma_start3A_59 = tpu.memref_slice %arg4[%add3A, %run_scoped3A_3, %dma_start3A_57, %dma_start3A_58] : memref<32x2x40x128xi32, #tpu.memory_space<hbm>> -> memref<1x1x40x128xi32, #tpu.memory_space<hbm>>
      %dma_start3A_60 = tpu.memref_squeeze %dma_start3A_59 : memref<1x1x40x128xi32, #tpu.memory_space<hbm>> -> memref<40x128xi32, #tpu.memory_space<hbm>>
      tpu.enqueue_dma source(%dma_start3A_60 : memref<40x128xi32, #tpu.memory_space<hbm>>) target(%arg10 : memref<40x128xi32, #tpu.memory_space<vmem>>) target_semaphore(%run_scoped3A_52 : memref<!tpu.dma_semaphore, #tpu.memory_space<semaphore_mem>>)
      %dma_wait3A = arith.constant 0 : i32
      %dma_wait3A_61 = arith.constant 0 : i32
      %dma_wait3A_62 = tpu.memref_slice %arg4[%add3A, %run_scoped3A_3, %dma_wait3A, %dma_wait3A_61] : memref<32x2x40x128xi32, #tpu.memory_space<hbm>> -> memref<1x1x40x128xi32, #tpu.memory_space<hbm>>
      %dma_wait3A_63 = tpu.memref_squeeze %dma_wait3A_62 : memref<1x1x40x128xi32, #tpu.memory_space<hbm>> -> memref<40x128xi32, #tpu.memory_space<hbm>>
      %dma_wait3A_64 = arith.constant 0 : i32
      %dma_wait3A_65 = arith.constant 0 : i32
      %dma_wait3A_66 = tpu.memref_slice %arg4[%add3A, %run_scoped3A_3, %dma_wait3A_64, %dma_wait3A_65] : memref<32x2x40x128xi32, #tpu.memory_space<hbm>> -> memref<1x1x40x128xi32, #tpu.memory_space<hbm>>
      %dma_wait3A_67 = tpu.memref_squeeze %dma_wait3A_66 : memref<1x1x40x128xi32, #tpu.memory_space<hbm>> -> memref<40x128xi32, #tpu.memory_space<hbm>>
      tpu.wait_dma2 semaphore(%run_scoped3A_52 : memref<!tpu.dma_semaphore, #tpu.memory_space<semaphore_mem>>) src(%dma_wait3A_67 : memref<40x128xi32, #tpu.memory_space<hbm>>) dst(%arg10 : memref<40x128xi32, #tpu.memory_space<vmem>>)
      tpu.yield
    }) : () -> ()
    %dma_start3A = arith.constant 0 : i32
    %dma_start3A_4 = arith.constant 0 : i32
    %dma_start3A_5 = tpu.memref_slice %arg9[%dma_start3A, %dma_start3A_4] : memref<40x128xi32, #tpu.memory_space<vmem>> -> memref<1x128xi32, #tpu.memory_space<vmem>>
    %dma_start3A_6 = tpu.memref_squeeze %dma_start3A_5 : memref<1x128xi32, #tpu.memory_space<vmem>> -> memref<128xi32, #tpu.memory_space<vmem>>
    %dma_start3A_7 = arith.constant 0 : i32
    %dma_start3A_8 = arith.constant 0 : i32
    %dma_start3A_9 = tpu.memref_slice %arg2[%dma_start3A_7, %dma_start3A_8] : memref<10000x128xf32, #tpu.memory_space<hbm>> -> memref<10000x128xf32, #tpu.memory_space<hbm>>
    tpu.enqueue_indirect_dma source(%dma_start3A_9 : memref<10000x128xf32, #tpu.memory_space<hbm>>) target(%arg11 : memref<128x128xf32, #tpu.memory_space<vmem>>) offsets(%dma_start3A_6 : memref<128xi32, #tpu.memory_space<vmem>>) semaphore(%arg13 : memref<!tpu.dma_semaphore, #tpu.memory_space<semaphore_mem>>)
    %dma_start3A_10 = arith.constant 1 : i32
    %dma_start3A_11 = arith.constant 0 : i32
    %dma_start3A_12 = tpu.memref_slice %arg9[%dma_start3A_10, %dma_start3A_11] : memref<40x128xi32, #tpu.memory_space<vmem>> -> memref<1x128xi32, #tpu.memory_space<vmem>>
    %dma_start3A_13 = tpu.memref_squeeze %dma_start3A_12 : memref<1x128xi32, #tpu.memory_space<vmem>> -> memref<128xi32, #tpu.memory_space<vmem>>
    %dma_start3A_14 = arith.constant 0 : i32
    %dma_start3A_15 = arith.constant 0 : i32
    %dma_start3A_16 = tpu.memref_slice %arg2[%dma_start3A_14, %dma_start3A_15] : memref<10000x128xf32, #tpu.memory_space<hbm>> -> memref<10000x128xf32, #tpu.memory_space<hbm>>
    tpu.enqueue_indirect_dma source(%dma_start3A_16 : memref<10000x128xf32, #tpu.memory_space<hbm>>) target(%arg12 : memref<128x128xf32, #tpu.memory_space<vmem>>) offsets(%dma_start3A_13 : memref<128xi32, #tpu.memory_space<vmem>>) semaphore(%arg13 : memref<!tpu.dma_semaphore, #tpu.memory_space<semaphore_mem>>)
    %scan3A = arith.constant 0 : i32
    %scan3A_17 = arith.constant 0 : i32
    %scan3A_18 = arith.constant 20 : i32
    %scan3A_19 = arith.addi %scan3A_17, %scan3A_18 : i32
    %scan3A_20 = arith.constant 1 : i32
    scf.for %scan3A_52 = %scan3A_17 to %scan3A_19 step %scan3A_20  : i32 {
      %mul3A_53 = arith.constant 2 : i32
      %mul3A_54 = arith.muli %scan3A_52, %mul3A_53 : i32
      %add3A_55 = arith.constant 0 : i32
      %add3A_56 = arith.addi %mul3A_54, %add3A_55 : i32
      %dma_wait3A = arith.constant 0 : i32
      %dma_wait3A_57 = tpu.memref_slice %arg9[%add3A_56, %dma_wait3A] : memref<40x128xi32, #tpu.memory_space<vmem>> -> memref<1x128xi32, #tpu.memory_space<vmem>>
      %dma_wait3A_58 = tpu.memref_squeeze %dma_wait3A_57 : memref<1x128xi32, #tpu.memory_space<vmem>> -> memref<128xi32, #tpu.memory_space<vmem>>
      %dma_wait3A_59 = arith.constant 0 : i32
      %dma_wait3A_60 = arith.constant 0 : i32
      %dma_wait3A_61 = tpu.memref_slice %arg2[%dma_wait3A_59, %dma_wait3A_60] : memref<10000x128xf32, #tpu.memory_space<hbm>> -> memref<10000x128xf32, #tpu.memory_space<hbm>>
      tpu.wait_indirect_dma semaphore(%arg13 : memref<!tpu.dma_semaphore, #tpu.memory_space<semaphore_mem>>) src(%dma_wait3A_61 : memref<10000x128xf32, #tpu.memory_space<hbm>>) dst(%arg11 : memref<128x128xf32, #tpu.memory_space<vmem>>)
      %dma_start3A_62 = arith.constant 0 : i32
      %dma_start3A_63 = tpu.memref_slice %arg10[%add3A_56, %dma_start3A_62] : memref<40x128xi32, #tpu.memory_space<vmem>> -> memref<1x128xi32, #tpu.memory_space<vmem>>
      %dma_start3A_64 = tpu.memref_squeeze %dma_start3A_63 : memref<1x128xi32, #tpu.memory_space<vmem>> -> memref<128xi32, #tpu.memory_space<vmem>>
      %dma_start3A_65 = arith.constant 0 : i32
      %dma_start3A_66 = arith.constant 0 : i32
      %dma_start3A_67 = tpu.memref_slice %arg8[%dma_start3A_65, %dma_start3A_66] : memref<10112x128xf32, #tpu.memory_space<vmem_shared>> -> memref<10112x128xf32, #tpu.memory_space<vmem_shared>>
      tpu.enqueue_indirect_dma source(%arg11 : memref<128x128xf32, #tpu.memory_space<vmem>>) target(%dma_start3A_67 : memref<10112x128xf32, #tpu.memory_space<vmem_shared>>) offsets(%dma_start3A_64 : memref<128xi32, #tpu.memory_space<vmem>>) semaphore(%arg14 : memref<!tpu.dma_semaphore, #tpu.memory_space<semaphore_mem>>) {add = true}
      %add3A_68 = arith.constant 1 : i32
      %add3A_69 = arith.addi %mul3A_54, %add3A_68 : i32
      %dma_wait3A_70 = arith.constant 0 : i32
      %dma_wait3A_71 = tpu.memref_slice %arg9[%add3A_69, %dma_wait3A_70] : memref<40x128xi32, #tpu.memory_space<vmem>> -> memref<1x128xi32, #tpu.memory_space<vmem>>
      %dma_wait3A_72 = tpu.memref_squeeze %dma_wait3A_71 : memref<1x128xi32, #tpu.memory_space<vmem>> -> memref<128xi32, #tpu.memory_space<vmem>>
      %dma_wait3A_73 = arith.constant 0 : i32
      %dma_wait3A_74 = arith.constant 0 : i32
      %dma_wait3A_75 = tpu.memref_slice %arg2[%dma_wait3A_73, %dma_wait3A_74] : memref<10000x128xf32, #tpu.memory_space<hbm>> -> memref<10000x128xf32, #tpu.memory_space<hbm>>
      tpu.wait_indirect_dma semaphore(%arg13 : memref<!tpu.dma_semaphore, #tpu.memory_space<semaphore_mem>>) src(%dma_wait3A_75 : memref<10000x128xf32, #tpu.memory_space<hbm>>) dst(%arg12 : memref<128x128xf32, #tpu.memory_space<vmem>>)
      %dma_start3A_76 = arith.constant 0 : i32
      %dma_start3A_77 = tpu.memref_slice %arg10[%add3A_69, %dma_start3A_76] : memref<40x128xi32, #tpu.memory_space<vmem>> -> memref<1x128xi32, #tpu.memory_space<vmem>>
      %dma_start3A_78 = tpu.memref_squeeze %dma_start3A_77 : memref<1x128xi32, #tpu.memory_space<vmem>> -> memref<128xi32, #tpu.memory_space<vmem>>
      %dma_start3A_79 = arith.constant 0 : i32
      %dma_start3A_80 = arith.constant 0 : i32
      %dma_start3A_81 = tpu.memref_slice %arg8[%dma_start3A_79, %dma_start3A_80] : memref<10112x128xf32, #tpu.memory_space<vmem_shared>> -> memref<10112x128xf32, #tpu.memory_space<vmem_shared>>
      tpu.enqueue_indirect_dma source(%arg12 : memref<128x128xf32, #tpu.memory_space<vmem>>) target(%dma_start3A_81 : memref<10112x128xf32, #tpu.memory_space<vmem_shared>>) offsets(%dma_start3A_78 : memref<128xi32, #tpu.memory_space<vmem>>) semaphore(%arg14 : memref<!tpu.dma_semaphore, #tpu.memory_space<semaphore_mem>>) {add = true}
      %add3A_82 = arith.constant 0 : i32
      %add3A_83 = arith.addi %mul3A_54, %add3A_82 : i32
      %dma_wait3A_84 = arith.constant 0 : i32
      %dma_wait3A_85 = tpu.memref_slice %arg10[%add3A_83, %dma_wait3A_84] : memref<40x128xi32, #tpu.memory_space<vmem>> -> memref<1x128xi32, #tpu.memory_space<vmem>>
      %dma_wait3A_86 = tpu.memref_squeeze %dma_wait3A_85 : memref<1x128xi32, #tpu.memory_space<vmem>> -> memref<128xi32, #tpu.memory_space<vmem>>
      %dma_wait3A_87 = arith.constant 0 : i32
      %dma_wait3A_88 = arith.constant 0 : i32
      %dma_wait3A_89 = tpu.memref_slice %arg8[%dma_wait3A_87, %dma_wait3A_88] : memref<10112x128xf32, #tpu.memory_space<vmem_shared>> -> memref<10112x128xf32, #tpu.memory_space<vmem_shared>>
      tpu.wait_indirect_dma semaphore(%arg14 : memref<!tpu.dma_semaphore, #tpu.memory_space<semaphore_mem>>) src(%arg11 : memref<128x128xf32, #tpu.memory_space<vmem>>) dst(%dma_wait3A_89 : memref<10112x128xf32, #tpu.memory_space<vmem_shared>>)
      %add3A_90 = arith.constant 2 : i32
      %add3A_91 = arith.addi %add3A_83, %add3A_90 : i32
      %lt3A = arith.constant 40 : i32
      %lt3A_92 = arith.cmpi slt, %add3A_91, %lt3A : i32
      %convert_element_type3A_93 = arith.extui %lt3A_92 : i1 to i32
      %cond3A_94 = arith.constant 0 : i32
      %cond3A_95 = arith.cmpi ne, %convert_element_type3A_93, %cond3A_94 : i32
      scf.if %cond3A_95 {
        %add3A_111 = arith.constant 2 : i32
        %add3A_112 = arith.addi %add3A_83, %add3A_111 : i32
        %dma_start3A_113 = arith.constant 0 : i32
        %dma_start3A_114 = tpu.memref_slice %arg9[%add3A_112, %dma_start3A_113] : memref<40x128xi32, #tpu.memory_space<vmem>> -> memref<1x128xi32, #tpu.memory_space<vmem>>
        %dma_start3A_115 = tpu.memref_squeeze %dma_start3A_114 : memref<1x128xi32, #tpu.memory_space<vmem>> -> memref<128xi32, #tpu.memory_space<vmem>>
        %dma_start3A_116 = arith.constant 0 : i32
        %dma_start3A_117 = arith.constant 0 : i32
        %dma_start3A_118 = tpu.memref_slice %arg2[%dma_start3A_116, %dma_start3A_117] : memref<10000x128xf32, #tpu.memory_space<hbm>> -> memref<10000x128xf32, #tpu.memory_space<hbm>>
        tpu.enqueue_indirect_dma source(%dma_start3A_118 : memref<10000x128xf32, #tpu.memory_space<hbm>>) target(%arg11 : memref<128x128xf32, #tpu.memory_space<vmem>>) offsets(%dma_start3A_115 : memref<128xi32, #tpu.memory_space<vmem>>) semaphore(%arg13 : memref<!tpu.dma_semaphore, #tpu.memory_space<semaphore_mem>>)
      } else {
      }
      %add3A_96 = arith.constant 1 : i32
      %add3A_97 = arith.addi %mul3A_54, %add3A_96 : i32
      %dma_wait3A_98 = arith.constant 0 : i32
      %dma_wait3A_99 = tpu.memref_slice %arg10[%add3A_97, %dma_wait3A_98] : memref<40x128xi32, #tpu.memory_space<vmem>> -> memref<1x128xi32, #tpu.memory_space<vmem>>
      %dma_wait3A_100 = tpu.memref_squeeze %dma_wait3A_99 : memref<1x128xi32, #tpu.memory_space<vmem>> -> memref<128xi32, #tpu.memory_space<vmem>>
      %dma_wait3A_101 = arith.constant 0 : i32
      %dma_wait3A_102 = arith.constant 0 : i32
      %dma_wait3A_103 = tpu.memref_slice %arg8[%dma_wait3A_101, %dma_wait3A_102] : memref<10112x128xf32, #tpu.memory_space<vmem_shared>> -> memref<10112x128xf32, #tpu.memory_space<vmem_shared>>
      tpu.wait_indirect_dma semaphore(%arg14 : memref<!tpu.dma_semaphore, #tpu.memory_space<semaphore_mem>>) src(%arg12 : memref<128x128xf32, #tpu.memory_space<vmem>>) dst(%dma_wait3A_103 : memref<10112x128xf32, #tpu.memory_space<vmem_shared>>)
      %add3A_104 = arith.constant 2 : i32
      %add3A_105 = arith.addi %add3A_97, %add3A_104 : i32
      %lt3A_106 = arith.constant 40 : i32
      %lt3A_107 = arith.cmpi slt, %add3A_105, %lt3A_106 : i32
      %convert_element_type3A_108 = arith.extui %lt3A_107 : i1 to i32
      %cond3A_109 = arith.constant 0 : i32
      %cond3A_110 = arith.cmpi ne, %convert_element_type3A_108, %cond3A_109 : i32
      scf.if %cond3A_110 {
        %add3A_111 = arith.constant 2 : i32
        %add3A_112 = arith.addi %add3A_97, %add3A_111 : i32
        %dma_start3A_113 = arith.constant 0 : i32
        %dma_start3A_114 = tpu.memref_slice %arg9[%add3A_112, %dma_start3A_113] : memref<40x128xi32, #tpu.memory_space<vmem>> -> memref<1x128xi32, #tpu.memory_space<vmem>>
        %dma_start3A_115 = tpu.memref_squeeze %dma_start3A_114 : memref<1x128xi32, #tpu.memory_space<vmem>> -> memref<128xi32, #tpu.memory_space<vmem>>
        %dma_start3A_116 = arith.constant 0 : i32
        %dma_start3A_117 = arith.constant 0 : i32
        %dma_start3A_118 = tpu.memref_slice %arg2[%dma_start3A_116, %dma_start3A_117] : memref<10000x128xf32, #tpu.memory_space<hbm>> -> memref<10000x128xf32, #tpu.memory_space<hbm>>
        tpu.enqueue_indirect_dma source(%dma_start3A_118 : memref<10000x128xf32, #tpu.memory_space<hbm>>) target(%arg12 : memref<128x128xf32, #tpu.memory_space<vmem>>) offsets(%dma_start3A_115 : memref<128xi32, #tpu.memory_space<vmem>>) semaphore(%arg13 : memref<!tpu.dma_semaphore, #tpu.memory_space<semaphore_mem>>)
      } else {
      }
    }
    %scan3A_21 = arith.constant 20 : i32
    %run_scoped3A_22 = arith.constant 1 : i32
    "tpu.region"() ({
      %run_scoped3A_52 = tpu.sem_alloc : memref<!tpu.dma_semaphore, #tpu.memory_space<semaphore_mem>>
      %dma_start3A_53 = arith.constant 0 : i32
      %dma_start3A_54 = arith.constant 0 : i32
      %dma_start3A_55 = tpu.memref_slice %arg3[%add3A, %run_scoped3A_22, %dma_start3A_53, %dma_start3A_54] : memref<32x2x40x128xi32, #tpu.memory_space<hbm>> -> memref<1x1x40x128xi32, #tpu.memory_space<hbm>>
      %dma_start3A_56 = tpu.memref_squeeze %dma_start3A_55 : memref<1x1x40x128xi32, #tpu.memory_space<hbm>> -> memref<40x128xi32, #tpu.memory_space<hbm>>
      %dma_start3A_57 = arith.constant 0 : i32
      %dma_start3A_58 = arith.constant 0 : i32
      %dma_start3A_59 = tpu.memref_slice %arg3[%add3A, %run_scoped3A_22, %dma_start3A_57, %dma_start3A_58] : memref<32x2x40x128xi32, #tpu.memory_space<hbm>> -> memref<1x1x40x128xi32, #tpu.memory_space<hbm>>
      %dma_start3A_60 = tpu.memref_squeeze %dma_start3A_59 : memref<1x1x40x128xi32, #tpu.memory_space<hbm>> -> memref<40x128xi32, #tpu.memory_space<hbm>>
      tpu.enqueue_dma source(%dma_start3A_60 : memref<40x128xi32, #tpu.memory_space<hbm>>) target(%arg9 : memref<40x128xi32, #tpu.memory_space<vmem>>) target_semaphore(%run_scoped3A_52 : memref<!tpu.dma_semaphore, #tpu.memory_space<semaphore_mem>>)
      %dma_wait3A = arith.constant 0 : i32
      %dma_wait3A_61 = arith.constant 0 : i32
      %dma_wait3A_62 = tpu.memref_slice %arg3[%add3A, %run_scoped3A_22, %dma_wait3A, %dma_wait3A_61] : memref<32x2x40x128xi32, #tpu.memory_space<hbm>> -> memref<1x1x40x128xi32, #tpu.memory_space<hbm>>
      %dma_wait3A_63 = tpu.memref_squeeze %dma_wait3A_62 : memref<1x1x40x128xi32, #tpu.memory_space<hbm>> -> memref<40x128xi32, #tpu.memory_space<hbm>>
      %dma_wait3A_64 = arith.constant 0 : i32
      %dma_wait3A_65 = arith.constant 0 : i32
      %dma_wait3A_66 = tpu.memref_slice %arg3[%add3A, %run_scoped3A_22, %dma_wait3A_64, %dma_wait3A_65] : memref<32x2x40x128xi32, #tpu.memory_space<hbm>> -> memref<1x1x40x128xi32, #tpu.memory_space<hbm>>
      %dma_wait3A_67 = tpu.memref_squeeze %dma_wait3A_66 : memref<1x1x40x128xi32, #tpu.memory_space<hbm>> -> memref<40x128xi32, #tpu.memory_space<hbm>>
      tpu.wait_dma2 semaphore(%run_scoped3A_52 : memref<!tpu.dma_semaphore, #tpu.memory_space<semaphore_mem>>) src(%dma_wait3A_67 : memref<40x128xi32, #tpu.memory_space<hbm>>) dst(%arg9 : memref<40x128xi32, #tpu.memory_space<vmem>>)
      tpu.yield
    }) : () -> ()
    %run_scoped3A_23 = arith.constant 1 : i32
    "tpu.region"() ({
      %run_scoped3A_52 = tpu.sem_alloc : memref<!tpu.dma_semaphore, #tpu.memory_space<semaphore_mem>>
      %dma_start3A_53 = arith.constant 0 : i32
      %dma_start3A_54 = arith.constant 0 : i32
      %dma_start3A_55 = tpu.memref_slice %arg4[%add3A, %run_scoped3A_23, %dma_start3A_53, %dma_start3A_54] : memref<32x2x40x128xi32, #tpu.memory_space<hbm>> -> memref<1x1x40x128xi32, #tpu.memory_space<hbm>>
      %dma_start3A_56 = tpu.memref_squeeze %dma_start3A_55 : memref<1x1x40x128xi32, #tpu.memory_space<hbm>> -> memref<40x128xi32, #tpu.memory_space<hbm>>
      %dma_start3A_57 = arith.constant 0 : i32
      %dma_start3A_58 = arith.constant 0 : i32
      %dma_start3A_59 = tpu.memref_slice %arg4[%add3A, %run_scoped3A_23, %dma_start3A_57, %dma_start3A_58] : memref<32x2x40x128xi32, #tpu.memory_space<hbm>> -> memref<1x1x40x128xi32, #tpu.memory_space<hbm>>
      %dma_start3A_60 = tpu.memref_squeeze %dma_start3A_59 : memref<1x1x40x128xi32, #tpu.memory_space<hbm>> -> memref<40x128xi32, #tpu.memory_space<hbm>>
      tpu.enqueue_dma source(%dma_start3A_60 : memref<40x128xi32, #tpu.memory_space<hbm>>) target(%arg10 : memref<40x128xi32, #tpu.memory_space<vmem>>) target_semaphore(%run_scoped3A_52 : memref<!tpu.dma_semaphore, #tpu.memory_space<semaphore_mem>>)
      %dma_wait3A = arith.constant 0 : i32
      %dma_wait3A_61 = arith.constant 0 : i32
      %dma_wait3A_62 = tpu.memref_slice %arg4[%add3A, %run_scoped3A_23, %dma_wait3A, %dma_wait3A_61] : memref<32x2x40x128xi32, #tpu.memory_space<hbm>> -> memref<1x1x40x128xi32, #tpu.memory_space<hbm>>
      %dma_wait3A_63 = tpu.memref_squeeze %dma_wait3A_62 : memref<1x1x40x128xi32, #tpu.memory_space<hbm>> -> memref<40x128xi32, #tpu.memory_space<hbm>>
      %dma_wait3A_64 = arith.constant 0 : i32
      %dma_wait3A_65 = arith.constant 0 : i32
      %dma_wait3A_66 = tpu.memref_slice %arg4[%add3A, %run_scoped3A_23, %dma_wait3A_64, %dma_wait3A_65] : memref<32x2x40x128xi32, #tpu.memory_space<hbm>> -> memref<1x1x40x128xi32, #tpu.memory_space<hbm>>
      %dma_wait3A_67 = tpu.memref_squeeze %dma_wait3A_66 : memref<1x1x40x128xi32, #tpu.memory_space<hbm>> -> memref<40x128xi32, #tpu.memory_space<hbm>>
      tpu.wait_dma2 semaphore(%run_scoped3A_52 : memref<!tpu.dma_semaphore, #tpu.memory_space<semaphore_mem>>) src(%dma_wait3A_67 : memref<40x128xi32, #tpu.memory_space<hbm>>) dst(%arg10 : memref<40x128xi32, #tpu.memory_space<vmem>>)
      tpu.yield
    }) : () -> ()
    %dma_start3A_24 = arith.constant 0 : i32
    %dma_start3A_25 = arith.constant 0 : i32
    %dma_start3A_26 = tpu.memref_slice %arg9[%dma_start3A_24, %dma_start3A_25] : memref<40x128xi32, #tpu.memory_space<vmem>> -> memref<1x128xi32, #tpu.memory_space<vmem>>
    %dma_start3A_27 = tpu.memref_squeeze %dma_start3A_26 : memref<1x128xi32, #tpu.memory_space<vmem>> -> memref<128xi32, #tpu.memory_space<vmem>>
    %dma_start3A_28 = arith.constant 0 : i32
    %dma_start3A_29 = arith.constant 0 : i32
    %dma_start3A_30 = tpu.memref_slice %arg2[%dma_start3A_28, %dma_start3A_29] : memref<10000x128xf32, #tpu.memory_space<hbm>> -> memref<10000x128xf32, #tpu.memory_space<hbm>>
    tpu.enqueue_indirect_dma source(%dma_start3A_30 : memref<10000x128xf32, #tpu.memory_space<hbm>>) target(%arg11 : memref<128x128xf32, #tpu.memory_space<vmem>>) offsets(%dma_start3A_27 : memref<128xi32, #tpu.memory_space<vmem>>) semaphore(%arg13 : memref<!tpu.dma_semaphore, #tpu.memory_space<semaphore_mem>>)
    %dma_start3A_31 = arith.constant 1 : i32
    %dma_start3A_32 = arith.constant 0 : i32
    %dma_start3A_33 = tpu.memref_slice %arg9[%dma_start3A_31, %dma_start3A_32] : memref<40x128xi32, #tpu.memory_space<vmem>> -> memref<1x128xi32, #tpu.memory_space<vmem>>
    %dma_start3A_34 = tpu.memref_squeeze %dma_start3A_33 : memref<1x128xi32, #tpu.memory_space<vmem>> -> memref<128xi32, #tpu.memory_space<vmem>>
    %dma_start3A_35 = arith.constant 0 : i32
    %dma_start3A_36 = arith.constant 0 : i32
    %dma_start3A_37 = tpu.memref_slice %arg2[%dma_start3A_35, %dma_start3A_36] : memref<10000x128xf32, #tpu.memory_space<hbm>> -> memref<10000x128xf32, #tpu.memory_space<hbm>>
    tpu.enqueue_indirect_dma source(%dma_start3A_37 : memref<10000x128xf32, #tpu.memory_space<hbm>>) target(%arg12 : memref<128x128xf32, #tpu.memory_space<vmem>>) offsets(%dma_start3A_34 : memref<128xi32, #tpu.memory_space<vmem>>) semaphore(%arg13 : memref<!tpu.dma_semaphore, #tpu.memory_space<semaphore_mem>>)
    %scan3A_38 = arith.constant 0 : i32
    %scan3A_39 = arith.constant 0 : i32
    %scan3A_40 = arith.constant 20 : i32
    %scan3A_41 = arith.addi %scan3A_39, %scan3A_40 : i32
    %scan3A_42 = arith.constant 1 : i32
    scf.for %scan3A_52 = %scan3A_39 to %scan3A_41 step %scan3A_42  : i32 {
      %mul3A_53 = arith.constant 2 : i32
      %mul3A_54 = arith.muli %scan3A_52, %mul3A_53 : i32
      %add3A_55 = arith.constant 0 : i32
      %add3A_56 = arith.addi %mul3A_54, %add3A_55 : i32
      %dma_wait3A = arith.constant 0 : i32
      %dma_wait3A_57 = tpu.memref_slice %arg9[%add3A_56, %dma_wait3A] : memref<40x128xi32, #tpu.memory_space<vmem>> -> memref<1x128xi32, #tpu.memory_space<vmem>>
      %dma_wait3A_58 = tpu.memref_squeeze %dma_wait3A_57 : memref<1x128xi32, #tpu.memory_space<vmem>> -> memref<128xi32, #tpu.memory_space<vmem>>
      %dma_wait3A_59 = arith.constant 0 : i32
      %dma_wait3A_60 = arith.constant 0 : i32
      %dma_wait3A_61 = tpu.memref_slice %arg2[%dma_wait3A_59, %dma_wait3A_60] : memref<10000x128xf32, #tpu.memory_space<hbm>> -> memref<10000x128xf32, #tpu.memory_space<hbm>>
      tpu.wait_indirect_dma semaphore(%arg13 : memref<!tpu.dma_semaphore, #tpu.memory_space<semaphore_mem>>) src(%dma_wait3A_61 : memref<10000x128xf32, #tpu.memory_space<hbm>>) dst(%arg11 : memref<128x128xf32, #tpu.memory_space<vmem>>)
      %dma_start3A_62 = arith.constant 0 : i32
      %dma_start3A_63 = tpu.memref_slice %arg10[%add3A_56, %dma_start3A_62] : memref<40x128xi32, #tpu.memory_space<vmem>> -> memref<1x128xi32, #tpu.memory_space<vmem>>
      %dma_start3A_64 = tpu.memref_squeeze %dma_start3A_63 : memref<1x128xi32, #tpu.memory_space<vmem>> -> memref<128xi32, #tpu.memory_space<vmem>>
      %dma_start3A_65 = arith.constant 0 : i32
      %dma_start3A_66 = arith.constant 0 : i32
      %dma_start3A_67 = tpu.memref_slice %arg8[%dma_start3A_65, %dma_start3A_66] : memref<10112x128xf32, #tpu.memory_space<vmem_shared>> -> memref<10112x128xf32, #tpu.memory_space<vmem_shared>>
      tpu.enqueue_indirect_dma source(%arg11 : memref<128x128xf32, #tpu.memory_space<vmem>>) target(%dma_start3A_67 : memref<10112x128xf32, #tpu.memory_space<vmem_shared>>) offsets(%dma_start3A_64 : memref<128xi32, #tpu.memory_space<vmem>>) semaphore(%arg14 : memref<!tpu.dma_semaphore, #tpu.memory_space<semaphore_mem>>) {add = true}
      %add3A_68 = arith.constant 1 : i32
      %add3A_69 = arith.addi %mul3A_54, %add3A_68 : i32
      %dma_wait3A_70 = arith.constant 0 : i32
      %dma_wait3A_71 = tpu.memref_slice %arg9[%add3A_69, %dma_wait3A_70] : memref<40x128xi32, #tpu.memory_space<vmem>> -> memref<1x128xi32, #tpu.memory_space<vmem>>
      %dma_wait3A_72 = tpu.memref_squeeze %dma_wait3A_71 : memref<1x128xi32, #tpu.memory_space<vmem>> -> memref<128xi32, #tpu.memory_space<vmem>>
      %dma_wait3A_73 = arith.constant 0 : i32
      %dma_wait3A_74 = arith.constant 0 : i32
      %dma_wait3A_75 = tpu.memref_slice %arg2[%dma_wait3A_73, %dma_wait3A_74] : memref<10000x128xf32, #tpu.memory_space<hbm>> -> memref<10000x128xf32, #tpu.memory_space<hbm>>
      tpu.wait_indirect_dma semaphore(%arg13 : memref<!tpu.dma_semaphore, #tpu.memory_space<semaphore_mem>>) src(%dma_wait3A_75 : memref<10000x128xf32, #tpu.memory_space<hbm>>) dst(%arg12 : memref<128x128xf32, #tpu.memory_space<vmem>>)
      %dma_start3A_76 = arith.constant 0 : i32
      %dma_start3A_77 = tpu.memref_slice %arg10[%add3A_69, %dma_start3A_76] : memref<40x128xi32, #tpu.memory_space<vmem>> -> memref<1x128xi32, #tpu.memory_space<vmem>>
      %dma_start3A_78 = tpu.memref_squeeze %dma_start3A_77 : memref<1x128xi32, #tpu.memory_space<vmem>> -> memref<128xi32, #tpu.memory_space<vmem>>
      %dma_start3A_79 = arith.constant 0 : i32
      %dma_start3A_80 = arith.constant 0 : i32
      %dma_start3A_81 = tpu.memref_slice %arg8[%dma_start3A_79, %dma_start3A_80] : memref<10112x128xf32, #tpu.memory_space<vmem_shared>> -> memref<10112x128xf32, #tpu.memory_space<vmem_shared>>
      tpu.enqueue_indirect_dma source(%arg12 : memref<128x128xf32, #tpu.memory_space<vmem>>) target(%dma_start3A_81 : memref<10112x128xf32, #tpu.memory_space<vmem_shared>>) offsets(%dma_start3A_78 : memref<128xi32, #tpu.memory_space<vmem>>) semaphore(%arg14 : memref<!tpu.dma_semaphore, #tpu.memory_space<semaphore_mem>>) {add = true}
      %add3A_82 = arith.constant 0 : i32
      %add3A_83 = arith.addi %mul3A_54, %add3A_82 : i32
      %dma_wait3A_84 = arith.constant 0 : i32
      %dma_wait3A_85 = tpu.memref_slice %arg10[%add3A_83, %dma_wait3A_84] : memref<40x128xi32, #tpu.memory_space<vmem>> -> memref<1x128xi32, #tpu.memory_space<vmem>>
      %dma_wait3A_86 = tpu.memref_squeeze %dma_wait3A_85 : memref<1x128xi32, #tpu.memory_space<vmem>> -> memref<128xi32, #tpu.memory_space<vmem>>
      %dma_wait3A_87 = arith.constant 0 : i32
      %dma_wait3A_88 = arith.constant 0 : i32
      %dma_wait3A_89 = tpu.memref_slice %arg8[%dma_wait3A_87, %dma_wait3A_88] : memref<10112x128xf32, #tpu.memory_space<vmem_shared>> -> memref<10112x128xf32, #tpu.memory_space<vmem_shared>>
      tpu.wait_indirect_dma semaphore(%arg14 : memref<!tpu.dma_semaphore, #tpu.memory_space<semaphore_mem>>) src(%arg11 : memref<128x128xf32, #tpu.memory_space<vmem>>) dst(%dma_wait3A_89 : memref<10112x128xf32, #tpu.memory_space<vmem_shared>>)
      %add3A_90 = arith.constant 2 : i32
      %add3A_91 = arith.addi %add3A_83, %add3A_90 : i32
      %lt3A = arith.constant 40 : i32
      %lt3A_92 = arith.cmpi slt, %add3A_91, %lt3A : i32
      %convert_element_type3A_93 = arith.extui %lt3A_92 : i1 to i32
      %cond3A_94 = arith.constant 0 : i32
      %cond3A_95 = arith.cmpi ne, %convert_element_type3A_93, %cond3A_94 : i32
      scf.if %cond3A_95 {
        %add3A_111 = arith.constant 2 : i32
        %add3A_112 = arith.addi %add3A_83, %add3A_111 : i32
        %dma_start3A_113 = arith.constant 0 : i32
        %dma_start3A_114 = tpu.memref_slice %arg9[%add3A_112, %dma_start3A_113] : memref<40x128xi32, #tpu.memory_space<vmem>> -> memref<1x128xi32, #tpu.memory_space<vmem>>
        %dma_start3A_115 = tpu.memref_squeeze %dma_start3A_114 : memref<1x128xi32, #tpu.memory_space<vmem>> -> memref<128xi32, #tpu.memory_space<vmem>>
        %dma_start3A_116 = arith.constant 0 : i32
        %dma_start3A_117 = arith.constant 0 : i32
        %dma_start3A_118 = tpu.memref_slice %arg2[%dma_start3A_116, %dma_start3A_117] : memref<10000x128xf32, #tpu.memory_space<hbm>> -> memref<10000x128xf32, #tpu.memory_space<hbm>>
        tpu.enqueue_indirect_dma source(%dma_start3A_118 : memref<10000x128xf32, #tpu.memory_space<hbm>>) target(%arg11 : memref<128x128xf32, #tpu.memory_space<vmem>>) offsets(%dma_start3A_115 : memref<128xi32, #tpu.memory_space<vmem>>) semaphore(%arg13 : memref<!tpu.dma_semaphore, #tpu.memory_space<semaphore_mem>>)
      } else {
      }
      %add3A_96 = arith.constant 1 : i32
      %add3A_97 = arith.addi %mul3A_54, %add3A_96 : i32
      %dma_wait3A_98 = arith.constant 0 : i32
      %dma_wait3A_99 = tpu.memref_slice %arg10[%add3A_97, %dma_wait3A_98] : memref<40x128xi32, #tpu.memory_space<vmem>> -> memref<1x128xi32, #tpu.memory_space<vmem>>
      %dma_wait3A_100 = tpu.memref_squeeze %dma_wait3A_99 : memref<1x128xi32, #tpu.memory_space<vmem>> -> memref<128xi32, #tpu.memory_space<vmem>>
      %dma_wait3A_101 = arith.constant 0 : i32
      %dma_wait3A_102 = arith.constant 0 : i32
      %dma_wait3A_103 = tpu.memref_slice %arg8[%dma_wait3A_101, %dma_wait3A_102] : memref<10112x128xf32, #tpu.memory_space<vmem_shared>> -> memref<10112x128xf32, #tpu.memory_space<vmem_shared>>
      tpu.wait_indirect_dma semaphore(%arg14 : memref<!tpu.dma_semaphore, #tpu.memory_space<semaphore_mem>>) src(%arg12 : memref<128x128xf32, #tpu.memory_space<vmem>>) dst(%dma_wait3A_103 : memref<10112x128xf32, #tpu.memory_space<vmem_shared>>)
      %add3A_104 = arith.constant 2 : i32
      %add3A_105 = arith.addi %add3A_97, %add3A_104 : i32
      %lt3A_106 = arith.constant 40 : i32
      %lt3A_107 = arith.cmpi slt, %add3A_105, %lt3A_106 : i32
      %convert_element_type3A_108 = arith.extui %lt3A_107 : i1 to i32
      %cond3A_109 = arith.constant 0 : i32
      %cond3A_110 = arith.cmpi ne, %convert_element_type3A_108, %cond3A_109 : i32
      scf.if %cond3A_110 {
        %add3A_111 = arith.constant 2 : i32
        %add3A_112 = arith.addi %add3A_97, %add3A_111 : i32
        %dma_start3A_113 = arith.constant 0 : i32
        %dma_start3A_114 = tpu.memref_slice %arg9[%add3A_112, %dma_start3A_113] : memref<40x128xi32, #tpu.memory_space<vmem>> -> memref<1x128xi32, #tpu.memory_space<vmem>>
        %dma_start3A_115 = tpu.memref_squeeze %dma_start3A_114 : memref<1x128xi32, #tpu.memory_space<vmem>> -> memref<128xi32, #tpu.memory_space<vmem>>
        %dma_start3A_116 = arith.constant 0 : i32
        %dma_start3A_117 = arith.constant 0 : i32
        %dma_start3A_118 = tpu.memref_slice %arg2[%dma_start3A_116, %dma_start3A_117] : memref<10000x128xf32, #tpu.memory_space<hbm>> -> memref<10000x128xf32, #tpu.memory_space<hbm>>
        tpu.enqueue_indirect_dma source(%dma_start3A_118 : memref<10000x128xf32, #tpu.memory_space<hbm>>) target(%arg12 : memref<128x128xf32, #tpu.memory_space<vmem>>) offsets(%dma_start3A_115 : memref<128xi32, #tpu.memory_space<vmem>>) semaphore(%arg13 : memref<!tpu.dma_semaphore, #tpu.memory_space<semaphore_mem>>)
      } else {
      }
    }
    %scan3A_43 = arith.constant 20 : i32
    %barrier3A_44 = arith.constant 0 : index
    tpu.barrier barrier_id(%barrier3A_44)
    %eq3A = arith.constant 0 : i32
    %eq3A_45 = arith.cmpi eq, %arg0, %eq3A : i32
    %convert_element_type3A = arith.extui %eq3A_45 : i1 to i32
    %cond3A = arith.constant 0 : i32
    %cond3A_46 = arith.cmpi ne, %convert_element_type3A, %cond3A : i32
    scf.if %cond3A_46 {
      %mul3A_52 = arith.constant 632 : i32
      %mul3A_53 = arith.muli %arg1, %mul3A_52 : i32
      %mul3A_54 = arith.constant 632 : i32
      %mul3A_55 = arith.muli %arg1, %mul3A_54 : i32
      "tpu.region"() ({
        %run_scoped3A_56 = tpu.sem_alloc : memref<!tpu.dma_semaphore, #tpu.memory_space<semaphore_mem>>
        %dma_start3A_57 = arith.constant 0 : i32
        %dma_start3A_58 = tpu.memref_slice %arg6[%mul3A_55, %dma_start3A_57] : memref<10112x128xf32, #tpu.memory_space<hbm>> -> memref<632x128xf32, #tpu.memory_space<hbm>>
        %dma_start3A_59 = arith.constant 0 : i32
        %dma_start3A_60 = tpu.memref_slice %arg8[%mul3A_53, %dma_start3A_59] : memref<10112x128xf32, #tpu.memory_space<vmem_shared>> -> memref<632x128xf32, #tpu.memory_space<vmem_shared>>
        tpu.enqueue_dma source(%dma_start3A_60 : memref<632x128xf32, #tpu.memory_space<vmem_shared>>) target(%dma_start3A_58 : memref<632x128xf32, #tpu.memory_space<hbm>>) target_semaphore(%run_scoped3A_56 : memref<!tpu.dma_semaphore, #tpu.memory_space<semaphore_mem>>)
        %dma_wait3A = arith.constant 0 : i32
        %dma_wait3A_61 = tpu.memref_slice %arg6[%mul3A_55, %dma_wait3A] : memref<10112x128xf32, #tpu.memory_space<hbm>> -> memref<632x128xf32, #tpu.memory_space<hbm>>
        %dma_wait3A_62 = arith.constant 0 : i32
        %dma_wait3A_63 = tpu.memref_slice %arg8[%mul3A_53, %dma_wait3A_62] : memref<10112x128xf32, #tpu.memory_space<vmem_shared>> -> memref<632x128xf32, #tpu.memory_space<vmem_shared>>
        tpu.wait_dma2 semaphore(%run_scoped3A_56 : memref<!tpu.dma_semaphore, #tpu.memory_space<semaphore_mem>>) src(%dma_wait3A_63 : memref<632x128xf32, #tpu.memory_space<vmem_shared>>) dst(%dma_wait3A_61 : memref<632x128xf32, #tpu.memory_space<hbm>>)
        tpu.yield
      }) : () -> ()
    } else {
    }
    %eq3A_47 = arith.constant 1 : i32
    %eq3A_48 = arith.cmpi eq, %arg0, %eq3A_47 : i32
    %convert_element_type3A_49 = arith.extui %eq3A_48 : i1 to i32
    %cond3A_50 = arith.constant 0 : i32
    %cond3A_51 = arith.cmpi ne, %convert_element_type3A_49, %cond3A_50 : i32
    scf.if %cond3A_51 {
      %mul3A_52 = arith.constant 632 : i32
      %mul3A_53 = arith.muli %arg1, %mul3A_52 : i32
      %mul3A_54 = arith.constant 632 : i32
      %mul3A_55 = arith.muli %arg1, %mul3A_54 : i32
      "tpu.region"() ({
        %run_scoped3A_56 = tpu.sem_alloc : memref<!tpu.dma_semaphore, #tpu.memory_space<semaphore_mem>>
        %dma_start3A_57 = arith.constant 0 : i32
        %dma_start3A_58 = tpu.memref_slice %arg7[%mul3A_55, %dma_start3A_57] : memref<10112x128xf32, #tpu.memory_space<hbm>> -> memref<632x128xf32, #tpu.memory_space<hbm>>
        %dma_start3A_59 = arith.constant 0 : i32
        %dma_start3A_60 = tpu.memref_slice %arg8[%mul3A_53, %dma_start3A_59] : memref<10112x128xf32, #tpu.memory_space<vmem_shared>> -> memref<632x128xf32, #tpu.memory_space<vmem_shared>>
        tpu.enqueue_dma source(%dma_start3A_60 : memref<632x128xf32, #tpu.memory_space<vmem_shared>>) target(%dma_start3A_58 : memref<632x128xf32, #tpu.memory_space<hbm>>) target_semaphore(%run_scoped3A_56 : memref<!tpu.dma_semaphore, #tpu.memory_space<semaphore_mem>>)
        %dma_wait3A = arith.constant 0 : i32
        %dma_wait3A_61 = tpu.memref_slice %arg7[%mul3A_55, %dma_wait3A] : memref<10112x128xf32, #tpu.memory_space<hbm>> -> memref<632x128xf32, #tpu.memory_space<hbm>>
        %dma_wait3A_62 = arith.constant 0 : i32
        %dma_wait3A_63 = tpu.memref_slice %arg8[%mul3A_53, %dma_wait3A_62] : memref<10112x128xf32, #tpu.memory_space<vmem_shared>> -> memref<632x128xf32, #tpu.memory_space<vmem_shared>>
        tpu.wait_dma2 semaphore(%run_scoped3A_56 : memref<!tpu.dma_semaphore, #tpu.memory_space<semaphore_mem>>) src(%dma_wait3A_63 : memref<632x128xf32, #tpu.memory_space<vmem_shared>>) dst(%dma_wait3A_61 : memref<632x128xf32, #tpu.memory_space<hbm>>)
        tpu.yield
      }) : () -> ()
    } else {
    }
    return
  }
}

module attributes {stable_mosaic.version = 14 : i64} {
  func.func @_mlp_body(%arg0: i32, %arg1: memref<1000x128xf32, #tpu.memory_space<vmem>>, %arg2: memref<1000x128xf32, #tpu.memory_space<vmem>>, %arg3: memref<1000x128xf32, #tpu.memory_space<vmem>>, %arg4: memref<128x128xf32, #tpu.memory_space<vmem>>, %arg5: memref<1x128xf32, #tpu.memory_space<vmem>>, %arg6: memref<128x128xf32, #tpu.memory_space<vmem>>, %arg7: memref<1x128xf32, #tpu.memory_space<vmem>>, %arg8: memref<1000x128xf32, #tpu.memory_space<vmem>>, %arg9: memref<8x128xf32, #tpu.memory_space<vmem>>, %arg10: memref<8x128xf32, #tpu.memory_space<vmem>>) attributes {dimension_semantics = [#tpu.dimension_semantics<arbitrary>], iteration_bounds = array<i64: 10>, scalar_prefetch = 0 : i64, scratch_operands = 0 : i64, tpu.core_type = #tpu.core_type<tc>, window_params = [{transform_indices = @transform_0, window_bounds = array<i64: 1000, 128>}, {transform_indices = @transform_1, window_bounds = array<i64: 1000, 128>}, {transform_indices = @transform_2, window_bounds = array<i64: 1000, 128>}, {pipeline_mode = #tpu.pipeline_mode<synchronous>, transform_indices = @transform_3, window_bounds = array<i64: 128, 128>}, {pipeline_mode = #tpu.pipeline_mode<synchronous>, transform_indices = @transform_4, window_bounds = array<i64: 1, 128>}, {pipeline_mode = #tpu.pipeline_mode<synchronous>, transform_indices = @transform_5, window_bounds = array<i64: 128, 128>}, {pipeline_mode = #tpu.pipeline_mode<synchronous>, transform_indices = @transform_6, window_bounds = array<i64: 1, 128>}, {transform_indices = @transform_7, window_bounds = array<i64: 1000, 128>}, {pipeline_mode = #tpu.pipeline_mode<synchronous>, transform_indices = @transform_8, window_bounds = array<i64: 8, 128>}, {pipeline_mode = #tpu.pipeline_mode<synchronous>, transform_indices = @transform_9, window_bounds = array<i64: 8, 128>}]} {
    %eq3A = arith.constant 0 : i32
    %eq3A_0 = arith.cmpi eq, %arg0, %eq3A : i32
    %convert_element_type3A = arith.extui %eq3A_0 : i1 to i32
    %cond3A = arith.constant 0 : i32
    %cond3A_1 = arith.cmpi ne, %convert_element_type3A, %cond3A : i32
    scf.if %cond3A_1 {
      %broadcast_in_dim3A = arith.constant 0.000000e+00 : f32
      %broadcast_in_dim3A_51 = vector.broadcast %broadcast_in_dim3A : f32 to vector<8x128xf32>
      %swap3A_52 = arith.constant 0 : index
      %swap3A_53 = arith.constant 0 : index
      %swap3A_54 = vector.load %arg9[%swap3A_52, %swap3A_53] : memref<8x128xf32, #tpu.memory_space<vmem>>, vector<8x128xf32>
      tpu.vector_store %arg9[%swap3A_52, %swap3A_53], %broadcast_in_dim3A_51 {strides = array<i32>} : memref<8x128xf32, #tpu.memory_space<vmem>>, vector<8x128xf32>,
      %broadcast_in_dim3A_55 = arith.constant 0.000000e+00 : f32
      %broadcast_in_dim3A_56 = vector.broadcast %broadcast_in_dim3A_55 : f32 to vector<8x128xf32>
      %swap3A_57 = arith.constant 0 : index
      %swap3A_58 = arith.constant 0 : index
      %swap3A_59 = vector.load %arg10[%swap3A_57, %swap3A_58] : memref<8x128xf32, #tpu.memory_space<vmem>>, vector<8x128xf32>
      tpu.vector_store %arg10[%swap3A_57, %swap3A_58], %broadcast_in_dim3A_56 {strides = array<i32>} : memref<8x128xf32, #tpu.memory_space<vmem>>, vector<8x128xf32>,
    } else {
    }
    %get3A = arith.constant 0 : index
    %get3A_2 = arith.constant 0 : index
    %get3A_3 = vector.load %arg1[%get3A, %get3A_2] : memref<1000x128xf32, #tpu.memory_space<vmem>>, vector<1000x128xf32>
    %get3A_4 = arith.constant 0 : index
    %get3A_5 = arith.constant 0 : index
    %get3A_6 = vector.load %arg2[%get3A_4, %get3A_5] : memref<1000x128xf32, #tpu.memory_space<vmem>>, vector<1000x128xf32>
    %add3A = arith.addf %get3A_3, %get3A_6 : vector<1000x128xf32>
    %get3A_7 = arith.constant 0 : index
    %get3A_8 = arith.constant 0 : index
    %get3A_9 = vector.load %arg3[%get3A_7, %get3A_8] : memref<1000x128xf32, #tpu.memory_space<vmem>>, vector<1000x128xf32>
    %add3A_10 = arith.addf %add3A, %get3A_9 : vector<1000x128xf32>
    %get3A_11 = arith.constant 0 : index
    %get3A_12 = arith.constant 0 : index
    %get3A_13 = vector.load %arg4[%get3A_11, %get3A_12] : memref<128x128xf32, #tpu.memory_space<vmem>>, vector<128x128xf32>
    %dot_general3A = arith.constant dense<0.000000e+00> : vector<1000x128xf32>
    %dot_general3A_14 = tpu.matmul %add3A_10, %get3A_13, %dot_general3A {dimension_numbers = #tpu.dot_dimension_numbers<[1], [0], [0], [1], [0, 0, 1, 1], [], []>, transpose_lhs_hint = false} : vector<1000x128xf32>, vector<128x128xf32>, vector<1000x128xf32> -> vector<1000x128xf32>
    %get3A_15 = arith.constant 0 : index
    %get3A_16 = arith.constant 0 : index
    %get3A_17 = vector.load %arg5[%get3A_15, %get3A_16] : memref<1x128xf32, #tpu.memory_space<vmem>>, vector<1x128xf32>
    %add3A_18 = vector.broadcast %get3A_17 : vector<1x128xf32> to vector<1000x128xf32>
    %add3A_19 = arith.addf %dot_general3A_14, %add3A_18 : vector<1000x128xf32>
    %max3A = arith.constant 0.000000e+00 : f32
    %max3A_20 = vector.broadcast %max3A : f32 to vector<1000x128xf32>
    %max3A_21 = arith.maximumf %add3A_19, %max3A_20 : vector<1000x128xf32>
    %get3A_22 = arith.constant 0 : index
    %get3A_23 = arith.constant 0 : index
    %get3A_24 = vector.load %arg6[%get3A_22, %get3A_23] : memref<128x128xf32, #tpu.memory_space<vmem>>, vector<128x128xf32>
    %dot_general3A_25 = arith.constant dense<0.000000e+00> : vector<1000x128xf32>
    %dot_general3A_26 = tpu.matmul %max3A_21, %get3A_24, %dot_general3A_25 {dimension_numbers = #tpu.dot_dimension_numbers<[1], [0], [0], [1], [0, 0, 1, 1], [], []>, transpose_lhs_hint = false} : vector<1000x128xf32>, vector<128x128xf32>, vector<1000x128xf32> -> vector<1000x128xf32>
    %get3A_27 = arith.constant 0 : index
    %get3A_28 = arith.constant 0 : index
    %get3A_29 = vector.load %arg7[%get3A_27, %get3A_28] : memref<1x128xf32, #tpu.memory_space<vmem>>, vector<1x128xf32>
    %add3A_30 = vector.broadcast %get3A_29 : vector<1x128xf32> to vector<1000x128xf32>
    %add3A_31 = arith.addf %dot_general3A_26, %add3A_30 : vector<1000x128xf32>
    %swap3A = arith.constant 0 : index
    %swap3A_32 = arith.constant 0 : index
    %swap3A_33 = vector.load %arg8[%swap3A, %swap3A_32] : memref<1000x128xf32, #tpu.memory_space<vmem>>, vector<1000x128xf32>
    tpu.vector_store %arg8[%swap3A, %swap3A_32], %add3A_31 {strides = array<i32>} : memref<1000x128xf32, #tpu.memory_space<vmem>>, vector<1000x128xf32>,
    %reshape3A = vector.shape_cast %add3A_31 : vector<1000x128xf32> to vector<125x8x128xf32>
    %get3A_34 = arith.constant 0 : index
    %get3A_35 = arith.constant 0 : index
    %get3A_36 = vector.load %arg9[%get3A_34, %get3A_35] : memref<8x128xf32, #tpu.memory_space<vmem>>, vector<8x128xf32>
    %reduce_sum3A = arith.constant dense<0.000000e+00> : vector<8x128xf32>
    %reduce_sum3A_37 = vector.multi_reduction <add>, %reshape3A, %reduce_sum3A [0] : vector<125x8x128xf32> to vector<8x128xf32>
    %add3A_38 = arith.addf %get3A_36, %reduce_sum3A_37 : vector<8x128xf32>
    %swap3A_39 = arith.constant 0 : index
    %swap3A_40 = arith.constant 0 : index
    %swap3A_41 = vector.load %arg9[%swap3A_39, %swap3A_40] : memref<8x128xf32, #tpu.memory_space<vmem>>, vector<8x128xf32>
    tpu.vector_store %arg9[%swap3A_39, %swap3A_40], %add3A_38 {strides = array<i32>} : memref<8x128xf32, #tpu.memory_space<vmem>>, vector<8x128xf32>,
    %get3A_42 = arith.constant 0 : index
    %get3A_43 = arith.constant 0 : index
    %get3A_44 = vector.load %arg10[%get3A_42, %get3A_43] : memref<8x128xf32, #tpu.memory_space<vmem>>, vector<8x128xf32>
    %mul3A = arith.mulf %reshape3A, %reshape3A : vector<125x8x128xf32>
    %reduce_sum3A_45 = arith.constant dense<0.000000e+00> : vector<8x128xf32>
    %reduce_sum3A_46 = vector.multi_reduction <add>, %mul3A, %reduce_sum3A_45 [0] : vector<125x8x128xf32> to vector<8x128xf32>
    %add3A_47 = arith.addf %get3A_44, %reduce_sum3A_46 : vector<8x128xf32>
    %swap3A_48 = arith.constant 0 : index
    %swap3A_49 = arith.constant 0 : index
    %swap3A_50 = vector.load %arg10[%swap3A_48, %swap3A_49] : memref<8x128xf32, #tpu.memory_space<vmem>>, vector<8x128xf32>
    tpu.vector_store %arg10[%swap3A_48, %swap3A_49], %add3A_47 {strides = array<i32>} : memref<8x128xf32, #tpu.memory_space<vmem>>, vector<8x128xf32>,
    return
  }
  func.func @transform_0(%arg0: i32) -> (i32, i32) {
    %c0_i32 = arith.constant 0 : i32
    %c0_i32_0 = arith.constant 0 : i32
    return %arg0, %c0_i32 : i32, i32
  }
  func.func @transform_1(%arg0: i32) -> (i32, i32) {
    %c0_i32 = arith.constant 0 : i32
    %c0_i32_0 = arith.constant 0 : i32
    return %arg0, %c0_i32 : i32, i32
  }
  func.func @transform_2(%arg0: i32) -> (i32, i32) {
    %c0_i32 = arith.constant 0 : i32
    %c0_i32_0 = arith.constant 0 : i32
    return %arg0, %c0_i32 : i32, i32
  }
  func.func @transform_3(%arg0: i32) -> (i32, i32) {
    %c0_i32 = arith.constant 0 : i32
    %c0_i32_0 = arith.constant 0 : i32
    %c0_i32_1 = arith.constant 0 : i32
    return %c0_i32, %c0_i32_0 : i32, i32
  }
  func.func @transform_4(%arg0: i32) -> (i32, i32) {
    %c0_i32 = arith.constant 0 : i32
    %c0_i32_0 = arith.constant 0 : i32
    %c0_i32_1 = arith.constant 0 : i32
    return %c0_i32, %c0_i32_0 : i32, i32
  }
  func.func @transform_5(%arg0: i32) -> (i32, i32) {
    %c0_i32 = arith.constant 0 : i32
    %c0_i32_0 = arith.constant 0 : i32
    %c0_i32_1 = arith.constant 0 : i32
    return %c0_i32, %c0_i32_0 : i32, i32
  }
  func.func @transform_6(%arg0: i32) -> (i32, i32) {
    %c0_i32 = arith.constant 0 : i32
    %c0_i32_0 = arith.constant 0 : i32
    %c0_i32_1 = arith.constant 0 : i32
    return %c0_i32, %c0_i32_0 : i32, i32
  }
  func.func @transform_7(%arg0: i32) -> (i32, i32) {
    %c0_i32 = arith.constant 0 : i32
    %c0_i32_0 = arith.constant 0 : i32
    return %arg0, %c0_i32 : i32, i32
  }
  func.func @transform_8(%arg0: i32) -> (i32, i32) {
    %c0_i32 = arith.constant 0 : i32
    %c0_i32_0 = arith.constant 0 : i32
    %c0_i32_1 = arith.constant 0 : i32
    return %c0_i32, %c0_i32_0 : i32, i32
  }
  func.func @transform_9(%arg0: i32) -> (i32, i32) {
    %c0_i32 = arith.constant 0 : i32
    %c0_i32_0 = arith.constant 0 : i32
    %c0_i32_1 = arith.constant 0 : i32
    return %c0_i32, %c0_i32_0 : i32, i32
  }
}

module attributes {stable_mosaic.version = 14 : i64} {
  func.func @_bn_body(%arg0: i32, %arg1: memref<1000x128xf32, #tpu.memory_space<vmem>>, %arg2: memref<8x128xf32, #tpu.memory_space<vmem>>, %arg3: memref<8x128xf32, #tpu.memory_space<vmem>>, %arg4: memref<1x128xf32, #tpu.memory_space<vmem>>, %arg5: memref<1x128xf32, #tpu.memory_space<vmem>>, %arg6: memref<1000x128xf32, #tpu.memory_space<vmem>>) attributes {dimension_semantics = [#tpu.dimension_semantics<arbitrary>], iteration_bounds = array<i64: 10>, scalar_prefetch = 0 : i64, scratch_operands = 0 : i64, tpu.core_type = #tpu.core_type<tc>, window_params = [{transform_indices = @transform_0, window_bounds = array<i64: 1000, 128>}, {pipeline_mode = #tpu.pipeline_mode<synchronous>, transform_indices = @transform_1, window_bounds = array<i64: 8, 128>}, {pipeline_mode = #tpu.pipeline_mode<synchronous>, transform_indices = @transform_2, window_bounds = array<i64: 8, 128>}, {pipeline_mode = #tpu.pipeline_mode<synchronous>, transform_indices = @transform_3, window_bounds = array<i64: 1, 128>}, {pipeline_mode = #tpu.pipeline_mode<synchronous>, transform_indices = @transform_4, window_bounds = array<i64: 1, 128>}, {transform_indices = @transform_5, window_bounds = array<i64: 1000, 128>}]} {
    %get3A = arith.constant 0 : index
    %get3A_0 = arith.constant 0 : index
    %get3A_1 = vector.load %arg2[%get3A, %get3A_0] : memref<8x128xf32, #tpu.memory_space<vmem>>, vector<8x128xf32>
    %reduce_sum3A = arith.constant dense<0.000000e+00> : vector<128xf32>
    %reduce_sum3A_2 = vector.multi_reduction <add>, %get3A_1, %reduce_sum3A [0] : vector<8x128xf32> to vector<128xf32>
    %broadcast_in_dim3A = vector.shape_cast %reduce_sum3A_2 : vector<128xf32> to vector<1x128xf32>
    %get3A_3 = arith.constant 0 : index
    %get3A_4 = arith.constant 0 : index
    %get3A_5 = vector.load %arg3[%get3A_3, %get3A_4] : memref<8x128xf32, #tpu.memory_space<vmem>>, vector<8x128xf32>
    %reduce_sum3A_6 = arith.constant dense<0.000000e+00> : vector<128xf32>
    %reduce_sum3A_7 = vector.multi_reduction <add>, %get3A_5, %reduce_sum3A_6 [0] : vector<8x128xf32> to vector<128xf32>
    %broadcast_in_dim3A_8 = vector.shape_cast %reduce_sum3A_7 : vector<128xf32> to vector<1x128xf32>
    %div3A = arith.constant 1.000000e+04 : f32
    %div3A_9 = vector.broadcast %div3A : f32 to vector<1x128xf32>
    %div3A_10 = arith.divf %broadcast_in_dim3A, %div3A_9 : vector<1x128xf32>
    %div3A_11 = arith.constant 1.000000e+04 : f32
    %div3A_12 = vector.broadcast %div3A_11 : f32 to vector<1x128xf32>
    %div3A_13 = arith.divf %broadcast_in_dim3A_8, %div3A_12 : vector<1x128xf32>
    %mul3A = arith.mulf %div3A_10, %div3A_10 : vector<1x128xf32>
    %sub3A = arith.subf %div3A_13, %mul3A : vector<1x128xf32>
    %get3A_14 = arith.constant 0 : index
    %get3A_15 = arith.constant 0 : index
    %get3A_16 = vector.load %arg4[%get3A_14, %get3A_15] : memref<1x128xf32, #tpu.memory_space<vmem>>, vector<1x128xf32>
    %add3A = arith.constant 9.99999974E-6 : f32
    %add3A_17 = vector.broadcast %add3A : f32 to vector<1x128xf32>
    %add3A_18 = arith.addf %sub3A, %add3A_17 : vector<1x128xf32>
    %rsqrt3A = math.rsqrt %add3A_18 : vector<1x128xf32>
    %mul3A_19 = arith.mulf %get3A_16, %rsqrt3A : vector<1x128xf32>
    %get3A_20 = arith.constant 0 : index
    %get3A_21 = arith.constant 0 : index
    %get3A_22 = vector.load %arg1[%get3A_20, %get3A_21] : memref<1000x128xf32, #tpu.memory_space<vmem>>, vector<1000x128xf32>
    %sub3A_23 = vector.broadcast %div3A_10 : vector<1x128xf32> to vector<1000x128xf32>
    %sub3A_24 = arith.subf %get3A_22, %sub3A_23 : vector<1000x128xf32>
    %mul3A_25 = vector.broadcast %mul3A_19 : vector<1x128xf32> to vector<1000x128xf32>
    %mul3A_26 = arith.mulf %sub3A_24, %mul3A_25 : vector<1000x128xf32>
    %get3A_27 = arith.constant 0 : index
    %get3A_28 = arith.constant 0 : index
    %get3A_29 = vector.load %arg5[%get3A_27, %get3A_28] : memref<1x128xf32, #tpu.memory_space<vmem>>, vector<1x128xf32>
    %add3A_30 = vector.broadcast %get3A_29 : vector<1x128xf32> to vector<1000x128xf32>
    %add3A_31 = arith.addf %mul3A_26, %add3A_30 : vector<1000x128xf32>
    %max3A = arith.constant 0.000000e+00 : f32
    %max3A_32 = vector.broadcast %max3A : f32 to vector<1000x128xf32>
    %max3A_33 = arith.maximumf %add3A_31, %max3A_32 : vector<1000x128xf32>
    %swap3A = arith.constant 0 : index
    %swap3A_34 = arith.constant 0 : index
    %swap3A_35 = vector.load %arg6[%swap3A, %swap3A_34] : memref<1000x128xf32, #tpu.memory_space<vmem>>, vector<1000x128xf32>
    tpu.vector_store %arg6[%swap3A, %swap3A_34], %max3A_33 {strides = array<i32>} : memref<1000x128xf32, #tpu.memory_space<vmem>>, vector<1000x128xf32>,
    return
  }
  func.func @transform_0(%arg0: i32) -> (i32, i32) {
    %c0_i32 = arith.constant 0 : i32
    %c0_i32_0 = arith.constant 0 : i32
    return %arg0, %c0_i32 : i32, i32
  }
  func.func @transform_1(%arg0: i32) -> (i32, i32) {
    %c0_i32 = arith.constant 0 : i32
    %c0_i32_0 = arith.constant 0 : i32
    %c0_i32_1 = arith.constant 0 : i32
    return %c0_i32, %c0_i32_0 : i32, i32
  }
  func.func @transform_2(%arg0: i32) -> (i32, i32) {
    %c0_i32 = arith.constant 0 : i32
    %c0_i32_0 = arith.constant 0 : i32
    %c0_i32_1 = arith.constant 0 : i32
    return %c0_i32, %c0_i32_0 : i32, i32
  }
  func.func @transform_3(%arg0: i32) -> (i32, i32) {
    %c0_i32 = arith.constant 0 : i32
    %c0_i32_0 = arith.constant 0 : i32
    %c0_i32_1 = arith.constant 0 : i32
    return %c0_i32, %c0_i32_0 : i32, i32
  }
  func.func @transform_4(%arg0: i32) -> (i32, i32) {
    %c0_i32 = arith.constant 0 : i32
    %c0_i32_0 = arith.constant 0 : i32
    %c0_i32_1 = arith.constant 0 : i32
    return %c0_i32, %c0_i32_0 : i32, i32
  }
  func.func @transform_5(%arg0: i32) -> (i32, i32) {
    %c0_i32 = arith.constant 0 : i32
    %c0_i32_0 = arith.constant 0 : i32
    return %arg0, %c0_i32 : i32, i32
  }
}

module attributes {stable_mosaic.version = 14 : i64} {
  func.func @_pool_body(%arg0: memref<10000x128xf32, #tpu.memory_space<vmem>>, %arg1: memref<1x10000xi32, #tpu.memory_space<vmem>>, %arg2: memref<128x128xf32, #tpu.memory_space<vmem>>, %arg3: memref<1x128xf32, #tpu.memory_space<vmem>>, %arg4: memref<64x128xf32, #tpu.memory_space<vmem>>) attributes {dimension_semantics = [], scalar_prefetch = 0 : i64, scratch_operands = 0 : i64, tpu.core_type = #tpu.core_type<tc>} {
    %iota3A = tpu.iota {dimensions = array<i32: 0>} : vector<64x10000xi32>
    %get3A = arith.constant 0 : index
    %get3A_0 = arith.constant 0 : index
    %get3A_1 = vector.load %arg1[%get3A, %get3A_0] : memref<1x10000xi32, #tpu.memory_space<vmem>>, vector<1x10000xi32>
    %eq3A = vector.broadcast %get3A_1 : vector<1x10000xi32> to vector<64x10000xi32>
    %eq3A_2 = arith.cmpi eq, %eq3A, %iota3A : vector<64x10000xi32>
    %convert_element_type3A = arith.extui %eq3A_2 : vector<64x10000xi1> to vector<64x10000xi32>
    %convert_element_type3A_3 = arith.sitofp %convert_element_type3A : vector<64x10000xi32> to vector<64x10000xf32>
    %get3A_4 = arith.constant 0 : index
    %get3A_5 = arith.constant 0 : index
    %get3A_6 = vector.load %arg0[%get3A_4, %get3A_5] : memref<10000x128xf32, #tpu.memory_space<vmem>>, vector<10000x128xf32>
    %dot_general3A = arith.constant dense<0.000000e+00> : vector<64x128xf32>
    %dot_general3A_7 = tpu.matmul %convert_element_type3A_3, %get3A_6, %dot_general3A {dimension_numbers = #tpu.dot_dimension_numbers<[1], [0], [0], [1], [0, 0, 1, 1], [], []>, precision = #tpu.contract_precision<fp32>, transpose_lhs_hint = false} : vector<64x10000xf32>, vector<10000x128xf32>, vector<64x128xf32> -> vector<64x128xf32>
    %reduce_sum3A = arith.constant dense<0.000000e+00> : vector<64xf32>
    %reduce_sum3A_8 = vector.multi_reduction <add>, %convert_element_type3A_3, %reduce_sum3A [1] : vector<64x10000xf32> to vector<64xf32>
    %broadcast_in_dim3A = vector.shape_cast %reduce_sum3A_8 : vector<64xf32> to vector<64x1xf32>
    %max3A = arith.constant 1.000000e+00 : f32
    %max3A_9 = vector.broadcast %max3A : f32 to vector<64x1xf32>
    %max3A_10 = arith.maximumf %broadcast_in_dim3A, %max3A_9 : vector<64x1xf32>
    %div3A = vector.broadcast %max3A_10 : vector<64x1xf32> to vector<64x128xf32>
    %div3A_11 = arith.divf %dot_general3A_7, %div3A : vector<64x128xf32>
    %get3A_12 = arith.constant 0 : index
    %get3A_13 = arith.constant 0 : index
    %get3A_14 = vector.load %arg2[%get3A_12, %get3A_13] : memref<128x128xf32, #tpu.memory_space<vmem>>, vector<128x128xf32>
    %dot_general3A_15 = arith.constant dense<0.000000e+00> : vector<64x128xf32>
    %dot_general3A_16 = tpu.matmul %div3A_11, %get3A_14, %dot_general3A_15 {dimension_numbers = #tpu.dot_dimension_numbers<[1], [0], [0], [1], [0, 0, 1, 1], [], []>, transpose_lhs_hint = false} : vector<64x128xf32>, vector<128x128xf32>, vector<64x128xf32> -> vector<64x128xf32>
    %get3A_17 = arith.constant 0 : index
    %get3A_18 = arith.constant 0 : index
    %get3A_19 = vector.load %arg3[%get3A_17, %get3A_18] : memref<1x128xf32, #tpu.memory_space<vmem>>, vector<1x128xf32>
    %add3A = vector.broadcast %get3A_19 : vector<1x128xf32> to vector<64x128xf32>
    %add3A_20 = arith.addf %dot_general3A_16, %add3A : vector<64x128xf32>
    %swap3A = arith.constant 0 : index
    %swap3A_21 = arith.constant 0 : index
    %swap3A_22 = vector.load %arg4[%swap3A, %swap3A_21] : memref<64x128xf32, #tpu.memory_space<vmem>>, vector<64x128xf32>
    tpu.vector_store %arg4[%swap3A, %swap3A_21], %add3A_20 {strides = array<i32>} : memref<64x128xf32, #tpu.memory_space<vmem>>, vector<64x128xf32>,
    return
  }
}

</mosaic_0001>

<sc_bundles>
// kernel: kernel.12.cloned.1.call-start
scs
__scs_entry_jumppad:
0x0: {  	(pc) =	sbr.rel $0x88, $3  }
0x1: {  	(tag) =	ssettag $0x0;
	lr =	simm.s32 $0x1  }
0x2: {  	[smem:$0x3F8A] =	sst lr;
	_ =	strace $0xD0000000  }
0x3: {  	_ = 	snop  }
0x4: {  	_ = 	snop  }
0x5: {  	_ = 	snop  }
0x6: {  	_ = 	snop  }
0x7: {  	_ = 	snop  }
__scs_overlays_trampoline_lowered:
0x8: {  	[smem:$0x3F99] =	sst s0  }
0x9: {  	[smem:$0x3F9A] =	sst s1  }
0xa: {  	[smem:$0x3F9B] =	sst s2  }
0xb: {  	[smem:$0x3F9C] =	sst s3  }
0xc: {  	[smem:$0x3F9D] =	sst s4  }
0xd: {  	[smem:$0x3F9E] =	sst s5  }
0xe: {  	[smem:$0x3F9F] =	sst s6  }
0xf: {  	[smem:$0x3FA0] =	sst s7  }
0x10: {  	[smem:$0x3FA1] =	sst s8  }
0x11: {  	[smem:$0x3FA2] =	sst s9;
	s0 =	simm.s32 @!p0 $0x0  }
0x12: {  	s1 =	sld [smem:$0x3F88];
	s0 =	simm.s32 @p0 $0x1  }
0x13: {  	[smem:$0x3FA3] =	sst s0;
	s0 =	simm.s32 @!p1 $0x0  }
0x14: {  	s2 =	sld [smem:$0x3F87];
	s0 =	simm.s32 @p1 $0x1  }
0x15: {  	[smem:$0x3FA4] =	sst s0;
	s0 =	simm.s32 @!p2 $0x0  }
0x16: {  	s3 =	sld [smem:$0x3FDB];
	s0 =	simm.s32 @p2 $0x1  }
0x17: {  	s4 =	simm.s32 $0x1BF5;
	[smem:$0x3FA6] =	sst s0  }
0x18: {  	s0 =	sld [smem:$0x3F89];
	_ =	swait.ge [sflag:s4], $0x0  }
0x19: {  	s7 =	sld [smem:$0x3F8A]  }
0x1a: {  	s8 =	sadd.s32 $0xFFFFE003, lr  }
0x1b: {  	s9 =	sadd.s32 $0xFFFFFEF7, lr;
	s5 =	simm.s32 $0xFFFFFFFF;
	p2 =	slt.u32 s8, $0xFFFFF086  }
0x1c: {  	p1 =	slt.u32 s9, $0xF7A;
	s5 =	simm.s32 @!p2 $0x0  }
0x1d: {  	s5 =	simm.s32 @p1 $0x1;
	p0 =	seq.s32 s7, s2  }
0x1e: {  	s7 =	smul.u32 @!p0 $0xF7A, s2;
	p2 =	seq.s32 @!p0 s5, $0x0  }
0x1f: {  	s9 =	smul.u32 $0xF7A, s1;
	s8 =	simm.s32 @!p0 $0x1BF5;
	p2 =	por !p2, p0  }
0x20: {  	[sflag:s8] =	ssyncset.s32 @!p0 $0xFFFFF086;
	s6 =	sadd.s32 @!p0 s3, s7;
	s7 =	simm.s32 @!p0 $0x108  }
0x21: {  	s3 =	sadd.s32 s3, s9;
	s6 =	sadd.s32 @!p0 $0x88, s6;
	s7 =	simm.s32 @p2 $0x1082  }
0x22: {  	[simem:s7], [sflag:s8] =	dma.local @!p0 [hbm:s6], $0xF7A  }
0x23: {  	s9 =	sor.u32 $0xD0000000, s2;
	s6 =	simm.s32 $0x108;
	_ =	swait.ge @!p0 [sflag:s8], $0x0  }
0x24: {  	s3 =	sadd.s32 $0x88, s3;
	s6 =	simm.s32 @!p1 $0x1082;
	[sflag:s4] =	ssyncset.s32 $0xFFFFF086  }
0x25: {  	[simem:s6], [sflag:s4] =	dma.local [hbm:s3], $0xF7A  }
0x26: {  	[smem:$0x3F8A] =	sst s1;
	(tag) =	ssettag s2;
	_ =	strace s9  }
0x27: {  	s1 =	sld [smem:$0x3F9A]  }
0x28: {  	s2 =	sld [smem:$0x3F9B]  }
0x29: {  	s4 =	sld [smem:$0x3F9D]  }
0x2a: {  	p0 =	seq.s32 s5, $0x0;
	s5 =	sld [smem:$0x3F9E]  }
0x2b: {  	s6 =	sld [smem:$0x3F9F]  }
0x2c: {  	s7 =	sld [smem:$0x3FA0]  }
0x2d: {  	s3 =	simm.s32 $0x108;
	s8 =	sld [smem:$0x3FA1]  }
0x2e: {  	s3 =	simm.s32 @!p0 $0x1082;
	s9 =	sld [smem:$0x3FA2]  }
0x2f: {  	lr =	sadd.s32 s0, s3;
	s0 =	sld [smem:$0x3F99]  }
0x30: {  	s3 =	sld [smem:$0x3F9C]  }
0x31: {  	[smem:$0x3FA5] =	sst s10  }
0x32: {  	s10 =	sld [smem:$0x3FA3];
	_ =	sdelay $0x3  }
0x33: {  	p0 =	seq.s32 s10, $0x1;
	s10 =	sld [smem:$0x3FA5];
	_ =	sdelay $0x3  }
0x34: {  	[smem:$0x3FA5] =	sst s10  }
0x35: {  	s10 =	sld [smem:$0x3FA4];
	_ =	sdelay $0x3  }
0x36: {  	p1 =	seq.s32 s10, $0x1;
	s10 =	sld [smem:$0x3FA5];
	_ =	sdelay $0x3  }
0x37: {  	[smem:$0x3FA5] =	sst s10  }
0x38: {  	s10 =	sld [smem:$0x3FA6]  }
0x39: {  	_ = 	snop;
	(pc) =	sbr.ind lr, $3  }
0x3a: {  	_ = 	snop  }
0x3b: {  	_ = 	snop  }
0x3c: {  	p2 =	seq.s32 s10, $0x1;
	s10 =	sld [smem:$0x3FA5]  }
0x3d: {  	_ =	shalt  }
0x3e: {  	_ =	shalt  }
0x3f: {  	_ =	shalt  }
0x40: {  	_ =	shalt  }
0x41: {  	_ =	shalt  }
0x42: {  	_ =	shalt  }
0x43: {  	_ =	shalt  }
0x44: {  	_ =	shalt  }
0x45: {  	_ =	shalt  }
0x46: {  	_ =	shalt  }
0x47: {  	_ =	shalt  }
0x48: {  	_ =	shalt  }
0x49: {  	_ =	shalt  }
0x4a: {  	_ =	shalt  }
0x4b: {  	_ =	shalt  }
0x4c: {  	_ =	shalt  }
0x4d: {  	_ =	shalt  }
0x4e: {  	_ =	shalt  }
0x4f: {  	_ =	shalt  }
0x50: {  	_ =	shalt  }
0x51: {  	_ =	shalt  }
0x52: {  	_ =	shalt  }
0x53: {  	_ =	shalt  }
0x54: {  	_ =	shalt  }
0x55: {  	_ =	shalt  }
0x56: {  	_ =	shalt  }
0x57: {  	_ =	shalt  }
0x58: {  	_ =	shalt  }
0x59: {  	_ =	shalt  }
0x5a: {  	_ =	shalt  }
0x5b: {  	_ =	shalt  }
0x5c: {  	_ =	shalt  }
0x5d: {  	_ =	shalt  }
0x5e: {  	_ =	shalt  }
0x5f: {  	_ =	shalt  }
0x60: {  	_ =	shalt  }
0x61: {  	_ =	shalt  }
0x62: {  	_ =	shalt  }
0x63: {  	_ =	shalt  }
0x64: {  	_ =	shalt  }
0x65: {  	_ =	shalt  }
0x66: {  	_ =	shalt  }
0x67: {  	_ =	shalt  }
0x68: {  	_ =	shalt  }
0x69: {  	_ =	shalt  }
0x6a: {  	_ =	shalt  }
0x6b: {  	_ =	shalt  }
0x6c: {  	_ =	shalt  }
0x6d: {  	_ =	shalt  }
0x6e: {  	_ =	shalt  }
0x6f: {  	_ =	shalt  }
0x70: {  	_ =	shalt  }
0x71: {  	_ =	shalt  }
0x72: {  	_ =	shalt  }
0x73: {  	_ =	shalt  }
0x74: {  	_ =	shalt  }
0x75: {  	_ =	shalt  }
0x76: {  	_ =	shalt  }
0x77: {  	_ =	shalt  }
0x78: {  	_ =	shalt  }
0x79: {  	_ =	shalt  }
0x7a: {  	_ =	shalt  }
0x7b: {  	_ =	shalt  }
0x7c: {  	_ =	shalt  }
0x7d: {  	_ =	shalt  }
0x7e: {  	_ =	shalt  }
0x7f: {  	_ =	shalt  }
0x80: {  	_ =	shalt  }
0x81: {  	_ =	shalt  }
0x82: {  	_ =	shalt  }
0x83: {  	_ =	shalt  }
0x84: {  	_ =	shalt  }
0x85: {  	_ =	shalt  }
0x86: {  	_ =	shalt  }
0x87: {  	_ =	shalt  }
.Lfunc_end0:
.L_simem_size_0:
called_computation_lowered:
.L_overlay_start_0:
0x88: {  	s2 =	sld [smem:$0x3FD9]  }
0x89: {  	s3 =	sld [smem:$0x3FFE];
	_ =	sdelay $0x1  }
0x8a: {  	s1 =	srdreg.scid  }
0x8b: {  	s0 =	sand.u32 $0x1, s1  }
0x8c: {  	s17 =	sshll.u32 s0, $0xA;
	s2 =	sadd.s32 s3, s2  }
0x8d: {  	s2 =	sadd.s32 s2, s17  }
0x8e: {  	[smem:$0x3FB1] =	sst s2  }
0x8f: {  	_ = 	snop  }
0x90: {  	s2 =	sld [smem:$0x3FC9];
	(tm) =	ssettm $0x1  }
0x91: {  	s18 =	sld [smem:$0x3FFB];
	_ =	sdelay $0x3  }
0x92: {  	_ =	strace s18  }
0x93: {  	s3 =	sld [smem:$0x3FFC];
	_ =	sdelay $0x3  }
0x94: {  	_ =	strace s3  }
0x95: {  	s3 =	sld [smem:$0x3FFD];
	_ =	sdelay $0x3  }
0x96: {  	_ =	strace s3  }
0x97: {  	_ =	strace $0x8FFFFFFF  }
0x98: {  	s19 =	sld [smem:$0x3FDB];
	_ =	sdelay $0x1  }
0x99: {  	s4 =	simm.s32 $_scs_section_size  }
0x9a: {  	s5 =	simm.s32 $_size__tile_overlayer_lowered;
	s6 =	simm.s32 $_tile_overlayer_lowered  }
0x9b: {  	s22 =	simm.s32 $0x1BFF;
	s21 =	sshll.u32 s6, $0x1;
	s3 =	sadd.s32 s4, s19  }
0x9c: {  	s7 =	simm.s32 $0x0;
	s20 =	sshll.u32 s5, $0x1;
	s5 =	sadd.s32 s21, s3  }
0x9d: {  	[timem:s7], [sflag:s22] =	dma.local [hbm:s5], s20  }
0x9e: {  	_ =	swait.ge [sflag:s22], s20  }
0x9f: {  	s4 =	ssub.s32 $0x0, s20;
	[sflag:s22] =	ssyncset.done $0x0  }
0xa0: {  	[sflag:s22] =	ssyncadd.s32 s4;
	_ =	sdelay $0x1  }
0xa1: {  	s23 =	simm.s32 $0x1B8B  }
0xa2: {  	_ =	swait.ge [sflag:s23], $0x1  }
0xa3: {  	[sflag:s23] =	ssyncset.done $0x0  }
0xa4: {  	s25 =	simm.s32 $0x1B8E;
	s24 =	sld [smem:$0x3FFE];
	[sflag:s23] =	ssyncadd.s32 $0xFFFFFFFF  }
0xa5: {  	s26 =	simm.s32 $execute0_lowered;
	[smem:$0x3FD2] =	sst s25  }
0xa6: {  	s5 =	sshll.u32 s26, $0x1;
	_ =	strace $0x80000046;
	[dreg:$0x1] =	wrdreg $0xFFFFFFFF  }
0xa7: {  	s28 =	simm.s32 $_size_execute0_lowered;
	s3 =	sadd.s32 s3, s5;
	[dreg:$0x0] =	wrdreg $0x0  }
0xa8: {  	s5 =	sshll.u32 s28, $0x1;
	[dreg:$0x2] =	wrdreg s3  }
0xa9: {  	[dreg:$0x3] =	wrdreg s5  }
0xaa: {  	[dreg:$0x4] =	wrdreg $0xC0  }
0xab: {  	_ =	task [dreg:s7], $0x5FFFF  }
0xac: {  	[dreg:$0x1] =	wrdreg $0xFFFFFFFF  }
0xad: {  	[dreg:$0x0] =	wrdreg $0x60  }
0xae: {  	[dreg:$0x2] =	wrdreg s2  }
0xaf: {  	[dreg:$0x3] =	wrdreg s24  }
0xb0: {  	[dreg:$0x4] =	wrdreg $0x0  }
0xb1: {  	[dreg:$0x5] =	wrdreg $0x9  }
0xb2: {  	_ =	task.clear_ibuf [dreg:s7], $0x6FFFF;
	_ =	strace $0x90000046  }
0xb3: {  	s29 =	simm.s32 $0x9;
	_ =	strace $0x80000048  }
0xb4: {  	_ =	swait.ge [sflag:s29], $0x1  }
0xb5: {  	[sflag:s29] =	ssyncadd.s32 $0xFFFFFFFF  }
0xb6: {  	_ =	strace $0x90000048  }
0xb7: {  	_ =	sfence  }
0xb8: {  	s30 =	sld [smem:$0x0];
	_ =	sdelay $0x2  }
0xb9: {  	s31 =	sshll.u32 s1, $0xD;
	s1 =	sshrl.u32 s1, $0x2  }
0xba: {  	s3 =	sand.u32 $0x4000, s31;
	s1 =	sadd.s32 s1, s30  }
0xbb: {  	s0 =	sor.u32 s3, s0;
	s1 =	sshll.u32 s1, $0x11  }
0xbc: {  	s0 =	sor.u32 s1, s0  }
0xbd: {  	s0 =	sadd.s32 $0x8F2B, s0  }
0xbe: {  	[sflag:s0] =	ssyncadd.remote.s32 $0x1  }
0xbf: {  	_ =	sfence.sel $0xFFFF  }
0xc0: {  	[dreg:$0x0] =	wrdreg $0xFFFFFFFF;
	(pc) =	sbr.abs _section_cstart, $3  }
0xc1: {  	[dreg:$0x1] =	wrdreg $0xFFFFFFFF  }
0xc2: {  	_ =	task.clear_ibuf [dreg:s7], $0x2FFFF;
	_ =	strace $0x9FFFFFFF  }
0xc3: {  	(tm) =	ssettm $0x7FFFFFFF  }
tec
execute0_lowered:
.L_overlay_start_1:
0x0: {  	(tag) =	ssettag $0x1  }
0x1: {  	s1 =	rddreg [dreg:$0x0]  }
0x2: {  	s11 =	rddreg [dreg:$0x1]  }
0x3: {  	s2 =	rddreg [dreg:$0x2]  }
0x4: {  	s0 =	rddreg [dreg:$0x3];
	s4 =	simm.s32 $0x0  }
0x5: {  	s5 =	srdreg.scid;
	s3 =	stileid.u32;
	s16 =	simm.s32 $0x44200  }
0x6: {  	s18 =	simm.s32 $0x16400;
	s19 =	simm.s32 $0x13C80;
	s20 =	simm.s32 $0x1A400  }
0x7: {  	s21 =	simm.s32 $0x1;
	s22 =	simm.s32 $0x2;
	s23 =	simm.s32 $0x16300  }
0x8: {  	s24 =	simm.s32 $0x16380;
	s25 =	simm.s32 $0x0;
	[smem:$0x7FF] =	sst s4  }
0x9: {  	s9 =	sand.u32 $0x1, s5;
	s28 =	sshll.u32 s3, $0x1;
	s7 =	smul.u32 $0x4F000, s3  }
0xa: {  	s10 =	sadd.s32 $0x6200, s11;
	s13 =	sadd.s32 $0x10200, s11;
	s30 =	sshll.u32 s3, $0x6  }
0xb: {  	s17 =	smul.u32 $0x2780, s3;
	_ =	strace $0x80000047;
	s6 =	ssub.s32 $0x2, s9  }
0xc: {  	s5 =	sor.u32 s9, s28;
	p0 =	seq.s32 s9, $0x1;
	s8 =	sshrl.u32 s6, $0x1  }
0xd: {  	s12 =	smul.u32 $0x2800, s5;
	s5 =	sadd.s32 $0x1A200, s11;
	s29 =	sshrl.u32 s7, $0x2  }
0xe: {  	s16 =	simm.s32 @!p0 $0x1CA00;
	s14 =	ssub.s32 s6, s8;
	s15 =	sadd.s32 s29, s2  }
0xf: {  	s6 =	sor.u32 $0x1C03, s30;
	s31 =	sadd.s32 s16, s11;
	s16 =	simm.s32 $0x15000  }
0x10: {  	s12 =	sshrl.u32 s12, $0x3;
	s11 =	smax.u32 s14, $0x1;
	s14 =	simm.s32 $0x3  }
0x11: {  	s7 =	sadd.s32 s10, s12;
	s8 =	sadd.s32 s13, s12;
	s12 =	sadd.s32 $0x280, s12  }
0x12: {  	s9 =	sadd.s32 s10, s12;
	s10 =	sadd.s32 s13, s12;
	s12 =	sadd.s32 s31, s17  }
0x13: {  	s13 =	sshrl.u32 s15, $0x3;
	s15 =	simm.s32 $0x13C00;
	s17 =	simm.s32 $0x80  }
.LBB2_1:
0x14: {  	[spmem:s13], [sflag:s6] =	dma.local [hbm:s5], $0x2780  }
0x15: {  	_ =	swait.ge [sflag:s14], $0x2780  }
0x16: {  	[sflag:s14] =	ssyncset.done $0x0  }
0x17: {  	[sflag:s14] =	ssyncadd.s32 $0xFFFFD880  }
0x18: {  	[bflag:$0x0] =	sbarrier.arrive $0xFFFF  }
0x19: {  	[tilespmem:s15], [sflag:$0x3] =	stream.linear.gather [hbm4b:s7+s4], $0x1400, $0x38;
	[tilespmem:$0x1E400] =	vst v63  }
0x1a: {  	_ =	swait.ge [sflag:s14], $0x1400  }
0x1b: {  	[sflag:s14] =	ssyncset.done $0x0  }
0x1c: {  	[sflag:s14] =	ssyncadd.s32 $0xFFFFEC00  }
0x1d: {  	[tilespmem:s16], [sflag:$0x3] =	stream.linear.gather [hbm4b:s8+s4], $0x1400, $0x38;
	[tilespmem:$0x1E400] =	vst v63  }
0x1e: {  	_ =	swait.ge [sflag:s14], $0x1400  }
0x1f: {  	[sflag:s14] =	ssyncset.done $0x0  }
0x20: {  	[sflag:s14] =	ssyncadd.s32 $0xFFFFEC00  }
0x21: {  	[tilespmem:s18], [sflag:$0x1] =	stream.indirect.gather [hbm4b:s1+s17], $0x80, s15, s17, $0xb8;
	[tilespmem:$0x1E400] =	vst v63  }
0x22: {  	_ = 	snop  }
0x23: {  	[tilespmem:s20], [sflag:$0x1] =	stream.indirect.gather [hbm4b:s1+s17], $0x80, s19, s17, $0xb8;
	[tilespmem:$0x1E400] =	vst v63  }
0x24: {  	_ =	swait.ge [sflag:s21], $0x4000  }
0x25: {  	[sflag:s21] =	ssyncset.done $0x0  }
0x26: {  	s26 =	simm.s32 $0x15000;
	[sflag:s21] =	ssyncadd.s32 $0xFFFFC000  }
0x27: {  	[spmem:s2] =	stream.indirect.scatter.add.f32 [tilespmem:s18], [sflag:$0x2], $0x80, s26, s17, $0xb8;
	[tilespmem:$0x1E400] =	vst v63  }
0x28: {  	_ =	swait.ge [sflag:s21], $0x4000  }
0x29: {  	[sflag:s21] =	ssyncset.done $0x0  }
0x2a: {  	s30 =	simm.s32 $0x15080;
	[sflag:s21] =	ssyncadd.s32 $0xFFFFC000  }
0x2b: {  	[spmem:s2] =	stream.indirect.scatter.add.f32 [tilespmem:s20], [sflag:$0x2], $0x80, s30, s17, $0xb8;
	[tilespmem:$0x1E400] =	vst v63  }
0x2c: {  	_ =	swait.ge [sflag:s22], $0x4000  }
0x2d: {  	[sflag:s22] =	ssyncset.done $0x0  }
0x2e: {  	s31 =	simm.s32 $0x13D00;
	[sflag:s22] =	ssyncadd.s32 $0xFFFFC000  }
0x2f: {  	[tilespmem:s18], [sflag:$0x1] =	stream.indirect.gather [hbm4b:s1+s17], $0x80, s31, s17, $0xb8;
	[tilespmem:$0x1E400] =	vst v63  }
0x30: {  	_ =	swait.ge [sflag:s22], $0x4000  }
0x31: {  	[sflag:s22] =	ssyncset.done $0x0  }
0x32: {  	s28 =	simm.s32 $0x13D80;
	s26 =	simm.s32 $0x400;
	[sflag:s22] =	ssyncadd.s32 $0xFFFFC000  }
.LBB2_2:
0x33: {  	[tilespmem:s20], [sflag:$0x1] =	stream.indirect.gather [hbm4b:s1+s17], $0x80, s28, s17, $0xb8;
	[tilespmem:$0x1E400] =	vst v63  }
0x34: {  	s28 =	smov.u32 s26  }
0x35: {  	p0 =	sne.s32 s26, $0x4800;
	s26 =	sadd.s32 $0x400, s26;
	_ =	swait.ge [sflag:s21], $0x4000  }
0x36: {  	s28 =	sshra.s32 s28, $0x2;
	[sflag:s21] =	ssyncset.done $0x0  }
0x37: {  	s29 =	sadd.s32 $0x15000, s28;
	[sflag:s21] =	ssyncadd.s32 $0xFFFFC000  }
0x38: {  	[spmem:s2] =	stream.indirect.scatter.add.f32 [tilespmem:s18], [sflag:$0x2], $0x80, s29, s17, $0xb8;
	[tilespmem:$0x1E400] =	vst v63  }
0x39: {  	_ =	swait.ge [sflag:s21], $0x4000  }
0x3a: {  	[sflag:s21] =	ssyncset.done $0x0  }
0x3b: {  	s29 =	sadd.s32 $0x15080, s28;
	[sflag:s21] =	ssyncadd.s32 $0xFFFFC000  }
0x3c: {  	[spmem:s2] =	stream.indirect.scatter.add.f32 [tilespmem:s20], [sflag:$0x2], $0x80, s29, s17, $0xb8;
	[tilespmem:$0x1E400] =	vst v63  }
0x3d: {  	_ =	swait.ge [sflag:s22], $0x4000  }
0x3e: {  	[sflag:s22] =	ssyncset.done $0x0  }
.Ltmp0:
0x3f: {  	s29 =	sadd.s32 $0x13D00, s28;
	[sflag:s22] =	ssyncadd.s32 $0xFFFFC000;
	(pc) =	sbr.rel @p0 .LBB2_2-.Ltmp0, $4  }
0x40: {  	[tilespmem:s18], [sflag:$0x1] =	stream.indirect.gather [hbm4b:s1+s17], $0x80, s29, s17, $0xb8;
	[tilespmem:$0x1E400] =	vst v63  }
0x41: {  	_ =	swait.ge [sflag:s22], $0x4000  }
0x42: {  	[sflag:s22] =	ssyncset.done $0x0  }
0x43: {  	s28 =	sadd.s32 $0x13D80, s28;
	[sflag:s22] =	ssyncadd.s32 $0xFFFFC000  }
0x44: {  	[tilespmem:s20], [sflag:$0x1] =	stream.indirect.gather [hbm4b:s1+s17], $0x80, s28, s17, $0xb8;
	[tilespmem:$0x1E400] =	vst v63  }
0x45: {  	_ =	swait.ge [sflag:s21], $0x4000  }
0x46: {  	[sflag:s21] =	ssyncset.done $0x0  }
0x47: {  	[sflag:s21] =	ssyncadd.s32 $0xFFFFC000  }
0x48: {  	[spmem:s2] =	stream.indirect.scatter.add.f32 [tilespmem:s18], [sflag:$0x2], $0x80, s23, s17, $0xb8;
	[tilespmem:$0x1E400] =	vst v63  }
0x49: {  	_ =	swait.ge [sflag:s21], $0x4000  }
0x4a: {  	[sflag:s21] =	ssyncset.done $0x0  }
0x4b: {  	[sflag:s21] =	ssyncadd.s32 $0xFFFFC000  }
0x4c: {  	[spmem:s2] =	stream.indirect.scatter.add.f32 [tilespmem:s20], [sflag:$0x2], $0x80, s24, s17, $0xb8;
	[tilespmem:$0x1E400] =	vst v63  }
0x4d: {  	_ =	swait.ge [sflag:s22], $0x4000  }
0x4e: {  	[sflag:s22] =	ssyncset.done $0x0  }
0x4f: {  	[sflag:s22] =	ssyncadd.s32 $0xFFFFC000  }
0x50: {  	_ =	swait.ge [sflag:s22], $0x4000  }
0x51: {  	[sflag:s22] =	ssyncset.done $0x0  }
0x52: {  	s26 =	simm.s32 $0x0;
	[sflag:s22] =	ssyncadd.s32 $0xFFFFC000  }
0x53: {  	[tilespmem:s15], [sflag:$0x3] =	stream.linear.gather [hbm4b:s9+s26], $0x1400, $0x38;
	[tilespmem:$0x1E400] =	vst v63  }
0x54: {  	_ =	swait.ge [sflag:s14], $0x1400  }
0x55: {  	[sflag:s14] =	ssyncset.done $0x0  }
0x56: {  	[sflag:s14] =	ssyncadd.s32 $0xFFFFEC00  }
0x57: {  	[tilespmem:s16], [sflag:$0x3] =	stream.linear.gather [hbm4b:s10+s26], $0x1400, $0x38;
	[tilespmem:$0x1E400] =	vst v63  }
0x58: {  	_ =	swait.ge [sflag:s14], $0x1400  }
0x59: {  	[sflag:s14] =	ssyncset.done $0x0  }
0x5a: {  	[sflag:s14] =	ssyncadd.s32 $0xFFFFEC00  }
0x5b: {  	[tilespmem:s18], [sflag:$0x1] =	stream.indirect.gather [hbm4b:s1+s17], $0x80, s15, s17, $0xb8;
	[tilespmem:$0x1E400] =	vst v63  }
0x5c: {  	_ = 	snop  }
0x5d: {  	[tilespmem:s20], [sflag:$0x1] =	stream.indirect.gather [hbm4b:s1+s17], $0x80, s19, s17, $0xb8;
	[tilespmem:$0x1E400] =	vst v63  }
0x5e: {  	_ =	swait.ge [sflag:s21], $0x4000  }
0x5f: {  	[sflag:s21] =	ssyncset.done $0x0  }
0x60: {  	s29 =	simm.s32 $0x15000;
	[sflag:s21] =	ssyncadd.s32 $0xFFFFC000  }
0x61: {  	[spmem:s2] =	stream.indirect.scatter.add.f32 [tilespmem:s18], [sflag:$0x2], $0x80, s29, s17, $0xb8;
	[tilespmem:$0x1E400] =	vst v63  }
0x62: {  	_ =	swait.ge [sflag:s21], $0x4000  }
0x63: {  	[sflag:s21] =	ssyncset.done $0x0  }
0x64: {  	s30 =	simm.s32 $0x15080;
	[sflag:s21] =	ssyncadd.s32 $0xFFFFC000  }
0x65: {  	[spmem:s2] =	stream.indirect.scatter.add.f32 [tilespmem:s20], [sflag:$0x2], $0x80, s30, s17, $0xb8;
	[tilespmem:$0x1E400] =	vst v63  }
0x66: {  	_ =	swait.ge [sflag:s22], $0x4000  }
0x67: {  	[sflag:s22] =	ssyncset.done $0x0  }
0x68: {  	s31 =	simm.s32 $0x13D00;
	[sflag:s22] =	ssyncadd.s32 $0xFFFFC000  }
0x69: {  	[tilespmem:s18], [sflag:$0x1] =	stream.indirect.gather [hbm4b:s1+s17], $0x80, s31, s17, $0xb8;
	[tilespmem:$0x1E400] =	vst v63  }
0x6a: {  	_ =	swait.ge [sflag:s22], $0x4000  }
0x6b: {  	[sflag:s22] =	ssyncset.done $0x0  }
0x6c: {  	s28 =	simm.s32 $0x13D80;
	s26 =	simm.s32 $0x400;
	[sflag:s22] =	ssyncadd.s32 $0xFFFFC000  }
.LBB2_4:
0x6d: {  	[tilespmem:s20], [sflag:$0x1] =	stream.indirect.gather [hbm4b:s1+s17], $0x80, s28, s17, $0xb8;
	[tilespmem:$0x1E400] =	vst v63  }
0x6e: {  	s28 =	smov.u32 s26  }
0x6f: {  	p0 =	sne.s32 s26, $0x4800;
	s26 =	sadd.s32 $0x400, s26;
	_ =	swait.ge [sflag:s21], $0x4000  }
0x70: {  	s28 =	sshra.s32 s28, $0x2;
	[sflag:s21] =	ssyncset.done $0x0  }
0x71: {  	s29 =	sadd.s32 $0x15000, s28;
	[sflag:s21] =	ssyncadd.s32 $0xFFFFC000  }
0x72: {  	[spmem:s2] =	stream.indirect.scatter.add.f32 [tilespmem:s18], [sflag:$0x2], $0x80, s29, s17, $0xb8;
	[tilespmem:$0x1E400] =	vst v63  }
0x73: {  	_ =	swait.ge [sflag:s21], $0x4000  }
0x74: {  	[sflag:s21] =	ssyncset.done $0x0  }
0x75: {  	s29 =	sadd.s32 $0x15080, s28;
	[sflag:s21] =	ssyncadd.s32 $0xFFFFC000  }
0x76: {  	[spmem:s2] =	stream.indirect.scatter.add.f32 [tilespmem:s20], [sflag:$0x2], $0x80, s29, s17, $0xb8;
	[tilespmem:$0x1E400] =	vst v63  }
0x77: {  	_ =	swait.ge [sflag:s22], $0x4000  }
0x78: {  	[sflag:s22] =	ssyncset.done $0x0  }
.Ltmp1:
0x79: {  	s29 =	sadd.s32 $0x13D00, s28;
	[sflag:s22] =	ssyncadd.s32 $0xFFFFC000;
	(pc) =	sbr.rel @p0 .LBB2_4-.Ltmp1, $4  }
0x7a: {  	[tilespmem:s18], [sflag:$0x1] =	stream.indirect.gather [hbm4b:s1+s17], $0x80, s29, s17, $0xb8;
	[tilespmem:$0x1E400] =	vst v63  }
0x7b: {  	_ =	swait.ge [sflag:s22], $0x4000  }
0x7c: {  	[sflag:s22] =	ssyncset.done $0x0  }
0x7d: {  	s28 =	sadd.s32 $0x13D80, s28;
	[sflag:s22] =	ssyncadd.s32 $0xFFFFC000  }
0x7e: {  	[tilespmem:s20], [sflag:$0x1] =	stream.indirect.gather [hbm4b:s1+s17], $0x80, s28, s17, $0xb8;
	[tilespmem:$0x1E400] =	vst v63  }
0x7f: {  	_ =	swait.ge [sflag:s21], $0x4000  }
0x80: {  	[sflag:s21] =	ssyncset.done $0x0  }
0x81: {  	[sflag:s21] =	ssyncadd.s32 $0xFFFFC000  }
0x82: {  	[spmem:s2] =	stream.indirect.scatter.add.f32 [tilespmem:s18], [sflag:$0x2], $0x80, s23, s17, $0xb8;
	[tilespmem:$0x1E400] =	vst v63  }
0x83: {  	_ =	swait.ge [sflag:s21], $0x4000  }
0x84: {  	[sflag:s21] =	ssyncset.done $0x0  }
0x85: {  	[sflag:s21] =	ssyncadd.s32 $0xFFFFC000  }
0x86: {  	[spmem:s2] =	stream.indirect.scatter.add.f32 [tilespmem:s20], [sflag:$0x2], $0x80, s24, s17, $0xb8;
	[tilespmem:$0x1E400] =	vst v63  }
0x87: {  	_ =	swait.ge [sflag:s22], $0x4000  }
0x88: {  	[sflag:s22] =	ssyncset.done $0x0  }
0x89: {  	[sflag:s22] =	ssyncadd.s32 $0xFFFFC000  }
0x8a: {  	_ =	swait.ge [sflag:s22], $0x4000  }
0x8b: {  	s25 =	sadd.s32 $0x1, s25;
	[sflag:s22] =	ssyncset.done $0x0  }
0x8c: {  	p0 =	sne.s32 s25, s11;
	[sflag:s22] =	ssyncadd.s32 $0xFFFFC000  }
.Ltmp2:
0x8d: {  	[bflag:$0x0] =	sbarrier.arrive $0xFFFF;
	(pc) =	sbr.rel @p0 .LBB2_1-.Ltmp2, $4  }
0x8e: {  	[hbm:s12], [sflag:s6] =	dma.local [spmem:s13], $0x2780  }
0x8f: {  	_ =	swait.ge [sflag:s14], $0x2780  }
0x90: {  	[sflag:s14] =	ssyncset.done $0x0  }
0x91: {  	[sflag:s14] =	ssyncadd.s32 $0xFFFFD880  }
0x92: {  	_ =	sfence.sel $0x180000  }
0x93: {  	[bflag:$0x0] =	sbarrier.arrive $0xFFFF  }
0x94: {  	p0 =	sne.s32 s3, $0x0;
	_ =	strace $0x90000047  }
0x95: {  	s0 =	sadd.s32 @!p0 $0x100000, s0;
	[bflag:$0x2] =	sbarrier.arrive $0xFFFF  }
0x96: {  	[sflag:s0] =	ssyncadd.tile.s32 @!p0 $0x1;
	_ =	shalt  }
.Lfunc_end2:
_tile_overlayer_lowered:
.L_overlay_start_2:
0x97: {  	(tag) =	ssettag $0x2  }
0x98: {  	s0 =	rddreg [dreg:$0x0];
	s2 =	stileid.u32  }
0x99: {  	s1 =	rddreg [dreg:$0x1];
	p0 =	sne.s32 s2, $0x0  }
0x9a: {  	s3 =	rddreg [dreg:$0x2];
	[bflag:$0x3] =	sbarrier.arrive $0xFFFF;
	s2 =	simm.s32 @!p0 $0x1C03  }
0x9b: {  	[timem:s3], [sflag:s2] =	dma.local @!p0 [hbm:s0], s1  }
0x9c: {  	s0 =	simm.s32 @!p0 $0x3  }
0x9d: {  	_ =	swait.ge @!p0 [sflag:s0], s1  }
0x9e: {  	s1 =	ssub.s32 @!p0 $0x0, s1;
	[sflag:s0] =	ssyncset.done @!p0 $0x0  }
0x9f: {  	[sflag:s0] =	ssyncadd.s32 @!p0 s1  }
0xa0: {  	[bflag:$0x3] =	sbarrier.arrive $0xFFFF  }
0xa1: {  	_ =	shalt  }

// kernel: kernel.15.cloned.1.call-start
scs
__scs_entry_jumppad:
0x0: {  	(pc) =	sbr.rel $0x88, $3  }
0x1: {  	(tag) =	ssettag $0x0;
	lr =	simm.s32 $0x1  }
0x2: {  	[smem:$0x3F8A] =	sst lr;
	_ =	strace $0xD0000000  }
0x3: {  	_ = 	snop  }
0x4: {  	_ = 	snop  }
0x5: {  	_ = 	snop  }
0x6: {  	_ = 	snop  }
0x7: {  	_ = 	snop  }
__scs_overlays_trampoline_lowered:
0x8: {  	[smem:$0x3F99] =	sst s0  }
0x9: {  	[smem:$0x3F9A] =	sst s1  }
0xa: {  	[smem:$0x3F9B] =	sst s2  }
0xb: {  	[smem:$0x3F9C] =	sst s3  }
0xc: {  	[smem:$0x3F9D] =	sst s4  }
0xd: {  	[smem:$0x3F9E] =	sst s5  }
0xe: {  	[smem:$0x3F9F] =	sst s6  }
0xf: {  	[smem:$0x3FA0] =	sst s7  }
0x10: {  	[smem:$0x3FA1] =	sst s8  }
0x11: {  	[smem:$0x3FA2] =	sst s9;
	s0 =	simm.s32 @!p0 $0x0  }
0x12: {  	s1 =	sld [smem:$0x3F88];
	s0 =	simm.s32 @p0 $0x1  }
0x13: {  	[smem:$0x3FA3] =	sst s0;
	s0 =	simm.s32 @!p1 $0x0  }
0x14: {  	s2 =	sld [smem:$0x3F87];
	s0 =	simm.s32 @p1 $0x1  }
0x15: {  	[smem:$0x3FA4] =	sst s0;
	s0 =	simm.s32 @!p2 $0x0  }
0x16: {  	s3 =	sld [smem:$0x3FDB];
	s0 =	simm.s32 @p2 $0x1  }
0x17: {  	s4 =	simm.s32 $0x1BF5;
	[smem:$0x3FA6] =	sst s0  }
0x18: {  	s0 =	sld [smem:$0x3F89];
	_ =	swait.ge [sflag:s4], $0x0  }
0x19: {  	s7 =	sld [smem:$0x3F8A]  }
0x1a: {  	s8 =	sadd.s32 $0xFFFFE003, lr  }
0x1b: {  	s9 =	sadd.s32 $0xFFFFFEF7, lr;
	s5 =	simm.s32 $0xFFFFFFFF;
	p2 =	slt.u32 s8, $0xFFFFF086  }
0x1c: {  	p1 =	slt.u32 s9, $0xF7A;
	s5 =	simm.s32 @!p2 $0x0  }
0x1d: {  	s5 =	simm.s32 @p1 $0x1;
	p0 =	seq.s32 s7, s2  }
0x1e: {  	s7 =	smul.u32 @!p0 $0xF7A, s2;
	p2 =	seq.s32 @!p0 s5, $0x0  }
0x1f: {  	s9 =	smul.u32 $0xF7A, s1;
	s8 =	simm.s32 @!p0 $0x1BF5;
	p2 =	por !p2, p0  }
0x20: {  	[sflag:s8] =	ssyncset.s32 @!p0 $0xFFFFF086;
	s6 =	sadd.s32 @!p0 s3, s7;
	s7 =	simm.s32 @!p0 $0x108  }
0x21: {  	s3 =	sadd.s32 s3, s9;
	s6 =	sadd.s32 @!p0 $0x88, s6;
	s7 =	simm.s32 @p2 $0x1082  }
0x22: {  	[simem:s7], [sflag:s8] =	dma.local @!p0 [hbm:s6], $0xF7A  }
0x23: {  	s9 =	sor.u32 $0xD0000000, s2;
	s6 =	simm.s32 $0x108;
	_ =	swait.ge @!p0 [sflag:s8], $0x0  }
0x24: {  	s3 =	sadd.s32 $0x88, s3;
	s6 =	simm.s32 @!p1 $0x1082;
	[sflag:s4] =	ssyncset.s32 $0xFFFFF086  }
0x25: {  	[simem:s6], [sflag:s4] =	dma.local [hbm:s3], $0xF7A  }
0x26: {  	[smem:$0x3F8A] =	sst s1;
	(tag) =	ssettag s2;
	_ =	strace s9  }
0x27: {  	s1 =	sld [smem:$0x3F9A]  }
0x28: {  	s2 =	sld [smem:$0x3F9B]  }
0x29: {  	s4 =	sld [smem:$0x3F9D]  }
0x2a: {  	p0 =	seq.s32 s5, $0x0;
	s5 =	sld [smem:$0x3F9E]  }
0x2b: {  	s6 =	sld [smem:$0x3F9F]  }
0x2c: {  	s7 =	sld [smem:$0x3FA0]  }
0x2d: {  	s3 =	simm.s32 $0x108;
	s8 =	sld [smem:$0x3FA1]  }
0x2e: {  	s3 =	simm.s32 @!p0 $0x1082;
	s9 =	sld [smem:$0x3FA2]  }
0x2f: {  	lr =	sadd.s32 s0, s3;
	s0 =	sld [smem:$0x3F99]  }
0x30: {  	s3 =	sld [smem:$0x3F9C]  }
0x31: {  	[smem:$0x3FA5] =	sst s10  }
0x32: {  	s10 =	sld [smem:$0x3FA3];
	_ =	sdelay $0x3  }
0x33: {  	p0 =	seq.s32 s10, $0x1;
	s10 =	sld [smem:$0x3FA5];
	_ =	sdelay $0x3  }
0x34: {  	[smem:$0x3FA5] =	sst s10  }
0x35: {  	s10 =	sld [smem:$0x3FA4];
	_ =	sdelay $0x3  }
0x36: {  	p1 =	seq.s32 s10, $0x1;
	s10 =	sld [smem:$0x3FA5];
	_ =	sdelay $0x3  }
0x37: {  	[smem:$0x3FA5] =	sst s10  }
0x38: {  	s10 =	sld [smem:$0x3FA6]  }
0x39: {  	_ = 	snop;
	(pc) =	sbr.ind lr, $3  }
0x3a: {  	_ = 	snop  }
0x3b: {  	_ = 	snop  }
0x3c: {  	p2 =	seq.s32 s10, $0x1;
	s10 =	sld [smem:$0x3FA5]  }
0x3d: {  	_ =	shalt  }
0x3e: {  	_ =	shalt  }
0x3f: {  	_ =	shalt  }
0x40: {  	_ =	shalt  }
0x41: {  	_ =	shalt  }
0x42: {  	_ =	shalt  }
0x43: {  	_ =	shalt  }
0x44: {  	_ =	shalt  }
0x45: {  	_ =	shalt  }
0x46: {  	_ =	shalt  }
0x47: {  	_ =	shalt  }
0x48: {  	_ =	shalt  }
0x49: {  	_ =	shalt  }
0x4a: {  	_ =	shalt  }
0x4b: {  	_ =	shalt  }
0x4c: {  	_ =	shalt  }
0x4d: {  	_ =	shalt  }
0x4e: {  	_ =	shalt  }
0x4f: {  	_ =	shalt  }
0x50: {  	_ =	shalt  }
0x51: {  	_ =	shalt  }
0x52: {  	_ =	shalt  }
0x53: {  	_ =	shalt  }
0x54: {  	_ =	shalt  }
0x55: {  	_ =	shalt  }
0x56: {  	_ =	shalt  }
0x57: {  	_ =	shalt  }
0x58: {  	_ =	shalt  }
0x59: {  	_ =	shalt  }
0x5a: {  	_ =	shalt  }
0x5b: {  	_ =	shalt  }
0x5c: {  	_ =	shalt  }
0x5d: {  	_ =	shalt  }
0x5e: {  	_ =	shalt  }
0x5f: {  	_ =	shalt  }
0x60: {  	_ =	shalt  }
0x61: {  	_ =	shalt  }
0x62: {  	_ =	shalt  }
0x63: {  	_ =	shalt  }
0x64: {  	_ =	shalt  }
0x65: {  	_ =	shalt  }
0x66: {  	_ =	shalt  }
0x67: {  	_ =	shalt  }
0x68: {  	_ =	shalt  }
0x69: {  	_ =	shalt  }
0x6a: {  	_ =	shalt  }
0x6b: {  	_ =	shalt  }
0x6c: {  	_ =	shalt  }
0x6d: {  	_ =	shalt  }
0x6e: {  	_ =	shalt  }
0x6f: {  	_ =	shalt  }
0x70: {  	_ =	shalt  }
0x71: {  	_ =	shalt  }
0x72: {  	_ =	shalt  }
0x73: {  	_ =	shalt  }
0x74: {  	_ =	shalt  }
0x75: {  	_ =	shalt  }
0x76: {  	_ =	shalt  }
0x77: {  	_ =	shalt  }
0x78: {  	_ =	shalt  }
0x79: {  	_ =	shalt  }
0x7a: {  	_ =	shalt  }
0x7b: {  	_ =	shalt  }
0x7c: {  	_ =	shalt  }
0x7d: {  	_ =	shalt  }
0x7e: {  	_ =	shalt  }
0x7f: {  	_ =	shalt  }
0x80: {  	_ =	shalt  }
0x81: {  	_ =	shalt  }
0x82: {  	_ =	shalt  }
0x83: {  	_ =	shalt  }
0x84: {  	_ =	shalt  }
0x85: {  	_ =	shalt  }
0x86: {  	_ =	shalt  }
0x87: {  	_ =	shalt  }
.Lfunc_end0:
.L_simem_size_0:
called_computation.1_lowered:
.L_overlay_start_0:
0x88: {  	s2 =	sld [smem:$0x3FD9]  }
0x89: {  	s3 =	sld [smem:$0x3FFE];
	_ =	sdelay $0x1  }
0x8a: {  	s1 =	srdreg.scid  }
0x8b: {  	s0 =	sand.u32 $0x1, s1  }
0x8c: {  	s16 =	sshll.u32 s0, $0xA;
	s2 =	sadd.s32 s3, s2  }
0x8d: {  	s2 =	sadd.s32 s2, s16  }
0x8e: {  	[smem:$0x3FB1] =	sst s2  }
0x8f: {  	_ = 	snop  }
0x90: {  	(tm) =	ssettm $0x1  }
0x91: {  	s17 =	sld [smem:$0x3FFB];
	_ =	sdelay $0x3  }
0x92: {  	_ =	strace s17  }
0x93: {  	s2 =	sld [smem:$0x3FFC];
	_ =	sdelay $0x3  }
0x94: {  	_ =	strace s2  }
0x95: {  	s2 =	sld [smem:$0x3FFD];
	_ =	sdelay $0x3  }
0x96: {  	_ =	strace s2  }
0x97: {  	_ =	strace $0x8FFFFFFF  }
0x98: {  	s18 =	sld [smem:$0x3FDB];
	_ =	sdelay $0x1  }
0x99: {  	s19 =	simm.s32 $_scs_section_size  }
0x9a: {  	s4 =	simm.s32 $_size__tile_overlayer_lowered;
	s5 =	simm.s32 $_tile_overlayer_lowered  }
0x9b: {  	s22 =	simm.s32 $0x1BFF;
	s21 =	sshll.u32 s5, $0x1;
	s2 =	sadd.s32 s19, s18  }
0x9c: {  	s6 =	simm.s32 $0x0;
	s20 =	sshll.u32 s4, $0x1;
	s4 =	sadd.s32 s21, s2  }
0x9d: {  	[timem:s6], [sflag:s22] =	dma.local [hbm:s4], s20  }
0x9e: {  	_ =	swait.ge [sflag:s22], s20  }
0x9f: {  	s3 =	ssub.s32 $0x0, s20;
	[sflag:s22] =	ssyncset.done $0x0  }
0xa0: {  	[sflag:s22] =	ssyncadd.s32 s3;
	_ =	sdelay $0x1  }
0xa1: {  	s23 =	simm.s32 $0x1B8B  }
0xa2: {  	_ =	swait.ge [sflag:s23], $0x1  }
0xa3: {  	[sflag:s23] =	ssyncset.done $0x0  }
0xa4: {  	s25 =	simm.s32 $0x1B8E;
	s24 =	sld [smem:$0x3FFE];
	[sflag:s23] =	ssyncadd.s32 $0xFFFFFFFF  }
0xa5: {  	s26 =	simm.s32 $execute0_lowered;
	[smem:$0x3FD2] =	sst s25  }
0xa6: {  	s4 =	sshll.u32 s26, $0x1;
	_ =	strace $0x80000049;
	[dreg:$0x1] =	wrdreg $0xFFFFFFFF  }
0xa7: {  	s28 =	simm.s32 $_size_execute0_lowered;
	s2 =	sadd.s32 s2, s4;
	[dreg:$0x0] =	wrdreg $0x0  }
0xa8: {  	s4 =	sshll.u32 s28, $0x1;
	[dreg:$0x2] =	wrdreg s2  }
0xa9: {  	[dreg:$0x3] =	wrdreg s4  }
0xaa: {  	[dreg:$0x4] =	wrdreg $0xC0  }
0xab: {  	_ =	task [dreg:s6], $0x5FFFF  }
0xac: {  	[dreg:$0x1] =	wrdreg $0xFFFFFFFF  }
0xad: {  	[dreg:$0x0] =	wrdreg $0x60  }
0xae: {  	[dreg:$0x2] =	wrdreg s24  }
0xaf: {  	[dreg:$0x3] =	wrdreg $0x0  }
0xb0: {  	[dreg:$0x4] =	wrdreg $0x9  }
0xb1: {  	_ =	task.clear_ibuf [dreg:s6], $0x5FFFF;
	_ =	strace $0x90000049  }
0xb2: {  	s29 =	simm.s32 $0x9;
	_ =	strace $0x8000004B  }
0xb3: {  	_ =	swait.ge [sflag:s29], $0x1  }
0xb4: {  	[sflag:s29] =	ssyncadd.s32 $0xFFFFFFFF  }
0xb5: {  	_ =	strace $0x9000004B  }
0xb6: {  	_ =	sfence  }
0xb7: {  	s30 =	sld [smem:$0x0];
	_ =	sdelay $0x2  }
0xb8: {  	s31 =	sshll.u32 s1, $0xD;
	s1 =	sshrl.u32 s1, $0x2  }
0xb9: {  	s3 =	sand.u32 $0x4000, s31;
	s1 =	sadd.s32 s1, s30  }
0xba: {  	s0 =	sor.u32 s3, s0;
	s1 =	sshll.u32 s1, $0x11  }
0xbb: {  	s0 =	sor.u32 s1, s0  }
0xbc: {  	s0 =	sadd.s32 $0x8F2B, s0  }
0xbd: {  	[sflag:s0] =	ssyncadd.remote.s32 $0x1  }
0xbe: {  	_ =	sfence.sel $0xFFFF  }
0xbf: {  	[dreg:$0x0] =	wrdreg $0xFFFFFFFF;
	(pc) =	sbr.abs _section_cstart, $3  }
0xc0: {  	[dreg:$0x1] =	wrdreg $0xFFFFFFFF  }
0xc1: {  	_ =	task.clear_ibuf [dreg:s6], $0x2FFFF;
	_ =	strace $0x9FFFFFFF  }
0xc2: {  	(tm) =	ssettm $0x7FFFFFFF  }
0xc3: {  	_ =	shalt  }
tec
execute0_lowered:
.L_overlay_start_1:
0x0: {  	(tag) =	ssettag $0x1  }
0x1: {  	s11 =	rddreg [dreg:$0x0]  }
0x2: {  	s1 =	rddreg [dreg:$0x1]  }
0x3: {  	s0 =	rddreg [dreg:$0x2];
	s3 =	simm.s32 $0x0;
	s5 =	srdreg.scid  }
0x4: {  	s2 =	stileid.u32;
	s16 =	simm.s32 $0x6B400;
	s18 =	simm.s32 $0x16400  }
0x5: {  	s19 =	simm.s32 $0x13C80;
	s20 =	simm.s32 $0x1A400;
	s21 =	simm.s32 $0x1  }
0x6: {  	s22 =	simm.s32 $0x2;
	s23 =	simm.s32 $0x16300;
	s24 =	simm.s32 $0x16380  }
0x7: {  	s25 =	simm.s32 $0x0;
	[smem:$0x7FF] =	sst s3;
	s4 =	sadd.s32 $0x1CA00, s11  }
0x8: {  	s9 =	sand.u32 $0x1, s5;
	s28 =	sshll.u32 s2, $0x1;
	s7 =	smul.u32 $0x4F000, s2  }
0x9: {  	s10 =	sadd.s32 $0x6200, s11;
	s13 =	sadd.s32 $0x10200, s11;
	s30 =	sshll.u32 s2, $0x6  }
0xa: {  	s17 =	smul.u32 $0x2780, s2;
	_ =	strace $0x8000004A;
	s6 =	ssub.s32 $0x2, s9  }
0xb: {  	s5 =	sor.u32 s9, s28;
	p0 =	seq.s32 s9, $0x1;
	s8 =	sshrl.u32 s6, $0x1  }
0xc: {  	s12 =	smul.u32 $0x2800, s5;
	s5 =	sadd.s32 $0x1A200, s11;
	s29 =	sshrl.u32 s7, $0x2  }
0xd: {  	s16 =	simm.s32 @!p0 $0x43C00;
	s14 =	ssub.s32 s6, s8;
	s15 =	sadd.s32 s29, s1  }
0xe: {  	s6 =	sor.u32 $0x1C03, s30;
	s31 =	sadd.s32 s16, s11;
	s16 =	simm.s32 $0x15000  }
0xf: {  	s12 =	sshrl.u32 s12, $0x3;
	s11 =	smax.u32 s14, $0x1;
	s14 =	simm.s32 $0x3  }
0x10: {  	s7 =	sadd.s32 s10, s12;
	s8 =	sadd.s32 s13, s12;
	s12 =	sadd.s32 $0x280, s12  }
0x11: {  	s9 =	sadd.s32 s10, s12;
	s10 =	sadd.s32 s13, s12;
	s12 =	sadd.s32 s31, s17  }
0x12: {  	s13 =	sshrl.u32 s15, $0x3;
	s15 =	simm.s32 $0x13C00;
	s17 =	simm.s32 $0x80  }
.LBB2_1:
0x13: {  	[spmem:s13], [sflag:s6] =	dma.local [hbm:s5], $0x2780  }
0x14: {  	_ =	swait.ge [sflag:s14], $0x2780  }
0x15: {  	[sflag:s14] =	ssyncset.done $0x0  }
0x16: {  	[sflag:s14] =	ssyncadd.s32 $0xFFFFD880  }
0x17: {  	[bflag:$0x0] =	sbarrier.arrive $0xFFFF  }
0x18: {  	[tilespmem:s15], [sflag:$0x3] =	stream.linear.gather [hbm4b:s7+s3], $0x1400, $0x38;
	[tilespmem:$0x1E400] =	vst v63  }
0x19: {  	_ =	swait.ge [sflag:s14], $0x1400  }
0x1a: {  	[sflag:s14] =	ssyncset.done $0x0  }
0x1b: {  	[sflag:s14] =	ssyncadd.s32 $0xFFFFEC00  }
0x1c: {  	[tilespmem:s16], [sflag:$0x3] =	stream.linear.gather [hbm4b:s8+s3], $0x1400, $0x38;
	[tilespmem:$0x1E400] =	vst v63  }
0x1d: {  	_ =	swait.ge [sflag:s14], $0x1400  }
0x1e: {  	[sflag:s14] =	ssyncset.done $0x0  }
0x1f: {  	[sflag:s14] =	ssyncadd.s32 $0xFFFFEC00  }
0x20: {  	[tilespmem:s18], [sflag:$0x1] =	stream.indirect.gather [hbm4b:s4+s17], $0x80, s15, s17, $0xb8;
	[tilespmem:$0x1E400] =	vst v63  }
0x21: {  	_ = 	snop  }
0x22: {  	[tilespmem:s20], [sflag:$0x1] =	stream.indirect.gather [hbm4b:s4+s17], $0x80, s19, s17, $0xb8;
	[tilespmem:$0x1E400] =	vst v63  }
0x23: {  	_ =	swait.ge [sflag:s21], $0x4000  }
0x24: {  	[sflag:s21] =	ssyncset.done $0x0  }
0x25: {  	s26 =	simm.s32 $0x15000;
	[sflag:s21] =	ssyncadd.s32 $0xFFFFC000  }
0x26: {  	[spmem:s1] =	stream.indirect.scatter.add.f32 [tilespmem:s18], [sflag:$0x2], $0x80, s26, s17, $0xb8;
	[tilespmem:$0x1E400] =	vst v63  }
0x27: {  	_ =	swait.ge [sflag:s21], $0x4000  }
0x28: {  	[sflag:s21] =	ssyncset.done $0x0  }
0x29: {  	s30 =	simm.s32 $0x15080;
	[sflag:s21] =	ssyncadd.s32 $0xFFFFC000  }
0x2a: {  	[spmem:s1] =	stream.indirect.scatter.add.f32 [tilespmem:s20], [sflag:$0x2], $0x80, s30, s17, $0xb8;
	[tilespmem:$0x1E400] =	vst v63  }
0x2b: {  	_ =	swait.ge [sflag:s22], $0x4000  }
0x2c: {  	[sflag:s22] =	ssyncset.done $0x0  }
0x2d: {  	s31 =	simm.s32 $0x13D00;
	[sflag:s22] =	ssyncadd.s32 $0xFFFFC000  }
0x2e: {  	[tilespmem:s18], [sflag:$0x1] =	stream.indirect.gather [hbm4b:s4+s17], $0x80, s31, s17, $0xb8;
	[tilespmem:$0x1E400] =	vst v63  }
0x2f: {  	_ =	swait.ge [sflag:s22], $0x4000  }
0x30: {  	[sflag:s22] =	ssyncset.done $0x0  }
0x31: {  	s28 =	simm.s32 $0x13D80;
	s26 =	simm.s32 $0x400;
	[sflag:s22] =	ssyncadd.s32 $0xFFFFC000  }
.LBB2_2:
0x32: {  	[tilespmem:s20], [sflag:$0x1] =	stream.indirect.gather [hbm4b:s4+s17], $0x80, s28, s17, $0xb8;
	[tilespmem:$0x1E400] =	vst v63  }
0x33: {  	s28 =	smov.u32 s26  }
0x34: {  	p0 =	sne.s32 s26, $0x4800;
	s26 =	sadd.s32 $0x400, s26;
	_ =	swait.ge [sflag:s21], $0x4000  }
0x35: {  	s28 =	sshra.s32 s28, $0x2;
	[sflag:s21] =	ssyncset.done $0x0  }
0x36: {  	s29 =	sadd.s32 $0x15000, s28;
	[sflag:s21] =	ssyncadd.s32 $0xFFFFC000  }
0x37: {  	[spmem:s1] =	stream.indirect.scatter.add.f32 [tilespmem:s18], [sflag:$0x2], $0x80, s29, s17, $0xb8;
	[tilespmem:$0x1E400] =	vst v63  }
0x38: {  	_ =	swait.ge [sflag:s21], $0x4000  }
0x39: {  	[sflag:s21] =	ssyncset.done $0x0  }
0x3a: {  	s29 =	sadd.s32 $0x15080, s28;
	[sflag:s21] =	ssyncadd.s32 $0xFFFFC000  }
0x3b: {  	[spmem:s1] =	stream.indirect.scatter.add.f32 [tilespmem:s20], [sflag:$0x2], $0x80, s29, s17, $0xb8;
	[tilespmem:$0x1E400] =	vst v63  }
0x3c: {  	_ =	swait.ge [sflag:s22], $0x4000  }
0x3d: {  	[sflag:s22] =	ssyncset.done $0x0  }
.Ltmp0:
0x3e: {  	s29 =	sadd.s32 $0x13D00, s28;
	[sflag:s22] =	ssyncadd.s32 $0xFFFFC000;
	(pc) =	sbr.rel @p0 .LBB2_2-.Ltmp0, $4  }
0x3f: {  	[tilespmem:s18], [sflag:$0x1] =	stream.indirect.gather [hbm4b:s4+s17], $0x80, s29, s17, $0xb8;
	[tilespmem:$0x1E400] =	vst v63  }
0x40: {  	_ =	swait.ge [sflag:s22], $0x4000  }
0x41: {  	[sflag:s22] =	ssyncset.done $0x0  }
0x42: {  	s28 =	sadd.s32 $0x13D80, s28;
	[sflag:s22] =	ssyncadd.s32 $0xFFFFC000  }
0x43: {  	[tilespmem:s20], [sflag:$0x1] =	stream.indirect.gather [hbm4b:s4+s17], $0x80, s28, s17, $0xb8;
	[tilespmem:$0x1E400] =	vst v63  }
0x44: {  	_ =	swait.ge [sflag:s21], $0x4000  }
0x45: {  	[sflag:s21] =	ssyncset.done $0x0  }
0x46: {  	[sflag:s21] =	ssyncadd.s32 $0xFFFFC000  }
0x47: {  	[spmem:s1] =	stream.indirect.scatter.add.f32 [tilespmem:s18], [sflag:$0x2], $0x80, s23, s17, $0xb8;
	[tilespmem:$0x1E400] =	vst v63  }
0x48: {  	_ =	swait.ge [sflag:s21], $0x4000  }
0x49: {  	[sflag:s21] =	ssyncset.done $0x0  }
0x4a: {  	[sflag:s21] =	ssyncadd.s32 $0xFFFFC000  }
0x4b: {  	[spmem:s1] =	stream.indirect.scatter.add.f32 [tilespmem:s20], [sflag:$0x2], $0x80, s24, s17, $0xb8;
	[tilespmem:$0x1E400] =	vst v63  }
0x4c: {  	_ =	swait.ge [sflag:s22], $0x4000  }
0x4d: {  	[sflag:s22] =	ssyncset.done $0x0  }
0x4e: {  	[sflag:s22] =	ssyncadd.s32 $0xFFFFC000  }
0x4f: {  	_ =	swait.ge [sflag:s22], $0x4000  }
0x50: {  	[sflag:s22] =	ssyncset.done $0x0  }
0x51: {  	s26 =	simm.s32 $0x0;
	[sflag:s22] =	ssyncadd.s32 $0xFFFFC000  }
0x52: {  	[tilespmem:s15], [sflag:$0x3] =	stream.linear.gather [hbm4b:s9+s26], $0x1400, $0x38;
	[tilespmem:$0x1E400] =	vst v63  }
0x53: {  	_ =	swait.ge [sflag:s14], $0x1400  }
0x54: {  	[sflag:s14] =	ssyncset.done $0x0  }
0x55: {  	[sflag:s14] =	ssyncadd.s32 $0xFFFFEC00  }
0x56: {  	[tilespmem:s16], [sflag:$0x3] =	stream.linear.gather [hbm4b:s10+s26], $0x1400, $0x38;
	[tilespmem:$0x1E400] =	vst v63  }
0x57: {  	_ =	swait.ge [sflag:s14], $0x1400  }
0x58: {  	[sflag:s14] =	ssyncset.done $0x0  }
0x59: {  	[sflag:s14] =	ssyncadd.s32 $0xFFFFEC00  }
0x5a: {  	[tilespmem:s18], [sflag:$0x1] =	stream.indirect.gather [hbm4b:s4+s17], $0x80, s15, s17, $0xb8;
	[tilespmem:$0x1E400] =	vst v63  }
0x5b: {  	_ = 	snop  }
0x5c: {  	[tilespmem:s20], [sflag:$0x1] =	stream.indirect.gather [hbm4b:s4+s17], $0x80, s19, s17, $0xb8;
	[tilespmem:$0x1E400] =	vst v63  }
0x5d: {  	_ =	swait.ge [sflag:s21], $0x4000  }
0x5e: {  	[sflag:s21] =	ssyncset.done $0x0  }
0x5f: {  	s29 =	simm.s32 $0x15000;
	[sflag:s21] =	ssyncadd.s32 $0xFFFFC000  }
0x60: {  	[spmem:s1] =	stream.indirect.scatter.add.f32 [tilespmem:s18], [sflag:$0x2], $0x80, s29, s17, $0xb8;
	[tilespmem:$0x1E400] =	vst v63  }
0x61: {  	_ =	swait.ge [sflag:s21], $0x4000  }
0x62: {  	[sflag:s21] =	ssyncset.done $0x0  }
0x63: {  	s30 =	simm.s32 $0x15080;
	[sflag:s21] =	ssyncadd.s32 $0xFFFFC000  }
0x64: {  	[spmem:s1] =	stream.indirect.scatter.add.f32 [tilespmem:s20], [sflag:$0x2], $0x80, s30, s17, $0xb8;
	[tilespmem:$0x1E400] =	vst v63  }
0x65: {  	_ =	swait.ge [sflag:s22], $0x4000  }
0x66: {  	[sflag:s22] =	ssyncset.done $0x0  }
0x67: {  	s31 =	simm.s32 $0x13D00;
	[sflag:s22] =	ssyncadd.s32 $0xFFFFC000  }
0x68: {  	[tilespmem:s18], [sflag:$0x1] =	stream.indirect.gather [hbm4b:s4+s17], $0x80, s31, s17, $0xb8;
	[tilespmem:$0x1E400] =	vst v63  }
0x69: {  	_ =	swait.ge [sflag:s22], $0x4000  }
0x6a: {  	[sflag:s22] =	ssyncset.done $0x0  }
0x6b: {  	s28 =	simm.s32 $0x13D80;
	s26 =	simm.s32 $0x400;
	[sflag:s22] =	ssyncadd.s32 $0xFFFFC000  }
.LBB2_4:
0x6c: {  	[tilespmem:s20], [sflag:$0x1] =	stream.indirect.gather [hbm4b:s4+s17], $0x80, s28, s17, $0xb8;
	[tilespmem:$0x1E400] =	vst v63  }
0x6d: {  	s28 =	smov.u32 s26  }
0x6e: {  	p0 =	sne.s32 s26, $0x4800;
	s26 =	sadd.s32 $0x400, s26;
	_ =	swait.ge [sflag:s21], $0x4000  }
0x6f: {  	s28 =	sshra.s32 s28, $0x2;
	[sflag:s21] =	ssyncset.done $0x0  }
0x70: {  	s29 =	sadd.s32 $0x15000, s28;
	[sflag:s21] =	ssyncadd.s32 $0xFFFFC000  }
0x71: {  	[spmem:s1] =	stream.indirect.scatter.add.f32 [tilespmem:s18], [sflag:$0x2], $0x80, s29, s17, $0xb8;
	[tilespmem:$0x1E400] =	vst v63  }
0x72: {  	_ =	swait.ge [sflag:s21], $0x4000  }
0x73: {  	[sflag:s21] =	ssyncset.done $0x0  }
0x74: {  	s29 =	sadd.s32 $0x15080, s28;
	[sflag:s21] =	ssyncadd.s32 $0xFFFFC000  }
0x75: {  	[spmem:s1] =	stream.indirect.scatter.add.f32 [tilespmem:s20], [sflag:$0x2], $0x80, s29, s17, $0xb8;
	[tilespmem:$0x1E400] =	vst v63  }
0x76: {  	_ =	swait.ge [sflag:s22], $0x4000  }
0x77: {  	[sflag:s22] =	ssyncset.done $0x0  }
.Ltmp1:
0x78: {  	s29 =	sadd.s32 $0x13D00, s28;
	[sflag:s22] =	ssyncadd.s32 $0xFFFFC000;
	(pc) =	sbr.rel @p0 .LBB2_4-.Ltmp1, $4  }
0x79: {  	[tilespmem:s18], [sflag:$0x1] =	stream.indirect.gather [hbm4b:s4+s17], $0x80, s29, s17, $0xb8;
	[tilespmem:$0x1E400] =	vst v63  }
0x7a: {  	_ =	swait.ge [sflag:s22], $0x4000  }
0x7b: {  	[sflag:s22] =	ssyncset.done $0x0  }
0x7c: {  	s28 =	sadd.s32 $0x13D80, s28;
	[sflag:s22] =	ssyncadd.s32 $0xFFFFC000  }
0x7d: {  	[tilespmem:s20], [sflag:$0x1] =	stream.indirect.gather [hbm4b:s4+s17], $0x80, s28, s17, $0xb8;
	[tilespmem:$0x1E400] =	vst v63  }
0x7e: {  	_ =	swait.ge [sflag:s21], $0x4000  }
0x7f: {  	[sflag:s21] =	ssyncset.done $0x0  }
0x80: {  	[sflag:s21] =	ssyncadd.s32 $0xFFFFC000  }
0x81: {  	[spmem:s1] =	stream.indirect.scatter.add.f32 [tilespmem:s18], [sflag:$0x2], $0x80, s23, s17, $0xb8;
	[tilespmem:$0x1E400] =	vst v63  }
0x82: {  	_ =	swait.ge [sflag:s21], $0x4000  }
0x83: {  	[sflag:s21] =	ssyncset.done $0x0  }
0x84: {  	[sflag:s21] =	ssyncadd.s32 $0xFFFFC000  }
0x85: {  	[spmem:s1] =	stream.indirect.scatter.add.f32 [tilespmem:s20], [sflag:$0x2], $0x80, s24, s17, $0xb8;
	[tilespmem:$0x1E400] =	vst v63  }
0x86: {  	_ =	swait.ge [sflag:s22], $0x4000  }
0x87: {  	[sflag:s22] =	ssyncset.done $0x0  }
0x88: {  	[sflag:s22] =	ssyncadd.s32 $0xFFFFC000  }
0x89: {  	_ =	swait.ge [sflag:s22], $0x4000  }
0x8a: {  	s25 =	sadd.s32 $0x1, s25;
	[sflag:s22] =	ssyncset.done $0x0  }
0x8b: {  	p0 =	sne.s32 s25, s11;
	[sflag:s22] =	ssyncadd.s32 $0xFFFFC000  }
.Ltmp2:
0x8c: {  	[bflag:$0x0] =	sbarrier.arrive $0xFFFF;
	(pc) =	sbr.rel @p0 .LBB2_1-.Ltmp2, $4  }
0x8d: {  	[hbm:s12], [sflag:s6] =	dma.local [spmem:s13], $0x2780  }
0x8e: {  	_ =	swait.ge [sflag:s14], $0x2780  }
0x8f: {  	[sflag:s14] =	ssyncset.done $0x0  }
0x90: {  	[sflag:s14] =	ssyncadd.s32 $0xFFFFD880  }
0x91: {  	_ =	sfence.sel $0x180000  }
0x92: {  	[bflag:$0x0] =	sbarrier.arrive $0xFFFF  }
0x93: {  	p0 =	sne.s32 s2, $0x0;
	_ =	strace $0x9000004A  }
0x94: {  	s0 =	sadd.s32 @!p0 $0x100000, s0;
	[bflag:$0x2] =	sbarrier.arrive $0xFFFF  }
0x95: {  	[sflag:s0] =	ssyncadd.tile.s32 @!p0 $0x1;
	_ =	shalt  }
.Lfunc_end2:
_tile_overlayer_lowered:
.L_overlay_start_2:
0x96: {  	(tag) =	ssettag $0x2  }
0x97: {  	s0 =	rddreg [dreg:$0x0];
	s2 =	stileid.u32  }
0x98: {  	s1 =	rddreg [dreg:$0x1];
	p0 =	sne.s32 s2, $0x0  }
0x99: {  	s3 =	rddreg [dreg:$0x2];
	[bflag:$0x3] =	sbarrier.arrive $0xFFFF;
	s2 =	simm.s32 @!p0 $0x1C03  }
0x9a: {  	[timem:s3], [sflag:s2] =	dma.local @!p0 [hbm:s0], s1  }
0x9b: {  	s0 =	simm.s32 @!p0 $0x3  }
0x9c: {  	_ =	swait.ge @!p0 [sflag:s0], s1  }
0x9d: {  	s1 =	ssub.s32 @!p0 $0x0, s1;
	[sflag:s0] =	ssyncset.done @!p0 $0x0  }
0x9e: {  	[sflag:s0] =	ssyncadd.s32 @!p0 s1  }
0x9f: {  	[bflag:$0x3] =	sbarrier.arrive $0xFFFF  }
0xa0: {  	_ =	shalt  }

// kernel: kernel.18.cloned.1.call-start
scs
__scs_entry_jumppad:
0x0: {  	(pc) =	sbr.rel $0x88, $3  }
0x1: {  	(tag) =	ssettag $0x0;
	lr =	simm.s32 $0x1  }
0x2: {  	[smem:$0x3F8A] =	sst lr;
	_ =	strace $0xD0000000  }
0x3: {  	_ = 	snop  }
0x4: {  	_ = 	snop  }
0x5: {  	_ = 	snop  }
0x6: {  	_ = 	snop  }
0x7: {  	_ = 	snop  }
__scs_overlays_trampoline_lowered:
0x8: {  	[smem:$0x3F99] =	sst s0  }
0x9: {  	[smem:$0x3F9A] =	sst s1  }
0xa: {  	[smem:$0x3F9B] =	sst s2  }
0xb: {  	[smem:$0x3F9C] =	sst s3  }
0xc: {  	[smem:$0x3F9D] =	sst s4  }
0xd: {  	[smem:$0x3F9E] =	sst s5  }
0xe: {  	[smem:$0x3F9F] =	sst s6  }
0xf: {  	[smem:$0x3FA0] =	sst s7  }
0x10: {  	[smem:$0x3FA1] =	sst s8  }
0x11: {  	[smem:$0x3FA2] =	sst s9;
	s0 =	simm.s32 @!p0 $0x0  }
0x12: {  	s1 =	sld [smem:$0x3F88];
	s0 =	simm.s32 @p0 $0x1  }
0x13: {  	[smem:$0x3FA3] =	sst s0;
	s0 =	simm.s32 @!p1 $0x0  }
0x14: {  	s2 =	sld [smem:$0x3F87];
	s0 =	simm.s32 @p1 $0x1  }
0x15: {  	[smem:$0x3FA4] =	sst s0;
	s0 =	simm.s32 @!p2 $0x0  }
0x16: {  	s3 =	sld [smem:$0x3FDB];
	s0 =	simm.s32 @p2 $0x1  }
0x17: {  	s4 =	simm.s32 $0x1BF5;
	[smem:$0x3FA6] =	sst s0  }
0x18: {  	s0 =	sld [smem:$0x3F89];
	_ =	swait.ge [sflag:s4], $0x0  }
0x19: {  	s7 =	sld [smem:$0x3F8A]  }
0x1a: {  	s8 =	sadd.s32 $0xFFFFE003, lr  }
0x1b: {  	s9 =	sadd.s32 $0xFFFFFEF7, lr;
	s5 =	simm.s32 $0xFFFFFFFF;
	p2 =	slt.u32 s8, $0xFFFFF086  }
0x1c: {  	p1 =	slt.u32 s9, $0xF7A;
	s5 =	simm.s32 @!p2 $0x0  }
0x1d: {  	s5 =	simm.s32 @p1 $0x1;
	p0 =	seq.s32 s7, s2  }
0x1e: {  	s7 =	smul.u32 @!p0 $0xF7A, s2;
	p2 =	seq.s32 @!p0 s5, $0x0  }
0x1f: {  	s9 =	smul.u32 $0xF7A, s1;
	s8 =	simm.s32 @!p0 $0x1BF5;
	p2 =	por !p2, p0  }
0x20: {  	[sflag:s8] =	ssyncset.s32 @!p0 $0xFFFFF086;
	s6 =	sadd.s32 @!p0 s3, s7;
	s7 =	simm.s32 @!p0 $0x108  }
0x21: {  	s3 =	sadd.s32 s3, s9;
	s6 =	sadd.s32 @!p0 $0x88, s6;
	s7 =	simm.s32 @p2 $0x1082  }
0x22: {  	[simem:s7], [sflag:s8] =	dma.local @!p0 [hbm:s6], $0xF7A  }
0x23: {  	s9 =	sor.u32 $0xD0000000, s2;
	s6 =	simm.s32 $0x108;
	_ =	swait.ge @!p0 [sflag:s8], $0x0  }
0x24: {  	s3 =	sadd.s32 $0x88, s3;
	s6 =	simm.s32 @!p1 $0x1082;
	[sflag:s4] =	ssyncset.s32 $0xFFFFF086  }
0x25: {  	[simem:s6], [sflag:s4] =	dma.local [hbm:s3], $0xF7A  }
0x26: {  	[smem:$0x3F8A] =	sst s1;
	(tag) =	ssettag s2;
	_ =	strace s9  }
0x27: {  	s1 =	sld [smem:$0x3F9A]  }
0x28: {  	s2 =	sld [smem:$0x3F9B]  }
0x29: {  	s4 =	sld [smem:$0x3F9D]  }
0x2a: {  	p0 =	seq.s32 s5, $0x0;
	s5 =	sld [smem:$0x3F9E]  }
0x2b: {  	s6 =	sld [smem:$0x3F9F]  }
0x2c: {  	s7 =	sld [smem:$0x3FA0]  }
0x2d: {  	s3 =	simm.s32 $0x108;
	s8 =	sld [smem:$0x3FA1]  }
0x2e: {  	s3 =	simm.s32 @!p0 $0x1082;
	s9 =	sld [smem:$0x3FA2]  }
0x2f: {  	lr =	sadd.s32 s0, s3;
	s0 =	sld [smem:$0x3F99]  }
0x30: {  	s3 =	sld [smem:$0x3F9C]  }
0x31: {  	[smem:$0x3FA5] =	sst s10  }
0x32: {  	s10 =	sld [smem:$0x3FA3];
	_ =	sdelay $0x3  }
0x33: {  	p0 =	seq.s32 s10, $0x1;
	s10 =	sld [smem:$0x3FA5];
	_ =	sdelay $0x3  }
0x34: {  	[smem:$0x3FA5] =	sst s10  }
0x35: {  	s10 =	sld [smem:$0x3FA4];
	_ =	sdelay $0x3  }
0x36: {  	p1 =	seq.s32 s10, $0x1;
	s10 =	sld [smem:$0x3FA5];
	_ =	sdelay $0x3  }
0x37: {  	[smem:$0x3FA5] =	sst s10  }
0x38: {  	s10 =	sld [smem:$0x3FA6]  }
0x39: {  	_ = 	snop;
	(pc) =	sbr.ind lr, $3  }
0x3a: {  	_ = 	snop  }
0x3b: {  	_ = 	snop  }
0x3c: {  	p2 =	seq.s32 s10, $0x1;
	s10 =	sld [smem:$0x3FA5]  }
0x3d: {  	_ =	shalt  }
0x3e: {  	_ =	shalt  }
0x3f: {  	_ =	shalt  }
0x40: {  	_ =	shalt  }
0x41: {  	_ =	shalt  }
0x42: {  	_ =	shalt  }
0x43: {  	_ =	shalt  }
0x44: {  	_ =	shalt  }
0x45: {  	_ =	shalt  }
0x46: {  	_ =	shalt  }
0x47: {  	_ =	shalt  }
0x48: {  	_ =	shalt  }
0x49: {  	_ =	shalt  }
0x4a: {  	_ =	shalt  }
0x4b: {  	_ =	shalt  }
0x4c: {  	_ =	shalt  }
0x4d: {  	_ =	shalt  }
0x4e: {  	_ =	shalt  }
0x4f: {  	_ =	shalt  }
0x50: {  	_ =	shalt  }
0x51: {  	_ =	shalt  }
0x52: {  	_ =	shalt  }
0x53: {  	_ =	shalt  }
0x54: {  	_ =	shalt  }
0x55: {  	_ =	shalt  }
0x56: {  	_ =	shalt  }
0x57: {  	_ =	shalt  }
0x58: {  	_ =	shalt  }
0x59: {  	_ =	shalt  }
0x5a: {  	_ =	shalt  }
0x5b: {  	_ =	shalt  }
0x5c: {  	_ =	shalt  }
0x5d: {  	_ =	shalt  }
0x5e: {  	_ =	shalt  }
0x5f: {  	_ =	shalt  }
0x60: {  	_ =	shalt  }
0x61: {  	_ =	shalt  }
0x62: {  	_ =	shalt  }
0x63: {  	_ =	shalt  }
0x64: {  	_ =	shalt  }
0x65: {  	_ =	shalt  }
0x66: {  	_ =	shalt  }
0x67: {  	_ =	shalt  }
0x68: {  	_ =	shalt  }
0x69: {  	_ =	shalt  }
0x6a: {  	_ =	shalt  }
0x6b: {  	_ =	shalt  }
0x6c: {  	_ =	shalt  }
0x6d: {  	_ =	shalt  }
0x6e: {  	_ =	shalt  }
0x6f: {  	_ =	shalt  }
0x70: {  	_ =	shalt  }
0x71: {  	_ =	shalt  }
0x72: {  	_ =	shalt  }
0x73: {  	_ =	shalt  }
0x74: {  	_ =	shalt  }
0x75: {  	_ =	shalt  }
0x76: {  	_ =	shalt  }
0x77: {  	_ =	shalt  }
0x78: {  	_ =	shalt  }
0x79: {  	_ =	shalt  }
0x7a: {  	_ =	shalt  }
0x7b: {  	_ =	shalt  }
0x7c: {  	_ =	shalt  }
0x7d: {  	_ =	shalt  }
0x7e: {  	_ =	shalt  }
0x7f: {  	_ =	shalt  }
0x80: {  	_ =	shalt  }
0x81: {  	_ =	shalt  }
0x82: {  	_ =	shalt  }
0x83: {  	_ =	shalt  }
0x84: {  	_ =	shalt  }
0x85: {  	_ =	shalt  }
0x86: {  	_ =	shalt  }
0x87: {  	_ =	shalt  }
.Lfunc_end0:
.L_simem_size_0:
called_computation.2_lowered:
.L_overlay_start_0:
0x88: {  	s2 =	sld [smem:$0x3FD9]  }
0x89: {  	s3 =	sld [smem:$0x3FFE];
	_ =	sdelay $0x1  }
0x8a: {  	s1 =	srdreg.scid  }
0x8b: {  	s0 =	sand.u32 $0x1, s1  }
0x8c: {  	s16 =	sshll.u32 s0, $0xA;
	s2 =	sadd.s32 s3, s2  }
0x8d: {  	s2 =	sadd.s32 s2, s16  }
0x8e: {  	[smem:$0x3FB1] =	sst s2  }
0x8f: {  	_ = 	snop  }
0x90: {  	(tm) =	ssettm $0x1  }
0x91: {  	s17 =	sld [smem:$0x3FFB];
	_ =	sdelay $0x3  }
0x92: {  	_ =	strace s17  }
0x93: {  	s2 =	sld [smem:$0x3FFC];
	_ =	sdelay $0x3  }
0x94: {  	_ =	strace s2  }
0x95: {  	s2 =	sld [smem:$0x3FFD];
	_ =	sdelay $0x3  }
0x96: {  	_ =	strace s2  }
0x97: {  	_ =	strace $0x8FFFFFFF  }
0x98: {  	s18 =	sld [smem:$0x3FDB];
	_ =	sdelay $0x1  }
0x99: {  	s19 =	simm.s32 $_scs_section_size  }
0x9a: {  	s4 =	simm.s32 $_size__tile_overlayer_lowered;
	s5 =	simm.s32 $_tile_overlayer_lowered  }
0x9b: {  	s22 =	simm.s32 $0x1BFF;
	s21 =	sshll.u32 s5, $0x1;
	s2 =	sadd.s32 s19, s18  }
0x9c: {  	s6 =	simm.s32 $0x0;
	s20 =	sshll.u32 s4, $0x1;
	s4 =	sadd.s32 s21, s2  }
0x9d: {  	[timem:s6], [sflag:s22] =	dma.local [hbm:s4], s20  }
0x9e: {  	_ =	swait.ge [sflag:s22], s20  }
0x9f: {  	s3 =	ssub.s32 $0x0, s20;
	[sflag:s22] =	ssyncset.done $0x0  }
0xa0: {  	[sflag:s22] =	ssyncadd.s32 s3;
	_ =	sdelay $0x1  }
0xa1: {  	s23 =	simm.s32 $0x1B8B  }
0xa2: {  	_ =	swait.ge [sflag:s23], $0x1  }
0xa3: {  	[sflag:s23] =	ssyncset.done $0x0  }
0xa4: {  	s25 =	simm.s32 $0x1B8E;
	s24 =	sld [smem:$0x3FFE];
	[sflag:s23] =	ssyncadd.s32 $0xFFFFFFFF  }
0xa5: {  	s26 =	simm.s32 $execute0_lowered;
	[smem:$0x3FD2] =	sst s25  }
0xa6: {  	s4 =	sshll.u32 s26, $0x1;
	_ =	strace $0x8000004C;
	[dreg:$0x1] =	wrdreg $0xFFFFFFFF  }
0xa7: {  	s28 =	simm.s32 $_size_execute0_lowered;
	s2 =	sadd.s32 s2, s4;
	[dreg:$0x0] =	wrdreg $0x0  }
0xa8: {  	s4 =	sshll.u32 s28, $0x1;
	[dreg:$0x2] =	wrdreg s2  }
0xa9: {  	[dreg:$0x3] =	wrdreg s4  }
0xaa: {  	[dreg:$0x4] =	wrdreg $0xC0  }
0xab: {  	_ =	task [dreg:s6], $0x5FFFF  }
0xac: {  	[dreg:$0x1] =	wrdreg $0xFFFFFFFF  }
0xad: {  	[dreg:$0x0] =	wrdreg $0x60  }
0xae: {  	[dreg:$0x2] =	wrdreg s24  }
0xaf: {  	[dreg:$0x3] =	wrdreg $0x0  }
0xb0: {  	[dreg:$0x4] =	wrdreg $0x9  }
0xb1: {  	_ =	task.clear_ibuf [dreg:s6], $0x5FFFF;
	_ =	strace $0x9000004C  }
0xb2: {  	s29 =	simm.s32 $0x9;
	_ =	strace $0x8000004E  }
0xb3: {  	_ =	swait.ge [sflag:s29], $0x1  }
0xb4: {  	[sflag:s29] =	ssyncadd.s32 $0xFFFFFFFF  }
0xb5: {  	_ =	strace $0x9000004E  }
0xb6: {  	_ =	sfence  }
0xb7: {  	s30 =	sld [smem:$0x0];
	_ =	sdelay $0x2  }
0xb8: {  	s31 =	sshll.u32 s1, $0xD;
	s1 =	sshrl.u32 s1, $0x2  }
0xb9: {  	s3 =	sand.u32 $0x4000, s31;
	s1 =	sadd.s32 s1, s30  }
0xba: {  	s0 =	sor.u32 s3, s0;
	s1 =	sshll.u32 s1, $0x11  }
0xbb: {  	s0 =	sor.u32 s1, s0  }
0xbc: {  	s0 =	sadd.s32 $0x8F2B, s0  }
0xbd: {  	[sflag:s0] =	ssyncadd.remote.s32 $0x1  }
0xbe: {  	_ =	sfence.sel $0xFFFF  }
0xbf: {  	[dreg:$0x0] =	wrdreg $0xFFFFFFFF;
	(pc) =	sbr.abs _section_cstart, $3  }
0xc0: {  	[dreg:$0x1] =	wrdreg $0xFFFFFFFF  }
0xc1: {  	_ =	task.clear_ibuf [dreg:s6], $0x2FFFF;
	_ =	strace $0x9FFFFFFF  }
0xc2: {  	(tm) =	ssettm $0x7FFFFFFF  }
0xc3: {  	_ =	shalt  }
tec
execute0_lowered:
.L_overlay_start_1:
0x0: {  	(tag) =	ssettag $0x1  }
0x1: {  	s11 =	rddreg [dreg:$0x0]  }
0x2: {  	s1 =	rddreg [dreg:$0x1]  }
0x3: {  	s0 =	rddreg [dreg:$0x2];
	s3 =	simm.s32 $0x0;
	s5 =	srdreg.scid  }
0x4: {  	s2 =	stileid.u32;
	s16 =	simm.s32 $0x6B400;
	s18 =	simm.s32 $0x16400  }
0x5: {  	s19 =	simm.s32 $0x13C80;
	s20 =	simm.s32 $0x1A400;
	s21 =	simm.s32 $0x1  }
0x6: {  	s22 =	simm.s32 $0x2;
	s23 =	simm.s32 $0x16300;
	s24 =	simm.s32 $0x16380  }
0x7: {  	s25 =	simm.s32 $0x0;
	[smem:$0x7FF] =	sst s3;
	s4 =	sadd.s32 $0x1CA00, s11  }
0x8: {  	s9 =	sand.u32 $0x1, s5;
	s28 =	sshll.u32 s2, $0x1;
	s7 =	smul.u32 $0x4F000, s2  }
0x9: {  	s10 =	sadd.s32 $0x6200, s11;
	s13 =	sadd.s32 $0x10200, s11;
	s30 =	sshll.u32 s2, $0x6  }
0xa: {  	s17 =	smul.u32 $0x2780, s2;
	_ =	strace $0x8000004D;
	s6 =	ssub.s32 $0x2, s9  }
0xb: {  	s5 =	sor.u32 s9, s28;
	p0 =	seq.s32 s9, $0x1;
	s8 =	sshrl.u32 s6, $0x1  }
0xc: {  	s12 =	smul.u32 $0x2800, s5;
	s5 =	sadd.s32 $0x1A200, s11;
	s29 =	sshrl.u32 s7, $0x2  }
0xd: {  	s16 =	simm.s32 @!p0 $0x43C00;
	s14 =	ssub.s32 s6, s8;
	s15 =	sadd.s32 s29, s1  }
0xe: {  	s6 =	sor.u32 $0x1C03, s30;
	s31 =	sadd.s32 s16, s11;
	s16 =	simm.s32 $0x15000  }
0xf: {  	s12 =	sshrl.u32 s12, $0x3;
	s11 =	smax.u32 s14, $0x1;
	s14 =	simm.s32 $0x3  }
0x10: {  	s7 =	sadd.s32 s10, s12;
	s8 =	sadd.s32 s13, s12;
	s12 =	sadd.s32 $0x280, s12  }
0x11: {  	s9 =	sadd.s32 s10, s12;
	s10 =	sadd.s32 s13, s12;
	s12 =	sadd.s32 s31, s17  }
0x12: {  	s13 =	sshrl.u32 s15, $0x3;
	s15 =	simm.s32 $0x13C00;
	s17 =	simm.s32 $0x80  }
.LBB2_1:
0x13: {  	[spmem:s13], [sflag:s6] =	dma.local [hbm:s5], $0x2780  }
0x14: {  	_ =	swait.ge [sflag:s14], $0x2780  }
0x15: {  	[sflag:s14] =	ssyncset.done $0x0  }
0x16: {  	[sflag:s14] =	ssyncadd.s32 $0xFFFFD880  }
0x17: {  	[bflag:$0x0] =	sbarrier.arrive $0xFFFF  }
0x18: {  	[tilespmem:s15], [sflag:$0x3] =	stream.linear.gather [hbm4b:s7+s3], $0x1400, $0x38;
	[tilespmem:$0x1E400] =	vst v63  }
0x19: {  	_ =	swait.ge [sflag:s14], $0x1400  }
0x1a: {  	[sflag:s14] =	ssyncset.done $0x0  }
0x1b: {  	[sflag:s14] =	ssyncadd.s32 $0xFFFFEC00  }
0x1c: {  	[tilespmem:s16], [sflag:$0x3] =	stream.linear.gather [hbm4b:s8+s3], $0x1400, $0x38;
	[tilespmem:$0x1E400] =	vst v63  }
0x1d: {  	_ =	swait.ge [sflag:s14], $0x1400  }
0x1e: {  	[sflag:s14] =	ssyncset.done $0x0  }
0x1f: {  	[sflag:s14] =	ssyncadd.s32 $0xFFFFEC00  }
0x20: {  	[tilespmem:s18], [sflag:$0x1] =	stream.indirect.gather [hbm4b:s4+s17], $0x80, s15, s17, $0xb8;
	[tilespmem:$0x1E400] =	vst v63  }
0x21: {  	_ = 	snop  }
0x22: {  	[tilespmem:s20], [sflag:$0x1] =	stream.indirect.gather [hbm4b:s4+s17], $0x80, s19, s17, $0xb8;
	[tilespmem:$0x1E400] =	vst v63  }
0x23: {  	_ =	swait.ge [sflag:s21], $0x4000  }
0x24: {  	[sflag:s21] =	ssyncset.done $0x0  }
0x25: {  	s26 =	simm.s32 $0x15000;
	[sflag:s21] =	ssyncadd.s32 $0xFFFFC000  }
0x26: {  	[spmem:s1] =	stream.indirect.scatter.add.f32 [tilespmem:s18], [sflag:$0x2], $0x80, s26, s17, $0xb8;
	[tilespmem:$0x1E400] =	vst v63  }
0x27: {  	_ =	swait.ge [sflag:s21], $0x4000  }
0x28: {  	[sflag:s21] =	ssyncset.done $0x0  }
0x29: {  	s30 =	simm.s32 $0x15080;
	[sflag:s21] =	ssyncadd.s32 $0xFFFFC000  }
0x2a: {  	[spmem:s1] =	stream.indirect.scatter.add.f32 [tilespmem:s20], [sflag:$0x2], $0x80, s30, s17, $0xb8;
	[tilespmem:$0x1E400] =	vst v63  }
0x2b: {  	_ =	swait.ge [sflag:s22], $0x4000  }
0x2c: {  	[sflag:s22] =	ssyncset.done $0x0  }
0x2d: {  	s31 =	simm.s32 $0x13D00;
	[sflag:s22] =	ssyncadd.s32 $0xFFFFC000  }
0x2e: {  	[tilespmem:s18], [sflag:$0x1] =	stream.indirect.gather [hbm4b:s4+s17], $0x80, s31, s17, $0xb8;
	[tilespmem:$0x1E400] =	vst v63  }
0x2f: {  	_ =	swait.ge [sflag:s22], $0x4000  }
0x30: {  	[sflag:s22] =	ssyncset.done $0x0  }
0x31: {  	s28 =	simm.s32 $0x13D80;
	s26 =	simm.s32 $0x400;
	[sflag:s22] =	ssyncadd.s32 $0xFFFFC000  }
.LBB2_2:
0x32: {  	[tilespmem:s20], [sflag:$0x1] =	stream.indirect.gather [hbm4b:s4+s17], $0x80, s28, s17, $0xb8;
	[tilespmem:$0x1E400] =	vst v63  }
0x33: {  	s28 =	smov.u32 s26  }
0x34: {  	p0 =	sne.s32 s26, $0x4800;
	s26 =	sadd.s32 $0x400, s26;
	_ =	swait.ge [sflag:s21], $0x4000  }
0x35: {  	s28 =	sshra.s32 s28, $0x2;
	[sflag:s21] =	ssyncset.done $0x0  }
0x36: {  	s29 =	sadd.s32 $0x15000, s28;
	[sflag:s21] =	ssyncadd.s32 $0xFFFFC000  }
0x37: {  	[spmem:s1] =	stream.indirect.scatter.add.f32 [tilespmem:s18], [sflag:$0x2], $0x80, s29, s17, $0xb8;
	[tilespmem:$0x1E400] =	vst v63  }
0x38: {  	_ =	swait.ge [sflag:s21], $0x4000  }
0x39: {  	[sflag:s21] =	ssyncset.done $0x0  }
0x3a: {  	s29 =	sadd.s32 $0x15080, s28;
	[sflag:s21] =	ssyncadd.s32 $0xFFFFC000  }
0x3b: {  	[spmem:s1] =	stream.indirect.scatter.add.f32 [tilespmem:s20], [sflag:$0x2], $0x80, s29, s17, $0xb8;
	[tilespmem:$0x1E400] =	vst v63  }
0x3c: {  	_ =	swait.ge [sflag:s22], $0x4000  }
0x3d: {  	[sflag:s22] =	ssyncset.done $0x0  }
.Ltmp0:
0x3e: {  	s29 =	sadd.s32 $0x13D00, s28;
	[sflag:s22] =	ssyncadd.s32 $0xFFFFC000;
	(pc) =	sbr.rel @p0 .LBB2_2-.Ltmp0, $4  }
0x3f: {  	[tilespmem:s18], [sflag:$0x1] =	stream.indirect.gather [hbm4b:s4+s17], $0x80, s29, s17, $0xb8;
	[tilespmem:$0x1E400] =	vst v63  }
0x40: {  	_ =	swait.ge [sflag:s22], $0x4000  }
0x41: {  	[sflag:s22] =	ssyncset.done $0x0  }
0x42: {  	s28 =	sadd.s32 $0x13D80, s28;
	[sflag:s22] =	ssyncadd.s32 $0xFFFFC000  }
0x43: {  	[tilespmem:s20], [sflag:$0x1] =	stream.indirect.gather [hbm4b:s4+s17], $0x80, s28, s17, $0xb8;
	[tilespmem:$0x1E400] =	vst v63  }
0x44: {  	_ =	swait.ge [sflag:s21], $0x4000  }
0x45: {  	[sflag:s21] =	ssyncset.done $0x0  }
0x46: {  	[sflag:s21] =	ssyncadd.s32 $0xFFFFC000  }
0x47: {  	[spmem:s1] =	stream.indirect.scatter.add.f32 [tilespmem:s18], [sflag:$0x2], $0x80, s23, s17, $0xb8;
	[tilespmem:$0x1E400] =	vst v63  }
0x48: {  	_ =	swait.ge [sflag:s21], $0x4000  }
0x49: {  	[sflag:s21] =	ssyncset.done $0x0  }
0x4a: {  	[sflag:s21] =	ssyncadd.s32 $0xFFFFC000  }
0x4b: {  	[spmem:s1] =	stream.indirect.scatter.add.f32 [tilespmem:s20], [sflag:$0x2], $0x80, s24, s17, $0xb8;
	[tilespmem:$0x1E400] =	vst v63  }
0x4c: {  	_ =	swait.ge [sflag:s22], $0x4000  }
0x4d: {  	[sflag:s22] =	ssyncset.done $0x0  }
0x4e: {  	[sflag:s22] =	ssyncadd.s32 $0xFFFFC000  }
0x4f: {  	_ =	swait.ge [sflag:s22], $0x4000  }
0x50: {  	[sflag:s22] =	ssyncset.done $0x0  }
0x51: {  	s26 =	simm.s32 $0x0;
	[sflag:s22] =	ssyncadd.s32 $0xFFFFC000  }
0x52: {  	[tilespmem:s15], [sflag:$0x3] =	stream.linear.gather [hbm4b:s9+s26], $0x1400, $0x38;
	[tilespmem:$0x1E400] =	vst v63  }
0x53: {  	_ =	swait.ge [sflag:s14], $0x1400  }
0x54: {  	[sflag:s14] =	ssyncset.done $0x0  }
0x55: {  	[sflag:s14] =	ssyncadd.s32 $0xFFFFEC00  }
0x56: {  	[tilespmem:s16], [sflag:$0x3] =	stream.linear.gather [hbm4b:s10+s26], $0x1400, $0x38;
	[tilespmem:$0x1E400] =	vst v63  }
0x57: {  	_ =	swait.ge [sflag:s14], $0x1400  }
0x58: {  	[sflag:s14] =	ssyncset.done $0x0  }
0x59: {  	[sflag:s14] =	ssyncadd.s32 $0xFFFFEC00  }
0x5a: {  	[tilespmem:s18], [sflag:$0x1] =	stream.indirect.gather [hbm4b:s4+s17], $0x80, s15, s17, $0xb8;
	[tilespmem:$0x1E400] =	vst v63  }
0x5b: {  	_ = 	snop  }
0x5c: {  	[tilespmem:s20], [sflag:$0x1] =	stream.indirect.gather [hbm4b:s4+s17], $0x80, s19, s17, $0xb8;
	[tilespmem:$0x1E400] =	vst v63  }
0x5d: {  	_ =	swait.ge [sflag:s21], $0x4000  }
0x5e: {  	[sflag:s21] =	ssyncset.done $0x0  }
0x5f: {  	s29 =	simm.s32 $0x15000;
	[sflag:s21] =	ssyncadd.s32 $0xFFFFC000  }
0x60: {  	[spmem:s1] =	stream.indirect.scatter.add.f32 [tilespmem:s18], [sflag:$0x2], $0x80, s29, s17, $0xb8;
	[tilespmem:$0x1E400] =	vst v63  }
0x61: {  	_ =	swait.ge [sflag:s21], $0x4000  }
0x62: {  	[sflag:s21] =	ssyncset.done $0x0  }
0x63: {  	s30 =	simm.s32 $0x15080;
	[sflag:s21] =	ssyncadd.s32 $0xFFFFC000  }
0x64: {  	[spmem:s1] =	stream.indirect.scatter.add.f32 [tilespmem:s20], [sflag:$0x2], $0x80, s30, s17, $0xb8;
	[tilespmem:$0x1E400] =	vst v63  }
0x65: {  	_ =	swait.ge [sflag:s22], $0x4000  }
0x66: {  	[sflag:s22] =	ssyncset.done $0x0  }
0x67: {  	s31 =	simm.s32 $0x13D00;
	[sflag:s22] =	ssyncadd.s32 $0xFFFFC000  }
0x68: {  	[tilespmem:s18], [sflag:$0x1] =	stream.indirect.gather [hbm4b:s4+s17], $0x80, s31, s17, $0xb8;
	[tilespmem:$0x1E400] =	vst v63  }
0x69: {  	_ =	swait.ge [sflag:s22], $0x4000  }
0x6a: {  	[sflag:s22] =	ssyncset.done $0x0  }
0x6b: {  	s28 =	simm.s32 $0x13D80;
	s26 =	simm.s32 $0x400;
	[sflag:s22] =	ssyncadd.s32 $0xFFFFC000  }
.LBB2_4:
0x6c: {  	[tilespmem:s20], [sflag:$0x1] =	stream.indirect.gather [hbm4b:s4+s17], $0x80, s28, s17, $0xb8;
	[tilespmem:$0x1E400] =	vst v63  }
0x6d: {  	s28 =	smov.u32 s26  }
0x6e: {  	p0 =	sne.s32 s26, $0x4800;
	s26 =	sadd.s32 $0x400, s26;
	_ =	swait.ge [sflag:s21], $0x4000  }
0x6f: {  	s28 =	sshra.s32 s28, $0x2;
	[sflag:s21] =	ssyncset.done $0x0  }
0x70: {  	s29 =	sadd.s32 $0x15000, s28;
	[sflag:s21] =	ssyncadd.s32 $0xFFFFC000  }
0x71: {  	[spmem:s1] =	stream.indirect.scatter.add.f32 [tilespmem:s18], [sflag:$0x2], $0x80, s29, s17, $0xb8;
	[tilespmem:$0x1E400] =	vst v63  }
0x72: {  	_ =	swait.ge [sflag:s21], $0x4000  }
0x73: {  	[sflag:s21] =	ssyncset.done $0x0  }
0x74: {  	s29 =	sadd.s32 $0x15080, s28;
	[sflag:s21] =	ssyncadd.s32 $0xFFFFC000  }
0x75: {  	[spmem:s1] =	stream.indirect.scatter.add.f32 [tilespmem:s20], [sflag:$0x2], $0x80, s29, s17, $0xb8;
	[tilespmem:$0x1E400] =	vst v63  }
0x76: {  	_ =	swait.ge [sflag:s22], $0x4000  }
0x77: {  	[sflag:s22] =	ssyncset.done $0x0  }
.Ltmp1:
0x78: {  	s29 =	sadd.s32 $0x13D00, s28;
	[sflag:s22] =	ssyncadd.s32 $0xFFFFC000;
	(pc) =	sbr.rel @p0 .LBB2_4-.Ltmp1, $4  }
0x79: {  	[tilespmem:s18], [sflag:$0x1] =	stream.indirect.gather [hbm4b:s4+s17], $0x80, s29, s17, $0xb8;
	[tilespmem:$0x1E400] =	vst v63  }
0x7a: {  	_ =	swait.ge [sflag:s22], $0x4000  }
0x7b: {  	[sflag:s22] =	ssyncset.done $0x0  }
0x7c: {  	s28 =	sadd.s32 $0x13D80, s28;
	[sflag:s22] =	ssyncadd.s32 $0xFFFFC000  }
0x7d: {  	[tilespmem:s20], [sflag:$0x1] =	stream.indirect.gather [hbm4b:s4+s17], $0x80, s28, s17, $0xb8;
	[tilespmem:$0x1E400] =	vst v63  }
0x7e: {  	_ =	swait.ge [sflag:s21], $0x4000  }
0x7f: {  	[sflag:s21] =	ssyncset.done $0x0  }
0x80: {  	[sflag:s21] =	ssyncadd.s32 $0xFFFFC000  }
0x81: {  	[spmem:s1] =	stream.indirect.scatter.add.f32 [tilespmem:s18], [sflag:$0x2], $0x80, s23, s17, $0xb8;
	[tilespmem:$0x1E400] =	vst v63  }
0x82: {  	_ =	swait.ge [sflag:s21], $0x4000  }
0x83: {  	[sflag:s21] =	ssyncset.done $0x0  }
0x84: {  	[sflag:s21] =	ssyncadd.s32 $0xFFFFC000  }
0x85: {  	[spmem:s1] =	stream.indirect.scatter.add.f32 [tilespmem:s20], [sflag:$0x2], $0x80, s24, s17, $0xb8;
	[tilespmem:$0x1E400] =	vst v63  }
0x86: {  	_ =	swait.ge [sflag:s22], $0x4000  }
0x87: {  	[sflag:s22] =	ssyncset.done $0x0  }
0x88: {  	[sflag:s22] =	ssyncadd.s32 $0xFFFFC000  }
0x89: {  	_ =	swait.ge [sflag:s22], $0x4000  }
0x8a: {  	s25 =	sadd.s32 $0x1, s25;
	[sflag:s22] =	ssyncset.done $0x0  }
0x8b: {  	p0 =	sne.s32 s25, s11;
	[sflag:s22] =	ssyncadd.s32 $0xFFFFC000  }
.Ltmp2:
0x8c: {  	[bflag:$0x0] =	sbarrier.arrive $0xFFFF;
	(pc) =	sbr.rel @p0 .LBB2_1-.Ltmp2, $4  }
0x8d: {  	[hbm:s12], [sflag:s6] =	dma.local [spmem:s13], $0x2780  }
0x8e: {  	_ =	swait.ge [sflag:s14], $0x2780  }
0x8f: {  	[sflag:s14] =	ssyncset.done $0x0  }
0x90: {  	[sflag:s14] =	ssyncadd.s32 $0xFFFFD880  }
0x91: {  	_ =	sfence.sel $0x180000  }
0x92: {  	[bflag:$0x0] =	sbarrier.arrive $0xFFFF  }
0x93: {  	p0 =	sne.s32 s2, $0x0;
	_ =	strace $0x9000004D  }
0x94: {  	s0 =	sadd.s32 @!p0 $0x100000, s0;
	[bflag:$0x2] =	sbarrier.arrive $0xFFFF  }
0x95: {  	[sflag:s0] =	ssyncadd.tile.s32 @!p0 $0x1;
	_ =	shalt  }
.Lfunc_end2:
_tile_overlayer_lowered:
.L_overlay_start_2:
0x96: {  	(tag) =	ssettag $0x2  }
0x97: {  	s0 =	rddreg [dreg:$0x0];
	s2 =	stileid.u32  }
0x98: {  	s1 =	rddreg [dreg:$0x1];
	p0 =	sne.s32 s2, $0x0  }
0x99: {  	s3 =	rddreg [dreg:$0x2];
	[bflag:$0x3] =	sbarrier.arrive $0xFFFF;
	s2 =	simm.s32 @!p0 $0x1C03  }
0x9a: {  	[timem:s3], [sflag:s2] =	dma.local @!p0 [hbm:s0], s1  }
0x9b: {  	s0 =	simm.s32 @!p0 $0x3  }
0x9c: {  	_ =	swait.ge @!p0 [sflag:s0], s1  }
0x9d: {  	s1 =	ssub.s32 @!p0 $0x0, s1;
	[sflag:s0] =	ssyncset.done @!p0 $0x0  }
0x9e: {  	[sflag:s0] =	ssyncadd.s32 @!p0 s1  }
0x9f: {  	[bflag:$0x3] =	sbarrier.arrive $0xFFFF  }
0xa0: {  	_ =	shalt  }

</sc_bundles>
